<compile_context>
chip_gen: v7x
topology: tpu7x:2x2x1
jax: 0.10.2.dev20260603
libtpu: 0.0.44.dev20260713+nightly
codegen_flags: <defaults>
</compile_context>

<pallas_src>
import functools

import jax
import jax.numpy as jnp
from jax import lax
from jax.experimental import pallas as pl
from jax.experimental.pallas import tpu as pltpu
from jax.experimental.pallas import tpu_sc as plsc

_N = 10000
_D = 128
_B = 4096
_KV = 11
_KP = 16

_info = plsc.get_sparse_core_info()
_NC = _info.num_cores
_NS = _info.num_subcores
_NW = _NC * _NS
_BW = _B // _NW
_CB = 32
_NCHUNK = _BW // _CB
_CROWS = _CB * _KV
_GL = _BW * _KV
_GLP = _GL + 8
_SROWS = 2 * _CROWS


def _agg_body(si_hbm, wa_hbm, wf_hbm, feat_hbm, out_hbm,
              si_v, wa_v, wf_v, rows_v, out_v,
              sem_r0, sem_r1, sem_w, sem_o):
    wid = lax.axis_index("s") * _NC + lax.axis_index("c")
    base = wid * _BW
    gbase = wid * _GL
    cps = pltpu.make_async_copy(
        si_hbm.at[pl.ds(gbase, _GL)], si_v.at[pl.ds(0, _GL)], sem_w)
    cpa = pltpu.make_async_copy(
        wa_hbm.at[pl.ds(gbase, _GL)], wa_v.at[pl.ds(0, _GL)], sem_w)
    cpf = pltpu.make_async_copy(
        wf_hbm.at[pl.ds(gbase, _GL)], wf_v.at[pl.ds(0, _GL)], sem_w)
    cps.start()
    cpa.start()
    cpf.start()
    cps.wait()

    def rows_copy(c, slot):
        return pltpu.make_async_copy(
            feat_hbm.at[si_v.at[pl.ds(c * _CROWS, _CROWS)]],
            rows_v.at[pl.ds(slot * _CROWS, _CROWS), :],
            sem_r0 if slot == 0 else sem_r1)

    rows_copy(0, 0).start()
    cpa.wait()
    cpf.wait()

    def out_copy(c):
        return pltpu.make_async_copy(
            out_v.at[pl.ds(c * _CB, _CB), :],
            out_hbm.at[pl.ds(base + c * _CB, _CB), :], sem_o)

    def chunk(c, carry):
        par = lax.rem(c, 2)

        @pl.when(c + 1 < _NCHUNK)
        def _():
            @pl.when(par == 0)
            def _():
                rows_copy(c + 1, 1).start()

            @pl.when(par == 1)
            def _():
                rows_copy(c + 1, 0).start()

        @pl.when(par == 0)
        def _():
            rows_copy(c, 0).wait()

        @pl.when(par == 1)
        def _():
            rows_copy(c, 1).wait()

        soff = par * _CROWS

        def one_row(j, carry2):
            b = c * _CB + j
            g = b * _KV
            w = wa_v[pl.ds(g, _KP)] + wf_v[pl.ds(g, _KP)]
            ws = [w[k] for k in range(_KV)]
            s = ws[0]
            for k in range(1, _KV):
                s = s + ws[k]
            inv_v = 1.0 / lax.broadcast(s, (_KP,))
            r = soff + j * _KV
            for d in range(_D // 16):
                acc = ws[0] * rows_v[r, pl.ds(d * 16, 16)]
                for k in range(1, _KV):
                    acc = acc + ws[k] * rows_v[r + k, pl.ds(d * 16, 16)]
                out_v[b, pl.ds(d * 16, 16)] = acc * inv_v
            return carry2

        lax.fori_loop(0, _CB, one_row, 0, unroll=2)
        out_copy(c).start()
        return carry

    lax.fori_loop(0, _NCHUNK, chunk, 0)
    for c in range(_NCHUNK):
        out_copy(c).wait()


_agg = functools.partial(
    pl.kernel,
    out_type=jax.ShapeDtypeStruct((_B, _D), jnp.float32),
    scratch_types=[
        pltpu.VMEM((_GLP,), jnp.int32),
        pltpu.VMEM((_GLP,), jnp.float32),
        pltpu.VMEM((_GLP,), jnp.float32),
        pltpu.VMEM((_SROWS, _D), jnp.float32),
        pltpu.VMEM((_BW, _D), jnp.float32),
        pltpu.SemaphoreType.DMA,
        pltpu.SemaphoreType.DMA,
        pltpu.SemaphoreType.DMA,
        pltpu.SemaphoreType.DMA,
    ],
    mesh=plsc.VectorSubcoreMesh(core_axis_name="c", subcore_axis_name="s"),
)(_agg_body)


def kernel(nodes, neighbors, adj, feat_sims, feat):
    nodes = nodes.astype(jnp.int32)
    neighbors = neighbors.astype(jnp.int32)
    samp = jnp.concatenate([neighbors, nodes[:, None]], axis=1)
    si = samp.reshape(-1)
    ri = jnp.repeat(nodes, _KV)
    idx2 = jnp.stack([ri, si], axis=-1)
    dnums = lax.GatherDimensionNumbers(
        offset_dims=(), collapsed_slice_dims=(0, 1), start_index_map=(0, 1))
    wa = lax.gather(adj, idx2, dnums, (1, 1),
                    mode=lax.GatherScatterMode.PROMISE_IN_BOUNDS)
    wf = lax.gather(feat_sims, idx2, dnums, (1, 1),
                    mode=lax.GatherScatterMode.PROMISE_IN_BOUNDS)
    return _agg(si, wa, wf, feat)

# --- scband reference (transcript-rebuilt; emitter-appended) ---
"""Pipeline reference for scband-mean-aggregator-1400159339187 (READ-ONLY COPY).

The authoritative reference and input builder live on the scoring server;
editing this copy changes nothing except your own understanding.
"""

import jax, jax.numpy as jnp
import numpy as np

N = 10000
D = 128
B = 4096
K = 10


def setup_inputs(seed: int = 0) -> dict:
    key = jax.random.key(seed)
    k1, k2, k3, k4, k5 = jax.random.split(key, 5)
    nodes = jax.random.randint(k1, (B,), 0, N)
    neighbors = jax.random.randint(k2, (B, K), 0, N)
    adj = jax.random.uniform(k3, (N, N), dtype=jnp.float32)
    feat_sims = jax.random.uniform(k4, (N, N), dtype=jnp.float32)
    feat = jax.random.normal(k5, (N, D), dtype=jnp.float32)
    return {"nodes": nodes, "neighbors": neighbors, "adj": adj,
            "feat_sims": feat_sims, "feat": feat}


def reference(nodes, neighbors, adj, feat_sims, feat):
    # samp_neighs = sampled neighbors union {self}: [B, K+1]
    samp = jnp.concatenate([neighbors, nodes[:, None]], axis=1)
    rows = nodes[:, None]  # broadcast row index per batch node
    # mask weights: 1.0*adj[row,col] + 1.0*feat_sims[row,col]  (gather from dense NxN)
    w = adj[rows, samp] + feat_sims[rows, samp]  # [B, K+1]
    # row-normalize: mask.div(num_neigh)
    num_neigh = jnp.sum(w, axis=1, keepdims=True)
    w = w / num_neigh
    # embed_matrix gather + mask.mm(embed_matrix), expressed per-row (equivalent
    # since sampled neighbor ids are treated as distinct columns of the mask)
    emb = jnp.take(feat, samp, axis=0)  # [B, K+1, D]
    to_feats = jnp.einsum('bk,bkd->bd', w, emb)
    return to_feats

if __name__ == "__main__":
    import jax
    _d = setup_inputs()
    print(jax.jit(kernel)(*tuple(_d.values())))

</pallas_src>

<mosaic_0001>
#map = affine_map<(d0, d1) -> (0)>
#map1 = affine_map<(d0, d1) -> (0, 0)>
module attributes {stable_mosaic.version = 14 : i64} {
  func.func @_agg_body(%arg0: i32, %arg1: i32, %arg2: memref<45056xi32, #tpu.memory_space<hbm>>, %arg3: memref<45056xf32, #tpu.memory_space<hbm>>, %arg4: memref<45056xf32, #tpu.memory_space<hbm>>, %arg5: memref<10000x128xf32, #tpu.memory_space<hbm>>, %arg6: memref<4096x128xf32, #tpu.memory_space<hbm>>, %arg7: memref<1416xi32, #tpu.memory_space<vmem>>, %arg8: memref<1416xf32, #tpu.memory_space<vmem>>, %arg9: memref<1416xf32, #tpu.memory_space<vmem>>, %arg10: memref<704x128xf32, #tpu.memory_space<vmem>>, %arg11: memref<128x128xf32, #tpu.memory_space<vmem>>, %arg12: memref<!tpu.dma_semaphore, #tpu.memory_space<semaphore_mem>>, %arg13: memref<!tpu.dma_semaphore, #tpu.memory_space<semaphore_mem>>, %arg14: memref<!tpu.dma_semaphore, #tpu.memory_space<semaphore_mem>>, %arg15: memref<!tpu.dma_semaphore, #tpu.memory_space<semaphore_mem>>) attributes {dimension_semantics = [#tpu.dimension_semantics<core_parallel>, #tpu.dimension_semantics<subcore_parallel>], iteration_bounds = array<i64: 2, 16>, scalar_prefetch = 0 : i64, scratch_operands = 9 : i64, tpu.core_type = #tpu.core_type<sc_vector_subcore>, window_params = [{transform_indices = #map}, {transform_indices = #map}, {transform_indices = #map}, {transform_indices = #map1}, {transform_indices = #map1}]} {
    %mul3A = arith.constant 2 : i32
    %mul3A_0 = arith.muli %arg1, %mul3A : i32
    %add3A = arith.addi %mul3A_0, %arg0 : i32
    %mul3A_1 = arith.constant 128 : i32
    %mul3A_2 = arith.muli %add3A, %mul3A_1 : i32
    %mul3A_3 = arith.constant 1408 : i32
    %mul3A_4 = arith.muli %add3A, %mul3A_3 : i32
    %dma_start3A = arith.constant 0 : i32
    %dma_start3A_5 = tpu.memref_slice %arg7[%dma_start3A] : memref<1416xi32, #tpu.memory_space<vmem>> -> memref<1408xi32, #tpu.memory_space<vmem>>
    %dma_start3A_6 = tpu.memref_slice %arg2[%mul3A_4] : memref<45056xi32, #tpu.memory_space<hbm>> -> memref<1408xi32, #tpu.memory_space<hbm>>
    %dma_start3A_7 = arith.constant 0 : i32
    %dma_start3A_8 = tpu.memref_slice %arg7[%dma_start3A_7] : memref<1416xi32, #tpu.memory_space<vmem>> -> memref<1408xi32, #tpu.memory_space<vmem>>
    %dma_start3A_9 = tpu.memref_slice %arg2[%mul3A_4] : memref<45056xi32, #tpu.memory_space<hbm>> -> memref<1408xi32, #tpu.memory_space<hbm>>
    tpu.enqueue_dma source(%dma_start3A_9 : memref<1408xi32, #tpu.memory_space<hbm>>) target(%dma_start3A_8 : memref<1408xi32, #tpu.memory_space<vmem>>) target_semaphore(%arg14 : memref<!tpu.dma_semaphore, #tpu.memory_space<semaphore_mem>>)
    %dma_start3A_10 = arith.constant 0 : i32
    %dma_start3A_11 = tpu.memref_slice %arg8[%dma_start3A_10] : memref<1416xf32, #tpu.memory_space<vmem>> -> memref<1408xf32, #tpu.memory_space<vmem>>
    %dma_start3A_12 = tpu.memref_slice %arg3[%mul3A_4] : memref<45056xf32, #tpu.memory_space<hbm>> -> memref<1408xf32, #tpu.memory_space<hbm>>
    %dma_start3A_13 = arith.constant 0 : i32
    %dma_start3A_14 = tpu.memref_slice %arg8[%dma_start3A_13] : memref<1416xf32, #tpu.memory_space<vmem>> -> memref<1408xf32, #tpu.memory_space<vmem>>
    %dma_start3A_15 = tpu.memref_slice %arg3[%mul3A_4] : memref<45056xf32, #tpu.memory_space<hbm>> -> memref<1408xf32, #tpu.memory_space<hbm>>
    tpu.enqueue_dma source(%dma_start3A_15 : memref<1408xf32, #tpu.memory_space<hbm>>) target(%dma_start3A_14 : memref<1408xf32, #tpu.memory_space<vmem>>) target_semaphore(%arg14 : memref<!tpu.dma_semaphore, #tpu.memory_space<semaphore_mem>>)
    %dma_start3A_16 = arith.constant 0 : i32
    %dma_start3A_17 = tpu.memref_slice %arg9[%dma_start3A_16] : memref<1416xf32, #tpu.memory_space<vmem>> -> memref<1408xf32, #tpu.memory_space<vmem>>
    %dma_start3A_18 = tpu.memref_slice %arg4[%mul3A_4] : memref<45056xf32, #tpu.memory_space<hbm>> -> memref<1408xf32, #tpu.memory_space<hbm>>
    %dma_start3A_19 = arith.constant 0 : i32
    %dma_start3A_20 = tpu.memref_slice %arg9[%dma_start3A_19] : memref<1416xf32, #tpu.memory_space<vmem>> -> memref<1408xf32, #tpu.memory_space<vmem>>
    %dma_start3A_21 = tpu.memref_slice %arg4[%mul3A_4] : memref<45056xf32, #tpu.memory_space<hbm>> -> memref<1408xf32, #tpu.memory_space<hbm>>
    tpu.enqueue_dma source(%dma_start3A_21 : memref<1408xf32, #tpu.memory_space<hbm>>) target(%dma_start3A_20 : memref<1408xf32, #tpu.memory_space<vmem>>) target_semaphore(%arg14 : memref<!tpu.dma_semaphore, #tpu.memory_space<semaphore_mem>>)
    %dma_wait3A = arith.constant 0 : i32
    %dma_wait3A_22 = tpu.memref_slice %arg7[%dma_wait3A] : memref<1416xi32, #tpu.memory_space<vmem>> -> memref<1408xi32, #tpu.memory_space<vmem>>
    %dma_wait3A_23 = tpu.memref_slice %arg2[%mul3A_4] : memref<45056xi32, #tpu.memory_space<hbm>> -> memref<1408xi32, #tpu.memory_space<hbm>>
    %dma_wait3A_24 = arith.constant 0 : i32
    %dma_wait3A_25 = tpu.memref_slice %arg7[%dma_wait3A_24] : memref<1416xi32, #tpu.memory_space<vmem>> -> memref<1408xi32, #tpu.memory_space<vmem>>
    %dma_wait3A_26 = tpu.memref_slice %arg2[%mul3A_4] : memref<45056xi32, #tpu.memory_space<hbm>> -> memref<1408xi32, #tpu.memory_space<hbm>>
    tpu.wait_dma2 semaphore(%arg14 : memref<!tpu.dma_semaphore, #tpu.memory_space<semaphore_mem>>) src(%dma_wait3A_26 : memref<1408xi32, #tpu.memory_space<hbm>>) dst(%dma_wait3A_25 : memref<1408xi32, #tpu.memory_space<vmem>>)
    %dma_start3A_27 = arith.constant 0 : i32
    %dma_start3A_28 = arith.constant 0 : i32
    %dma_start3A_29 = tpu.memref_slice %arg10[%dma_start3A_27, %dma_start3A_28] : memref<704x128xf32, #tpu.memory_space<vmem>> -> memref<352x128xf32, #tpu.memory_space<vmem>>
    %dma_start3A_30 = arith.constant 0 : i32
    %dma_start3A_31 = tpu.memref_slice %arg7[%dma_start3A_30] : memref<1416xi32, #tpu.memory_space<vmem>> -> memref<352xi32, #tpu.memory_space<vmem>>
    %dma_start3A_32 = arith.constant 0 : i32
    %dma_start3A_33 = arith.constant 0 : i32
    %dma_start3A_34 = tpu.memref_slice %arg5[%dma_start3A_32, %dma_start3A_33] : memref<10000x128xf32, #tpu.memory_space<hbm>> -> memref<10000x128xf32, #tpu.memory_space<hbm>>
    tpu.enqueue_indirect_dma source(%dma_start3A_34 : memref<10000x128xf32, #tpu.memory_space<hbm>>) target(%dma_start3A_29 : memref<352x128xf32, #tpu.memory_space<vmem>>) offsets(%dma_start3A_31 : memref<352xi32, #tpu.memory_space<vmem>>) semaphore(%arg12 : memref<!tpu.dma_semaphore, #tpu.memory_space<semaphore_mem>>)
    %dma_wait3A_35 = arith.constant 0 : i32
    %dma_wait3A_36 = tpu.memref_slice %arg8[%dma_wait3A_35] : memref<1416xf32, #tpu.memory_space<vmem>> -> memref<1408xf32, #tpu.memory_space<vmem>>
    %dma_wait3A_37 = tpu.memref_slice %arg3[%mul3A_4] : memref<45056xf32, #tpu.memory_space<hbm>> -> memref<1408xf32, #tpu.memory_space<hbm>>
    %dma_wait3A_38 = arith.constant 0 : i32
    %dma_wait3A_39 = tpu.memref_slice %arg8[%dma_wait3A_38] : memref<1416xf32, #tpu.memory_space<vmem>> -> memref<1408xf32, #tpu.memory_space<vmem>>
    %dma_wait3A_40 = tpu.memref_slice %arg3[%mul3A_4] : memref<45056xf32, #tpu.memory_space<hbm>> -> memref<1408xf32, #tpu.memory_space<hbm>>
    tpu.wait_dma2 semaphore(%arg14 : memref<!tpu.dma_semaphore, #tpu.memory_space<semaphore_mem>>) src(%dma_wait3A_40 : memref<1408xf32, #tpu.memory_space<hbm>>) dst(%dma_wait3A_39 : memref<1408xf32, #tpu.memory_space<vmem>>)
    %dma_wait3A_41 = arith.constant 0 : i32
    %dma_wait3A_42 = tpu.memref_slice %arg9[%dma_wait3A_41] : memref<1416xf32, #tpu.memory_space<vmem>> -> memref<1408xf32, #tpu.memory_space<vmem>>
    %dma_wait3A_43 = tpu.memref_slice %arg4[%mul3A_4] : memref<45056xf32, #tpu.memory_space<hbm>> -> memref<1408xf32, #tpu.memory_space<hbm>>
    %dma_wait3A_44 = arith.constant 0 : i32
    %dma_wait3A_45 = tpu.memref_slice %arg9[%dma_wait3A_44] : memref<1416xf32, #tpu.memory_space<vmem>> -> memref<1408xf32, #tpu.memory_space<vmem>>
    %dma_wait3A_46 = tpu.memref_slice %arg4[%mul3A_4] : memref<45056xf32, #tpu.memory_space<hbm>> -> memref<1408xf32, #tpu.memory_space<hbm>>
    tpu.wait_dma2 semaphore(%arg14 : memref<!tpu.dma_semaphore, #tpu.memory_space<semaphore_mem>>) src(%dma_wait3A_46 : memref<1408xf32, #tpu.memory_space<hbm>>) dst(%dma_wait3A_45 : memref<1408xf32, #tpu.memory_space<vmem>>)
    %scan3A = arith.constant 0 : i32
    %scan3A_47 = arith.constant 0 : i32
    %scan3A_48 = arith.constant 4 : i32
    %scan3A_49 = arith.addi %scan3A_47, %scan3A_48 : i32
    %scan3A_50 = arith.constant 1 : i32
    scf.for %scan3A_100 = %scan3A_47 to %scan3A_49 step %scan3A_50  : i32 {
      %rem3A = arith.constant 2 : i32
      %rem3A_101 = arith.remsi %scan3A_100, %rem3A : i32
      %add3A_102 = arith.constant 1 : i32
      %add3A_103 = arith.addi %scan3A_100, %add3A_102 : i32
      %lt3A = arith.constant 4 : i32
      %lt3A_104 = arith.cmpi slt, %add3A_103, %lt3A : i32
      %convert_element_type3A = arith.extui %lt3A_104 : i1 to i32
      %cond3A = arith.constant 0 : i32
      %cond3A_105 = arith.cmpi ne, %convert_element_type3A, %cond3A : i32
      scf.if %cond3A_105 {
        %eq3A_136 = arith.constant 0 : i32
        %eq3A_137 = arith.cmpi eq, %rem3A_101, %eq3A_136 : i32
        %convert_element_type3A_138 = arith.extui %eq3A_137 : i1 to i32
        %cond3A_139 = arith.constant 0 : i32
        %cond3A_140 = arith.cmpi ne, %convert_element_type3A_138, %cond3A_139 : i32
        scf.if %cond3A_140 {
          %add3A_146 = arith.constant 1 : i32
          %add3A_147 = arith.addi %scan3A_100, %add3A_146 : i32
          %mul3A_148 = arith.constant 352 : i32
          %mul3A_149 = arith.muli %add3A_147, %mul3A_148 : i32
          %dma_start3A_150 = arith.constant 352 : i32
          %dma_start3A_151 = arith.constant 0 : i32
          %dma_start3A_152 = tpu.memref_slice %arg10[%dma_start3A_150, %dma_start3A_151] : memref<704x128xf32, #tpu.memory_space<vmem>> -> memref<352x128xf32, #tpu.memory_space<vmem>>
          %dma_start3A_153 = tpu.memref_slice %arg7[%mul3A_149] : memref<1416xi32, #tpu.memory_space<vmem>> -> memref<352xi32, #tpu.memory_space<vmem>>
          %dma_start3A_154 = arith.constant 0 : i32
          %dma_start3A_155 = arith.constant 0 : i32
          %dma_start3A_156 = tpu.memref_slice %arg5[%dma_start3A_154, %dma_start3A_155] : memref<10000x128xf32, #tpu.memory_space<hbm>> -> memref<10000x128xf32, #tpu.memory_space<hbm>>
          tpu.enqueue_indirect_dma source(%dma_start3A_156 : memref<10000x128xf32, #tpu.memory_space<hbm>>) target(%dma_start3A_152 : memref<352x128xf32, #tpu.memory_space<vmem>>) offsets(%dma_start3A_153 : memref<352xi32, #tpu.memory_space<vmem>>) semaphore(%arg13 : memref<!tpu.dma_semaphore, #tpu.memory_space<semaphore_mem>>)
        } else {
        }
        %eq3A_141 = arith.constant 1 : i32
        %eq3A_142 = arith.cmpi eq, %rem3A_101, %eq3A_141 : i32
        %convert_element_type3A_143 = arith.extui %eq3A_142 : i1 to i32
        %cond3A_144 = arith.constant 0 : i32
        %cond3A_145 = arith.cmpi ne, %convert_element_type3A_143, %cond3A_144 : i32
        scf.if %cond3A_145 {
          %add3A_146 = arith.constant 1 : i32
          %add3A_147 = arith.addi %scan3A_100, %add3A_146 : i32
          %mul3A_148 = arith.constant 352 : i32
          %mul3A_149 = arith.muli %add3A_147, %mul3A_148 : i32
          %dma_start3A_150 = arith.constant 0 : i32
          %dma_start3A_151 = arith.constant 0 : i32
          %dma_start3A_152 = tpu.memref_slice %arg10[%dma_start3A_150, %dma_start3A_151] : memref<704x128xf32, #tpu.memory_space<vmem>> -> memref<352x128xf32, #tpu.memory_space<vmem>>
          %dma_start3A_153 = tpu.memref_slice %arg7[%mul3A_149] : memref<1416xi32, #tpu.memory_space<vmem>> -> memref<352xi32, #tpu.memory_space<vmem>>
          %dma_start3A_154 = arith.constant 0 : i32
          %dma_start3A_155 = arith.constant 0 : i32
          %dma_start3A_156 = tpu.memref_slice %arg5[%dma_start3A_154, %dma_start3A_155] : memref<10000x128xf32, #tpu.memory_space<hbm>> -> memref<10000x128xf32, #tpu.memory_space<hbm>>
          tpu.enqueue_indirect_dma source(%dma_start3A_156 : memref<10000x128xf32, #tpu.memory_space<hbm>>) target(%dma_start3A_152 : memref<352x128xf32, #tpu.memory_space<vmem>>) offsets(%dma_start3A_153 : memref<352xi32, #tpu.memory_space<vmem>>) semaphore(%arg12 : memref<!tpu.dma_semaphore, #tpu.memory_space<semaphore_mem>>)
        } else {
        }
      } else {
      }
      %eq3A = arith.constant 0 : i32
      %eq3A_106 = arith.cmpi eq, %rem3A_101, %eq3A : i32
      %convert_element_type3A_107 = arith.extui %eq3A_106 : i1 to i32
      %cond3A_108 = arith.constant 0 : i32
      %cond3A_109 = arith.cmpi ne, %convert_element_type3A_107, %cond3A_108 : i32
      scf.if %cond3A_109 {
        %mul3A_136 = arith.constant 352 : i32
        %mul3A_137 = arith.muli %scan3A_100, %mul3A_136 : i32
        %dma_wait3A_138 = arith.constant 0 : i32
        %dma_wait3A_139 = arith.constant 0 : i32
        %dma_wait3A_140 = tpu.memref_slice %arg10[%dma_wait3A_138, %dma_wait3A_139] : memref<704x128xf32, #tpu.memory_space<vmem>> -> memref<352x128xf32, #tpu.memory_space<vmem>>
        %dma_wait3A_141 = tpu.memref_slice %arg7[%mul3A_137] : memref<1416xi32, #tpu.memory_space<vmem>> -> memref<352xi32, #tpu.memory_space<vmem>>
        %dma_wait3A_142 = arith.constant 0 : i32
        %dma_wait3A_143 = arith.constant 0 : i32
        %dma_wait3A_144 = tpu.memref_slice %arg5[%dma_wait3A_142, %dma_wait3A_143] : memref<10000x128xf32, #tpu.memory_space<hbm>> -> memref<10000x128xf32, #tpu.memory_space<hbm>>
        tpu.wait_indirect_dma semaphore(%arg12 : memref<!tpu.dma_semaphore, #tpu.memory_space<semaphore_mem>>) src(%dma_wait3A_144 : memref<10000x128xf32, #tpu.memory_space<hbm>>) dst(%dma_wait3A_140 : memref<352x128xf32, #tpu.memory_space<vmem>>)
      } else {
      }
      %eq3A_110 = arith.constant 1 : i32
      %eq3A_111 = arith.cmpi eq, %rem3A_101, %eq3A_110 : i32
      %convert_element_type3A_112 = arith.extui %eq3A_111 : i1 to i32
      %cond3A_113 = arith.constant 0 : i32
      %cond3A_114 = arith.cmpi ne, %convert_element_type3A_112, %cond3A_113 : i32
      scf.if %cond3A_114 {
        %mul3A_136 = arith.constant 352 : i32
        %mul3A_137 = arith.muli %scan3A_100, %mul3A_136 : i32
        %dma_wait3A_138 = arith.constant 352 : i32
        %dma_wait3A_139 = arith.constant 0 : i32
        %dma_wait3A_140 = tpu.memref_slice %arg10[%dma_wait3A_138, %dma_wait3A_139] : memref<704x128xf32, #tpu.memory_space<vmem>> -> memref<352x128xf32, #tpu.memory_space<vmem>>
        %dma_wait3A_141 = tpu.memref_slice %arg7[%mul3A_137] : memref<1416xi32, #tpu.memory_space<vmem>> -> memref<352xi32, #tpu.memory_space<vmem>>
        %dma_wait3A_142 = arith.constant 0 : i32
        %dma_wait3A_143 = arith.constant 0 : i32
        %dma_wait3A_144 = tpu.memref_slice %arg5[%dma_wait3A_142, %dma_wait3A_143] : memref<10000x128xf32, #tpu.memory_space<hbm>> -> memref<10000x128xf32, #tpu.memory_space<hbm>>
        tpu.wait_indirect_dma semaphore(%arg13 : memref<!tpu.dma_semaphore, #tpu.memory_space<semaphore_mem>>) src(%dma_wait3A_144 : memref<10000x128xf32, #tpu.memory_space<hbm>>) dst(%dma_wait3A_140 : memref<352x128xf32, #tpu.memory_space<vmem>>)
      } else {
      }
      %mul3A_115 = arith.constant 352 : i32
      %mul3A_116 = arith.muli %rem3A_101, %mul3A_115 : i32
      %scan3A_117 = arith.constant 0 : i32
      %scan3A_118 = arith.constant 0 : i32
      %scan3A_119 = arith.constant 32 : i32
      %scan3A_120 = arith.addi %scan3A_118, %scan3A_119 : i32
      %scan3A_121 = arith.constant 2 : i32
      scf.for %scan3A_136 = %scan3A_118 to %scan3A_120 step %scan3A_121  : i32 {
        %mul3A_137 = arith.constant 32 : i32
        %mul3A_138 = arith.muli %scan3A_100, %mul3A_137 : i32
        %add3A_139 = arith.addi %mul3A_138, %scan3A_136 : i32
        %mul3A_140 = arith.constant 11 : i32
        %mul3A_141 = arith.muli %add3A_139, %mul3A_140 : i32
        %get3A = arith.index_cast %mul3A_141 : i32 to index
        %get3A_142 = tpu.vector_load %arg8[%get3A] {strides = array<i32>} : memref<1416xf32, #tpu.memory_space<vmem>>, vector<16xf32>,
        %get3A_143 = vector.shape_cast %get3A_142 : vector<16xf32> to vector<16xf32>
        %get3A_144 = arith.index_cast %mul3A_141 : i32 to index
        %get3A_145 = tpu.vector_load %arg9[%get3A_144] {strides = array<i32>} : memref<1416xf32, #tpu.memory_space<vmem>>, vector<16xf32>,
        %get3A_146 = vector.shape_cast %get3A_145 : vector<16xf32> to vector<16xf32>
        %add3A_147 = arith.addf %get3A_143, %get3A_146 : vector<16xf32>
        %slice3A = vector.extract_strided_slice %add3A_147 {offsets = [0], sizes = [1], strides = [1]} : vector<16xf32> to vector<1xf32>
        %squeeze3A = vector.extract %slice3A[0] : f32 from vector<1xf32>
        %slice3A_148 = vector.extract_strided_slice %add3A_147 {offsets = [1], sizes = [1], strides = [1]} : vector<16xf32> to vector<1xf32>
        %squeeze3A_149 = vector.extract %slice3A_148[0] : f32 from vector<1xf32>
        %slice3A_150 = vector.extract_strided_slice %add3A_147 {offsets = [2], sizes = [1], strides = [1]} : vector<16xf32> to vector<1xf32>
        %squeeze3A_151 = vector.extract %slice3A_150[0] : f32 from vector<1xf32>
        %slice3A_152 = vector.extract_strided_slice %add3A_147 {offsets = [3], sizes = [1], strides = [1]} : vector<16xf32> to vector<1xf32>
        %squeeze3A_153 = vector.extract %slice3A_152[0] : f32 from vector<1xf32>
        %slice3A_154 = vector.extract_strided_slice %add3A_147 {offsets = [4], sizes = [1], strides = [1]} : vector<16xf32> to vector<1xf32>
        %squeeze3A_155 = vector.extract %slice3A_154[0] : f32 from vector<1xf32>
        %slice3A_156 = vector.extract_strided_slice %add3A_147 {offsets = [5], sizes = [1], strides = [1]} : vector<16xf32> to vector<1xf32>
        %squeeze3A_157 = vector.extract %slice3A_156[0] : f32 from vector<1xf32>
        %slice3A_158 = vector.extract_strided_slice %add3A_147 {offsets = [6], sizes = [1], strides = [1]} : vector<16xf32> to vector<1xf32>
        %squeeze3A_159 = vector.extract %slice3A_158[0] : f32 from vector<1xf32>
        %slice3A_160 = vector.extract_strided_slice %add3A_147 {offsets = [7], sizes = [1], strides = [1]} : vector<16xf32> to vector<1xf32>
        %squeeze3A_161 = vector.extract %slice3A_160[0] : f32 from vector<1xf32>
        %slice3A_162 = vector.extract_strided_slice %add3A_147 {offsets = [8], sizes = [1], strides = [1]} : vector<16xf32> to vector<1xf32>
        %squeeze3A_163 = vector.extract %slice3A_162[0] : f32 from vector<1xf32>
        %slice3A_164 = vector.extract_strided_slice %add3A_147 {offsets = [9], sizes = [1], strides = [1]} : vector<16xf32> to vector<1xf32>
        %squeeze3A_165 = vector.extract %slice3A_164[0] : f32 from vector<1xf32>
        %slice3A_166 = vector.extract_strided_slice %add3A_147 {offsets = [10], sizes = [1], strides = [1]} : vector<16xf32> to vector<1xf32>
        %squeeze3A_167 = vector.extract %slice3A_166[0] : f32 from vector<1xf32>
        %add3A_168 = arith.addf %squeeze3A, %squeeze3A_149 : f32
        %add3A_169 = arith.addf %add3A_168, %squeeze3A_151 : f32
        %add3A_170 = arith.addf %add3A_169, %squeeze3A_153 : f32
        %add3A_171 = arith.addf %add3A_170, %squeeze3A_155 : f32
        %add3A_172 = arith.addf %add3A_171, %squeeze3A_157 : f32
        %add3A_173 = arith.addf %add3A_172, %squeeze3A_159 : f32
        %add3A_174 = arith.addf %add3A_173, %squeeze3A_161 : f32
        %add3A_175 = arith.addf %add3A_174, %squeeze3A_163 : f32
        %add3A_176 = arith.addf %add3A_175, %squeeze3A_165 : f32
        %add3A_177 = arith.addf %add3A_176, %squeeze3A_167 : f32
        %broadcast_in_dim3A = vector.broadcast %add3A_177 : f32 to vector<16xf32>
        %div3A = arith.constant 1.000000e+00 : f32
        %div3A_178 = vector.broadcast %div3A : f32 to vector<16xf32>
        %div3A_179 = arith.divf %div3A_178, %broadcast_in_dim3A : vector<16xf32>
        %mul3A_180 = arith.constant 11 : i32
        %mul3A_181 = arith.muli %scan3A_136, %mul3A_180 : i32
        %add3A_182 = arith.addi %mul3A_116, %mul3A_181 : i32
        %get3A_183 = arith.index_cast %add3A_182 : i32 to index
        %get3A_184 = arith.constant 0 : index
        %get3A_185 = tpu.vector_load %arg10[%get3A_183, %get3A_184] {strides = array<i32>} : memref<704x128xf32, #tpu.memory_space<vmem>>, vector<1x16xf32>,
        %get3A_186 = vector.shape_cast %get3A_185 : vector<1x16xf32> to vector<16xf32>
        %mul3A_187 = vector.broadcast %squeeze3A : f32 to vector<16xf32>
        %mul3A_188 = arith.mulf %mul3A_187, %get3A_186 : vector<16xf32>
        %add3A_189 = arith.constant 1 : i32
        %add3A_190 = arith.addi %add3A_182, %add3A_189 : i32
        %get3A_191 = arith.index_cast %add3A_190 : i32 to index
        %get3A_192 = arith.constant 0 : index
        %get3A_193 = tpu.vector_load %arg10[%get3A_191, %get3A_192] {strides = array<i32>} : memref<704x128xf32, #tpu.memory_space<vmem>>, vector<1x16xf32>,
        %get3A_194 = vector.shape_cast %get3A_193 : vector<1x16xf32> to vector<16xf32>
        %mul3A_195 = vector.broadcast %squeeze3A_149 : f32 to vector<16xf32>
        %mul3A_196 = arith.mulf %mul3A_195, %get3A_194 : vector<16xf32>
        %add3A_197 = arith.addf %mul3A_188, %mul3A_196 : vector<16xf32>
        %add3A_198 = arith.constant 2 : i32
        %add3A_199 = arith.addi %add3A_182, %add3A_198 : i32
        %get3A_200 = arith.index_cast %add3A_199 : i32 to index
        %get3A_201 = arith.constant 0 : index
        %get3A_202 = tpu.vector_load %arg10[%get3A_200, %get3A_201] {strides = array<i32>} : memref<704x128xf32, #tpu.memory_space<vmem>>, vector<1x16xf32>,
        %get3A_203 = vector.shape_cast %get3A_202 : vector<1x16xf32> to vector<16xf32>
        %mul3A_204 = vector.broadcast %squeeze3A_151 : f32 to vector<16xf32>
        %mul3A_205 = arith.mulf %mul3A_204, %get3A_203 : vector<16xf32>
        %add3A_206 = arith.addf %add3A_197, %mul3A_205 : vector<16xf32>
        %add3A_207 = arith.constant 3 : i32
        %add3A_208 = arith.addi %add3A_182, %add3A_207 : i32
        %get3A_209 = arith.index_cast %add3A_208 : i32 to index
        %get3A_210 = arith.constant 0 : index
        %get3A_211 = tpu.vector_load %arg10[%get3A_209, %get3A_210] {strides = array<i32>} : memref<704x128xf32, #tpu.memory_space<vmem>>, vector<1x16xf32>,
        %get3A_212 = vector.shape_cast %get3A_211 : vector<1x16xf32> to vector<16xf32>
        %mul3A_213 = vector.broadcast %squeeze3A_153 : f32 to vector<16xf32>
        %mul3A_214 = arith.mulf %mul3A_213, %get3A_212 : vector<16xf32>
        %add3A_215 = arith.addf %add3A_206, %mul3A_214 : vector<16xf32>
        %add3A_216 = arith.constant 4 : i32
        %add3A_217 = arith.addi %add3A_182, %add3A_216 : i32
        %get3A_218 = arith.index_cast %add3A_217 : i32 to index
        %get3A_219 = arith.constant 0 : index
        %get3A_220 = tpu.vector_load %arg10[%get3A_218, %get3A_219] {strides = array<i32>} : memref<704x128xf32, #tpu.memory_space<vmem>>, vector<1x16xf32>,
        %get3A_221 = vector.shape_cast %get3A_220 : vector<1x16xf32> to vector<16xf32>
        %mul3A_222 = vector.broadcast %squeeze3A_155 : f32 to vector<16xf32>
        %mul3A_223 = arith.mulf %mul3A_222, %get3A_221 : vector<16xf32>
        %add3A_224 = arith.addf %add3A_215, %mul3A_223 : vector<16xf32>
        %add3A_225 = arith.constant 5 : i32
        %add3A_226 = arith.addi %add3A_182, %add3A_225 : i32
        %get3A_227 = arith.index_cast %add3A_226 : i32 to index
        %get3A_228 = arith.constant 0 : index
        %get3A_229 = tpu.vector_load %arg10[%get3A_227, %get3A_228] {strides = array<i32>} : memref<704x128xf32, #tpu.memory_space<vmem>>, vector<1x16xf32>,
        %get3A_230 = vector.shape_cast %get3A_229 : vector<1x16xf32> to vector<16xf32>
        %mul3A_231 = vector.broadcast %squeeze3A_157 : f32 to vector<16xf32>
        %mul3A_232 = arith.mulf %mul3A_231, %get3A_230 : vector<16xf32>
        %add3A_233 = arith.addf %add3A_224, %mul3A_232 : vector<16xf32>
        %add3A_234 = arith.constant 6 : i32
        %add3A_235 = arith.addi %add3A_182, %add3A_234 : i32
        %get3A_236 = arith.index_cast %add3A_235 : i32 to index
        %get3A_237 = arith.constant 0 : index
        %get3A_238 = tpu.vector_load %arg10[%get3A_236, %get3A_237] {strides = array<i32>} : memref<704x128xf32, #tpu.memory_space<vmem>>, vector<1x16xf32>,
        %get3A_239 = vector.shape_cast %get3A_238 : vector<1x16xf32> to vector<16xf32>
        %mul3A_240 = vector.broadcast %squeeze3A_159 : f32 to vector<16xf32>
        %mul3A_241 = arith.mulf %mul3A_240, %get3A_239 : vector<16xf32>
        %add3A_242 = arith.addf %add3A_233, %mul3A_241 : vector<16xf32>
        %add3A_243 = arith.constant 7 : i32
        %add3A_244 = arith.addi %add3A_182, %add3A_243 : i32
        %get3A_245 = arith.index_cast %add3A_244 : i32 to index
        %get3A_246 = arith.constant 0 : index
        %get3A_247 = tpu.vector_load %arg10[%get3A_245, %get3A_246] {strides = array<i32>} : memref<704x128xf32, #tpu.memory_space<vmem>>, vector<1x16xf32>,
        %get3A_248 = vector.shape_cast %get3A_247 : vector<1x16xf32> to vector<16xf32>
        %mul3A_249 = vector.broadcast %squeeze3A_161 : f32 to vector<16xf32>
        %mul3A_250 = arith.mulf %mul3A_249, %get3A_248 : vector<16xf32>
        %add3A_251 = arith.addf %add3A_242, %mul3A_250 : vector<16xf32>
        %add3A_252 = arith.constant 8 : i32
        %add3A_253 = arith.addi %add3A_182, %add3A_252 : i32
        %get3A_254 = arith.index_cast %add3A_253 : i32 to index
        %get3A_255 = arith.constant 0 : index
        %get3A_256 = tpu.vector_load %arg10[%get3A_254, %get3A_255] {strides = array<i32>} : memref<704x128xf32, #tpu.memory_space<vmem>>, vector<1x16xf32>,
        %get3A_257 = vector.shape_cast %get3A_256 : vector<1x16xf32> to vector<16xf32>
        %mul3A_258 = vector.broadcast %squeeze3A_163 : f32 to vector<16xf32>
        %mul3A_259 = arith.mulf %mul3A_258, %get3A_257 : vector<16xf32>
        %add3A_260 = arith.addf %add3A_251, %mul3A_259 : vector<16xf32>
        %add3A_261 = arith.constant 9 : i32
        %add3A_262 = arith.addi %add3A_182, %add3A_261 : i32
        %get3A_263 = arith.index_cast %add3A_262 : i32 to index
        %get3A_264 = arith.constant 0 : index
        %get3A_265 = tpu.vector_load %arg10[%get3A_263, %get3A_264] {strides = array<i32>} : memref<704x128xf32, #tpu.memory_space<vmem>>, vector<1x16xf32>,
        %get3A_266 = vector.shape_cast %get3A_265 : vector<1x16xf32> to vector<16xf32>
        %mul3A_267 = vector.broadcast %squeeze3A_165 : f32 to vector<16xf32>
        %mul3A_268 = arith.mulf %mul3A_267, %get3A_266 : vector<16xf32>
        %add3A_269 = arith.addf %add3A_260, %mul3A_268 : vector<16xf32>
        %add3A_270 = arith.constant 10 : i32
        %add3A_271 = arith.addi %add3A_182, %add3A_270 : i32
        %get3A_272 = arith.index_cast %add3A_271 : i32 to index
        %get3A_273 = arith.constant 0 : index
        %get3A_274 = tpu.vector_load %arg10[%get3A_272, %get3A_273] {strides = array<i32>} : memref<704x128xf32, #tpu.memory_space<vmem>>, vector<1x16xf32>,
        %get3A_275 = vector.shape_cast %get3A_274 : vector<1x16xf32> to vector<16xf32>
        %mul3A_276 = vector.broadcast %squeeze3A_167 : f32 to vector<16xf32>
        %mul3A_277 = arith.mulf %mul3A_276, %get3A_275 : vector<16xf32>
        %add3A_278 = arith.addf %add3A_269, %mul3A_277 : vector<16xf32>
        %mul3A_279 = arith.mulf %add3A_278, %div3A_179 : vector<16xf32>
        %swap3A = arith.index_cast %add3A_139 : i32 to index
        %swap3A_280 = arith.constant 0 : index
        %swap3A_281 = tpu.vector_load %arg11[%swap3A, %swap3A_280] {strides = array<i32>} : memref<128x128xf32, #tpu.memory_space<vmem>>, vector<1x16xf32>,
        %swap3A_282 = vector.shape_cast %swap3A_281 : vector<1x16xf32> to vector<16xf32>
        %swap3A_283 = vector.shape_cast %mul3A_279 : vector<16xf32> to vector<1x16xf32>
        tpu.vector_store %arg11[%swap3A, %swap3A_280], %swap3A_283 {strides = array<i32>} : memref<128x128xf32, #tpu.memory_space<vmem>>, vector<1x16xf32>,
        %get3A_284 = arith.index_cast %add3A_182 : i32 to index
        %get3A_285 = arith.constant 16 : index
        %get3A_286 = tpu.vector_load %arg10[%get3A_284, %get3A_285] {strides = array<i32>} : memref<704x128xf32, #tpu.memory_space<vmem>>, vector<1x16xf32>,
        %get3A_287 = vector.shape_cast %get3A_286 : vector<1x16xf32> to vector<16xf32>
        %mul3A_288 = vector.broadcast %squeeze3A : f32 to vector<16xf32>
        %mul3A_289 = arith.mulf %mul3A_288, %get3A_287 : vector<16xf32>
        %add3A_290 = arith.constant 1 : i32
        %add3A_291 = arith.addi %add3A_182, %add3A_290 : i32
        %get3A_292 = arith.index_cast %add3A_291 : i32 to index
        %get3A_293 = arith.constant 16 : index
        %get3A_294 = tpu.vector_load %arg10[%get3A_292, %get3A_293] {strides = array<i32>} : memref<704x128xf32, #tpu.memory_space<vmem>>, vector<1x16xf32>,
        %get3A_295 = vector.shape_cast %get3A_294 : vector<1x16xf32> to vector<16xf32>
        %mul3A_296 = vector.broadcast %squeeze3A_149 : f32 to vector<16xf32>
        %mul3A_297 = arith.mulf %mul3A_296, %get3A_295 : vector<16xf32>
        %add3A_298 = arith.addf %mul3A_289, %mul3A_297 : vector<16xf32>
        %add3A_299 = arith.constant 2 : i32
        %add3A_300 = arith.addi %add3A_182, %add3A_299 : i32
        %get3A_301 = arith.index_cast %add3A_300 : i32 to index
        %get3A_302 = arith.constant 16 : index
        %get3A_303 = tpu.vector_load %arg10[%get3A_301, %get3A_302] {strides = array<i32>} : memref<704x128xf32, #tpu.memory_space<vmem>>, vector<1x16xf32>,
        %get3A_304 = vector.shape_cast %get3A_303 : vector<1x16xf32> to vector<16xf32>
        %mul3A_305 = vector.broadcast %squeeze3A_151 : f32 to vector<16xf32>
        %mul3A_306 = arith.mulf %mul3A_305, %get3A_304 : vector<16xf32>
        %add3A_307 = arith.addf %add3A_298, %mul3A_306 : vector<16xf32>
        %add3A_308 = arith.constant 3 : i32
        %add3A_309 = arith.addi %add3A_182, %add3A_308 : i32
        %get3A_310 = arith.index_cast %add3A_309 : i32 to index
        %get3A_311 = arith.constant 16 : index
        %get3A_312 = tpu.vector_load %arg10[%get3A_310, %get3A_311] {strides = array<i32>} : memref<704x128xf32, #tpu.memory_space<vmem>>, vector<1x16xf32>,
        %get3A_313 = vector.shape_cast %get3A_312 : vector<1x16xf32> to vector<16xf32>
        %mul3A_314 = vector.broadcast %squeeze3A_153 : f32 to vector<16xf32>
        %mul3A_315 = arith.mulf %mul3A_314, %get3A_313 : vector<16xf32>
        %add3A_316 = arith.addf %add3A_307, %mul3A_315 : vector<16xf32>
        %add3A_317 = arith.constant 4 : i32
        %add3A_318 = arith.addi %add3A_182, %add3A_317 : i32
        %get3A_319 = arith.index_cast %add3A_318 : i32 to index
        %get3A_320 = arith.constant 16 : index
        %get3A_321 = tpu.vector_load %arg10[%get3A_319, %get3A_320] {strides = array<i32>} : memref<704x128xf32, #tpu.memory_space<vmem>>, vector<1x16xf32>,
        %get3A_322 = vector.shape_cast %get3A_321 : vector<1x16xf32> to vector<16xf32>
        %mul3A_323 = vector.broadcast %squeeze3A_155 : f32 to vector<16xf32>
        %mul3A_324 = arith.mulf %mul3A_323, %get3A_322 : vector<16xf32>
        %add3A_325 = arith.addf %add3A_316, %mul3A_324 : vector<16xf32>
        %add3A_326 = arith.constant 5 : i32
        %add3A_327 = arith.addi %add3A_182, %add3A_326 : i32
        %get3A_328 = arith.index_cast %add3A_327 : i32 to index
        %get3A_329 = arith.constant 16 : index
        %get3A_330 = tpu.vector_load %arg10[%get3A_328, %get3A_329] {strides = array<i32>} : memref<704x128xf32, #tpu.memory_space<vmem>>, vector<1x16xf32>,
        %get3A_331 = vector.shape_cast %get3A_330 : vector<1x16xf32> to vector<16xf32>
        %mul3A_332 = vector.broadcast %squeeze3A_157 : f32 to vector<16xf32>
        %mul3A_333 = arith.mulf %mul3A_332, %get3A_331 : vector<16xf32>
        %add3A_334 = arith.addf %add3A_325, %mul3A_333 : vector<16xf32>
        %add3A_335 = arith.constant 6 : i32
        %add3A_336 = arith.addi %add3A_182, %add3A_335 : i32
        %get3A_337 = arith.index_cast %add3A_336 : i32 to index
        %get3A_338 = arith.constant 16 : index
        %get3A_339 = tpu.vector_load %arg10[%get3A_337, %get3A_338] {strides = array<i32>} : memref<704x128xf32, #tpu.memory_space<vmem>>, vector<1x16xf32>,
        %get3A_340 = vector.shape_cast %get3A_339 : vector<1x16xf32> to vector<16xf32>
        %mul3A_341 = vector.broadcast %squeeze3A_159 : f32 to vector<16xf32>
        %mul3A_342 = arith.mulf %mul3A_341, %get3A_340 : vector<16xf32>
        %add3A_343 = arith.addf %add3A_334, %mul3A_342 : vector<16xf32>
        %add3A_344 = arith.constant 7 : i32
        %add3A_345 = arith.addi %add3A_182, %add3A_344 : i32
        %get3A_346 = arith.index_cast %add3A_345 : i32 to index
        %get3A_347 = arith.constant 16 : index
        %get3A_348 = tpu.vector_load %arg10[%get3A_346, %get3A_347] {strides = array<i32>} : memref<704x128xf32, #tpu.memory_space<vmem>>, vector<1x16xf32>,
        %get3A_349 = vector.shape_cast %get3A_348 : vector<1x16xf32> to vector<16xf32>
        %mul3A_350 = vector.broadcast %squeeze3A_161 : f32 to vector<16xf32>
        %mul3A_351 = arith.mulf %mul3A_350, %get3A_349 : vector<16xf32>
        %add3A_352 = arith.addf %add3A_343, %mul3A_351 : vector<16xf32>
        %add3A_353 = arith.constant 8 : i32
        %add3A_354 = arith.addi %add3A_182, %add3A_353 : i32
        %get3A_355 = arith.index_cast %add3A_354 : i32 to index
        %get3A_356 = arith.constant 16 : index
        %get3A_357 = tpu.vector_load %arg10[%get3A_355, %get3A_356] {strides = array<i32>} : memref<704x128xf32, #tpu.memory_space<vmem>>, vector<1x16xf32>,
        %get3A_358 = vector.shape_cast %get3A_357 : vector<1x16xf32> to vector<16xf32>
        %mul3A_359 = vector.broadcast %squeeze3A_163 : f32 to vector<16xf32>
        %mul3A_360 = arith.mulf %mul3A_359, %get3A_358 : vector<16xf32>
        %add3A_361 = arith.addf %add3A_352, %mul3A_360 : vector<16xf32>
        %add3A_362 = arith.constant 9 : i32
        %add3A_363 = arith.addi %add3A_182, %add3A_362 : i32
        %get3A_364 = arith.index_cast %add3A_363 : i32 to index
        %get3A_365 = arith.constant 16 : index
        %get3A_366 = tpu.vector_load %arg10[%get3A_364, %get3A_365] {strides = array<i32>} : memref<704x128xf32, #tpu.memory_space<vmem>>, vector<1x16xf32>,
        %get3A_367 = vector.shape_cast %get3A_366 : vector<1x16xf32> to vector<16xf32>
        %mul3A_368 = vector.broadcast %squeeze3A_165 : f32 to vector<16xf32>
        %mul3A_369 = arith.mulf %mul3A_368, %get3A_367 : vector<16xf32>
        %add3A_370 = arith.addf %add3A_361, %mul3A_369 : vector<16xf32>
        %add3A_371 = arith.constant 10 : i32
        %add3A_372 = arith.addi %add3A_182, %add3A_371 : i32
        %get3A_373 = arith.index_cast %add3A_372 : i32 to index
        %get3A_374 = arith.constant 16 : index
        %get3A_375 = tpu.vector_load %arg10[%get3A_373, %get3A_374] {strides = array<i32>} : memref<704x128xf32, #tpu.memory_space<vmem>>, vector<1x16xf32>,
        %get3A_376 = vector.shape_cast %get3A_375 : vector<1x16xf32> to vector<16xf32>
        %mul3A_377 = vector.broadcast %squeeze3A_167 : f32 to vector<16xf32>
        %mul3A_378 = arith.mulf %mul3A_377, %get3A_376 : vector<16xf32>
        %add3A_379 = arith.addf %add3A_370, %mul3A_378 : vector<16xf32>
        %mul3A_380 = arith.mulf %add3A_379, %div3A_179 : vector<16xf32>
        %swap3A_381 = arith.index_cast %add3A_139 : i32 to index
        %swap3A_382 = arith.constant 16 : index
        %swap3A_383 = tpu.vector_load %arg11[%swap3A_381, %swap3A_382] {strides = array<i32>} : memref<128x128xf32, #tpu.memory_space<vmem>>, vector<1x16xf32>,
        %swap3A_384 = vector.shape_cast %swap3A_383 : vector<1x16xf32> to vector<16xf32>
        %swap3A_385 = vector.shape_cast %mul3A_380 : vector<16xf32> to vector<1x16xf32>
        tpu.vector_store %arg11[%swap3A_381, %swap3A_382], %swap3A_385 {strides = array<i32>} : memref<128x128xf32, #tpu.memory_space<vmem>>, vector<1x16xf32>,
        %get3A_386 = arith.index_cast %add3A_182 : i32 to index
        %get3A_387 = arith.constant 32 : index
        %get3A_388 = tpu.vector_load %arg10[%get3A_386, %get3A_387] {strides = array<i32>} : memref<704x128xf32, #tpu.memory_space<vmem>>, vector<1x16xf32>,
        %get3A_389 = vector.shape_cast %get3A_388 : vector<1x16xf32> to vector<16xf32>
        %mul3A_390 = vector.broadcast %squeeze3A : f32 to vector<16xf32>
        %mul3A_391 = arith.mulf %mul3A_390, %get3A_389 : vector<16xf32>
        %add3A_392 = arith.constant 1 : i32
        %add3A_393 = arith.addi %add3A_182, %add3A_392 : i32
        %get3A_394 = arith.index_cast %add3A_393 : i32 to index
        %get3A_395 = arith.constant 32 : index
        %get3A_396 = tpu.vector_load %arg10[%get3A_394, %get3A_395] {strides = array<i32>} : memref<704x128xf32, #tpu.memory_space<vmem>>, vector<1x16xf32>,
        %get3A_397 = vector.shape_cast %get3A_396 : vector<1x16xf32> to vector<16xf32>
        %mul3A_398 = vector.broadcast %squeeze3A_149 : f32 to vector<16xf32>
        %mul3A_399 = arith.mulf %mul3A_398, %get3A_397 : vector<16xf32>
        %add3A_400 = arith.addf %mul3A_391, %mul3A_399 : vector<16xf32>
        %add3A_401 = arith.constant 2 : i32
        %add3A_402 = arith.addi %add3A_182, %add3A_401 : i32
        %get3A_403 = arith.index_cast %add3A_402 : i32 to index
        %get3A_404 = arith.constant 32 : index
        %get3A_405 = tpu.vector_load %arg10[%get3A_403, %get3A_404] {strides = array<i32>} : memref<704x128xf32, #tpu.memory_space<vmem>>, vector<1x16xf32>,
        %get3A_406 = vector.shape_cast %get3A_405 : vector<1x16xf32> to vector<16xf32>
        %mul3A_407 = vector.broadcast %squeeze3A_151 : f32 to vector<16xf32>
        %mul3A_408 = arith.mulf %mul3A_407, %get3A_406 : vector<16xf32>
        %add3A_409 = arith.addf %add3A_400, %mul3A_408 : vector<16xf32>
        %add3A_410 = arith.constant 3 : i32
        %add3A_411 = arith.addi %add3A_182, %add3A_410 : i32
        %get3A_412 = arith.index_cast %add3A_411 : i32 to index
        %get3A_413 = arith.constant 32 : index
        %get3A_414 = tpu.vector_load %arg10[%get3A_412, %get3A_413] {strides = array<i32>} : memref<704x128xf32, #tpu.memory_space<vmem>>, vector<1x16xf32>,
        %get3A_415 = vector.shape_cast %get3A_414 : vector<1x16xf32> to vector<16xf32>
        %mul3A_416 = vector.broadcast %squeeze3A_153 : f32 to vector<16xf32>
        %mul3A_417 = arith.mulf %mul3A_416, %get3A_415 : vector<16xf32>
        %add3A_418 = arith.addf %add3A_409, %mul3A_417 : vector<16xf32>
        %add3A_419 = arith.constant 4 : i32
        %add3A_420 = arith.addi %add3A_182, %add3A_419 : i32
        %get3A_421 = arith.index_cast %add3A_420 : i32 to index
        %get3A_422 = arith.constant 32 : index
        %get3A_423 = tpu.vector_load %arg10[%get3A_421, %get3A_422] {strides = array<i32>} : memref<704x128xf32, #tpu.memory_space<vmem>>, vector<1x16xf32>,
        %get3A_424 = vector.shape_cast %get3A_423 : vector<1x16xf32> to vector<16xf32>
        %mul3A_425 = vector.broadcast %squeeze3A_155 : f32 to vector<16xf32>
        %mul3A_426 = arith.mulf %mul3A_425, %get3A_424 : vector<16xf32>
        %add3A_427 = arith.addf %add3A_418, %mul3A_426 : vector<16xf32>
        %add3A_428 = arith.constant 5 : i32
        %add3A_429 = arith.addi %add3A_182, %add3A_428 : i32
        %get3A_430 = arith.index_cast %add3A_429 : i32 to index
        %get3A_431 = arith.constant 32 : index
        %get3A_432 = tpu.vector_load %arg10[%get3A_430, %get3A_431] {strides = array<i32>} : memref<704x128xf32, #tpu.memory_space<vmem>>, vector<1x16xf32>,
        %get3A_433 = vector.shape_cast %get3A_432 : vector<1x16xf32> to vector<16xf32>
        %mul3A_434 = vector.broadcast %squeeze3A_157 : f32 to vector<16xf32>
        %mul3A_435 = arith.mulf %mul3A_434, %get3A_433 : vector<16xf32>
        %add3A_436 = arith.addf %add3A_427, %mul3A_435 : vector<16xf32>
        %add3A_437 = arith.constant 6 : i32
        %add3A_438 = arith.addi %add3A_182, %add3A_437 : i32
        %get3A_439 = arith.index_cast %add3A_438 : i32 to index
        %get3A_440 = arith.constant 32 : index
        %get3A_441 = tpu.vector_load %arg10[%get3A_439, %get3A_440] {strides = array<i32>} : memref<704x128xf32, #tpu.memory_space<vmem>>, vector<1x16xf32>,
        %get3A_442 = vector.shape_cast %get3A_441 : vector<1x16xf32> to vector<16xf32>
        %mul3A_443 = vector.broadcast %squeeze3A_159 : f32 to vector<16xf32>
        %mul3A_444 = arith.mulf %mul3A_443, %get3A_442 : vector<16xf32>
        %add3A_445 = arith.addf %add3A_436, %mul3A_444 : vector<16xf32>
        %add3A_446 = arith.constant 7 : i32
        %add3A_447 = arith.addi %add3A_182, %add3A_446 : i32
        %get3A_448 = arith.index_cast %add3A_447 : i32 to index
        %get3A_449 = arith.constant 32 : index
        %get3A_450 = tpu.vector_load %arg10[%get3A_448, %get3A_449] {strides = array<i32>} : memref<704x128xf32, #tpu.memory_space<vmem>>, vector<1x16xf32>,
        %get3A_451 = vector.shape_cast %get3A_450 : vector<1x16xf32> to vector<16xf32>
        %mul3A_452 = vector.broadcast %squeeze3A_161 : f32 to vector<16xf32>
        %mul3A_453 = arith.mulf %mul3A_452, %get3A_451 : vector<16xf32>
        %add3A_454 = arith.addf %add3A_445, %mul3A_453 : vector<16xf32>
        %add3A_455 = arith.constant 8 : i32
        %add3A_456 = arith.addi %add3A_182, %add3A_455 : i32
        %get3A_457 = arith.index_cast %add3A_456 : i32 to index
        %get3A_458 = arith.constant 32 : index
        %get3A_459 = tpu.vector_load %arg10[%get3A_457, %get3A_458] {strides = array<i32>} : memref<704x128xf32, #tpu.memory_space<vmem>>, vector<1x16xf32>,
        %get3A_460 = vector.shape_cast %get3A_459 : vector<1x16xf32> to vector<16xf32>
        %mul3A_461 = vector.broadcast %squeeze3A_163 : f32 to vector<16xf32>
        %mul3A_462 = arith.mulf %mul3A_461, %get3A_460 : vector<16xf32>
        %add3A_463 = arith.addf %add3A_454, %mul3A_462 : vector<16xf32>
        %add3A_464 = arith.constant 9 : i32
        %add3A_465 = arith.addi %add3A_182, %add3A_464 : i32
        %get3A_466 = arith.index_cast %add3A_465 : i32 to index
        %get3A_467 = arith.constant 32 : index
        %get3A_468 = tpu.vector_load %arg10[%get3A_466, %get3A_467] {strides = array<i32>} : memref<704x128xf32, #tpu.memory_space<vmem>>, vector<1x16xf32>,
        %get3A_469 = vector.shape_cast %get3A_468 : vector<1x16xf32> to vector<16xf32>
        %mul3A_470 = vector.broadcast %squeeze3A_165 : f32 to vector<16xf32>
        %mul3A_471 = arith.mulf %mul3A_470, %get3A_469 : vector<16xf32>
        %add3A_472 = arith.addf %add3A_463, %mul3A_471 : vector<16xf32>
        %add3A_473 = arith.constant 10 : i32
        %add3A_474 = arith.addi %add3A_182, %add3A_473 : i32
        %get3A_475 = arith.index_cast %add3A_474 : i32 to index
        %get3A_476 = arith.constant 32 : index
        %get3A_477 = tpu.vector_load %arg10[%get3A_475, %get3A_476] {strides = array<i32>} : memref<704x128xf32, #tpu.memory_space<vmem>>, vector<1x16xf32>,
        %get3A_478 = vector.shape_cast %get3A_477 : vector<1x16xf32> to vector<16xf32>
        %mul3A_479 = vector.broadcast %squeeze3A_167 : f32 to vector<16xf32>
        %mul3A_480 = arith.mulf %mul3A_479, %get3A_478 : vector<16xf32>
        %add3A_481 = arith.addf %add3A_472, %mul3A_480 : vector<16xf32>
        %mul3A_482 = arith.mulf %add3A_481, %div3A_179 : vector<16xf32>
        %swap3A_483 = arith.index_cast %add3A_139 : i32 to index
        %swap3A_484 = arith.constant 32 : index
        %swap3A_485 = tpu.vector_load %arg11[%swap3A_483, %swap3A_484] {strides = array<i32>} : memref<128x128xf32, #tpu.memory_space<vmem>>, vector<1x16xf32>,
        %swap3A_486 = vector.shape_cast %swap3A_485 : vector<1x16xf32> to vector<16xf32>
        %swap3A_487 = vector.shape_cast %mul3A_482 : vector<16xf32> to vector<1x16xf32>
        tpu.vector_store %arg11[%swap3A_483, %swap3A_484], %swap3A_487 {strides = array<i32>} : memref<128x128xf32, #tpu.memory_space<vmem>>, vector<1x16xf32>,
        %get3A_488 = arith.index_cast %add3A_182 : i32 to index
        %get3A_489 = arith.constant 48 : index
        %get3A_490 = tpu.vector_load %arg10[%get3A_488, %get3A_489] {strides = array<i32>} : memref<704x128xf32, #tpu.memory_space<vmem>>, vector<1x16xf32>,
        %get3A_491 = vector.shape_cast %get3A_490 : vector<1x16xf32> to vector<16xf32>
        %mul3A_492 = vector.broadcast %squeeze3A : f32 to vector<16xf32>
        %mul3A_493 = arith.mulf %mul3A_492, %get3A_491 : vector<16xf32>
        %add3A_494 = arith.constant 1 : i32
        %add3A_495 = arith.addi %add3A_182, %add3A_494 : i32
        %get3A_496 = arith.index_cast %add3A_495 : i32 to index
        %get3A_497 = arith.constant 48 : index
        %get3A_498 = tpu.vector_load %arg10[%get3A_496, %get3A_497] {strides = array<i32>} : memref<704x128xf32, #tpu.memory_space<vmem>>, vector<1x16xf32>,
        %get3A_499 = vector.shape_cast %get3A_498 : vector<1x16xf32> to vector<16xf32>
        %mul3A_500 = vector.broadcast %squeeze3A_149 : f32 to vector<16xf32>
        %mul3A_501 = arith.mulf %mul3A_500, %get3A_499 : vector<16xf32>
        %add3A_502 = arith.addf %mul3A_493, %mul3A_501 : vector<16xf32>
        %add3A_503 = arith.constant 2 : i32
        %add3A_504 = arith.addi %add3A_182, %add3A_503 : i32
        %get3A_505 = arith.index_cast %add3A_504 : i32 to index
        %get3A_506 = arith.constant 48 : index
        %get3A_507 = tpu.vector_load %arg10[%get3A_505, %get3A_506] {strides = array<i32>} : memref<704x128xf32, #tpu.memory_space<vmem>>, vector<1x16xf32>,
        %get3A_508 = vector.shape_cast %get3A_507 : vector<1x16xf32> to vector<16xf32>
        %mul3A_509 = vector.broadcast %squeeze3A_151 : f32 to vector<16xf32>
        %mul3A_510 = arith.mulf %mul3A_509, %get3A_508 : vector<16xf32>
        %add3A_511 = arith.addf %add3A_502, %mul3A_510 : vector<16xf32>
        %add3A_512 = arith.constant 3 : i32
        %add3A_513 = arith.addi %add3A_182, %add3A_512 : i32
        %get3A_514 = arith.index_cast %add3A_513 : i32 to index
        %get3A_515 = arith.constant 48 : index
        %get3A_516 = tpu.vector_load %arg10[%get3A_514, %get3A_515] {strides = array<i32>} : memref<704x128xf32, #tpu.memory_space<vmem>>, vector<1x16xf32>,
        %get3A_517 = vector.shape_cast %get3A_516 : vector<1x16xf32> to vector<16xf32>
        %mul3A_518 = vector.broadcast %squeeze3A_153 : f32 to vector<16xf32>
        %mul3A_519 = arith.mulf %mul3A_518, %get3A_517 : vector<16xf32>
        %add3A_520 = arith.addf %add3A_511, %mul3A_519 : vector<16xf32>
        %add3A_521 = arith.constant 4 : i32
        %add3A_522 = arith.addi %add3A_182, %add3A_521 : i32
        %get3A_523 = arith.index_cast %add3A_522 : i32 to index
        %get3A_524 = arith.constant 48 : index
        %get3A_525 = tpu.vector_load %arg10[%get3A_523, %get3A_524] {strides = array<i32>} : memref<704x128xf32, #tpu.memory_space<vmem>>, vector<1x16xf32>,
        %get3A_526 = vector.shape_cast %get3A_525 : vector<1x16xf32> to vector<16xf32>
        %mul3A_527 = vector.broadcast %squeeze3A_155 : f32 to vector<16xf32>
        %mul3A_528 = arith.mulf %mul3A_527, %get3A_526 : vector<16xf32>
        %add3A_529 = arith.addf %add3A_520, %mul3A_528 : vector<16xf32>
        %add3A_530 = arith.constant 5 : i32
        %add3A_531 = arith.addi %add3A_182, %add3A_530 : i32
        %get3A_532 = arith.index_cast %add3A_531 : i32 to index
        %get3A_533 = arith.constant 48 : index
        %get3A_534 = tpu.vector_load %arg10[%get3A_532, %get3A_533] {strides = array<i32>} : memref<704x128xf32, #tpu.memory_space<vmem>>, vector<1x16xf32>,
        %get3A_535 = vector.shape_cast %get3A_534 : vector<1x16xf32> to vector<16xf32>
        %mul3A_536 = vector.broadcast %squeeze3A_157 : f32 to vector<16xf32>
        %mul3A_537 = arith.mulf %mul3A_536, %get3A_535 : vector<16xf32>
        %add3A_538 = arith.addf %add3A_529, %mul3A_537 : vector<16xf32>
        %add3A_539 = arith.constant 6 : i32
        %add3A_540 = arith.addi %add3A_182, %add3A_539 : i32
        %get3A_541 = arith.index_cast %add3A_540 : i32 to index
        %get3A_542 = arith.constant 48 : index
        %get3A_543 = tpu.vector_load %arg10[%get3A_541, %get3A_542] {strides = array<i32>} : memref<704x128xf32, #tpu.memory_space<vmem>>, vector<1x16xf32>,
        %get3A_544 = vector.shape_cast %get3A_543 : vector<1x16xf32> to vector<16xf32>
        %mul3A_545 = vector.broadcast %squeeze3A_159 : f32 to vector<16xf32>
        %mul3A_546 = arith.mulf %mul3A_545, %get3A_544 : vector<16xf32>
        %add3A_547 = arith.addf %add3A_538, %mul3A_546 : vector<16xf32>
        %add3A_548 = arith.constant 7 : i32
        %add3A_549 = arith.addi %add3A_182, %add3A_548 : i32
        %get3A_550 = arith.index_cast %add3A_549 : i32 to index
        %get3A_551 = arith.constant 48 : index
        %get3A_552 = tpu.vector_load %arg10[%get3A_550, %get3A_551] {strides = array<i32>} : memref<704x128xf32, #tpu.memory_space<vmem>>, vector<1x16xf32>,
        %get3A_553 = vector.shape_cast %get3A_552 : vector<1x16xf32> to vector<16xf32>
        %mul3A_554 = vector.broadcast %squeeze3A_161 : f32 to vector<16xf32>
        %mul3A_555 = arith.mulf %mul3A_554, %get3A_553 : vector<16xf32>
        %add3A_556 = arith.addf %add3A_547, %mul3A_555 : vector<16xf32>
        %add3A_557 = arith.constant 8 : i32
        %add3A_558 = arith.addi %add3A_182, %add3A_557 : i32
        %get3A_559 = arith.index_cast %add3A_558 : i32 to index
        %get3A_560 = arith.constant 48 : index
        %get3A_561 = tpu.vector_load %arg10[%get3A_559, %get3A_560] {strides = array<i32>} : memref<704x128xf32, #tpu.memory_space<vmem>>, vector<1x16xf32>,
        %get3A_562 = vector.shape_cast %get3A_561 : vector<1x16xf32> to vector<16xf32>
        %mul3A_563 = vector.broadcast %squeeze3A_163 : f32 to vector<16xf32>
        %mul3A_564 = arith.mulf %mul3A_563, %get3A_562 : vector<16xf32>
        %add3A_565 = arith.addf %add3A_556, %mul3A_564 : vector<16xf32>
        %add3A_566 = arith.constant 9 : i32
        %add3A_567 = arith.addi %add3A_182, %add3A_566 : i32
        %get3A_568 = arith.index_cast %add3A_567 : i32 to index
        %get3A_569 = arith.constant 48 : index
        %get3A_570 = tpu.vector_load %arg10[%get3A_568, %get3A_569] {strides = array<i32>} : memref<704x128xf32, #tpu.memory_space<vmem>>, vector<1x16xf32>,
        %get3A_571 = vector.shape_cast %get3A_570 : vector<1x16xf32> to vector<16xf32>
        %mul3A_572 = vector.broadcast %squeeze3A_165 : f32 to vector<16xf32>
        %mul3A_573 = arith.mulf %mul3A_572, %get3A_571 : vector<16xf32>
        %add3A_574 = arith.addf %add3A_565, %mul3A_573 : vector<16xf32>
        %add3A_575 = arith.constant 10 : i32
        %add3A_576 = arith.addi %add3A_182, %add3A_575 : i32
        %get3A_577 = arith.index_cast %add3A_576 : i32 to index
        %get3A_578 = arith.constant 48 : index
        %get3A_579 = tpu.vector_load %arg10[%get3A_577, %get3A_578] {strides = array<i32>} : memref<704x128xf32, #tpu.memory_space<vmem>>, vector<1x16xf32>,
        %get3A_580 = vector.shape_cast %get3A_579 : vector<1x16xf32> to vector<16xf32>
        %mul3A_581 = vector.broadcast %squeeze3A_167 : f32 to vector<16xf32>
        %mul3A_582 = arith.mulf %mul3A_581, %get3A_580 : vector<16xf32>
        %add3A_583 = arith.addf %add3A_574, %mul3A_582 : vector<16xf32>
        %mul3A_584 = arith.mulf %add3A_583, %div3A_179 : vector<16xf32>
        %swap3A_585 = arith.index_cast %add3A_139 : i32 to index
        %swap3A_586 = arith.constant 48 : index
        %swap3A_587 = tpu.vector_load %arg11[%swap3A_585, %swap3A_586] {strides = array<i32>} : memref<128x128xf32, #tpu.memory_space<vmem>>, vector<1x16xf32>,
        %swap3A_588 = vector.shape_cast %swap3A_587 : vector<1x16xf32> to vector<16xf32>
        %swap3A_589 = vector.shape_cast %mul3A_584 : vector<16xf32> to vector<1x16xf32>
        tpu.vector_store %arg11[%swap3A_585, %swap3A_586], %swap3A_589 {strides = array<i32>} : memref<128x128xf32, #tpu.memory_space<vmem>>, vector<1x16xf32>,
        %get3A_590 = arith.index_cast %add3A_182 : i32 to index
        %get3A_591 = arith.constant 64 : index
        %get3A_592 = tpu.vector_load %arg10[%get3A_590, %get3A_591] {strides = array<i32>} : memref<704x128xf32, #tpu.memory_space<vmem>>, vector<1x16xf32>,
        %get3A_593 = vector.shape_cast %get3A_592 : vector<1x16xf32> to vector<16xf32>
        %mul3A_594 = vector.broadcast %squeeze3A : f32 to vector<16xf32>
        %mul3A_595 = arith.mulf %mul3A_594, %get3A_593 : vector<16xf32>
        %add3A_596 = arith.constant 1 : i32
        %add3A_597 = arith.addi %add3A_182, %add3A_596 : i32
        %get3A_598 = arith.index_cast %add3A_597 : i32 to index
        %get3A_599 = arith.constant 64 : index
        %get3A_600 = tpu.vector_load %arg10[%get3A_598, %get3A_599] {strides = array<i32>} : memref<704x128xf32, #tpu.memory_space<vmem>>, vector<1x16xf32>,
        %get3A_601 = vector.shape_cast %get3A_600 : vector<1x16xf32> to vector<16xf32>
        %mul3A_602 = vector.broadcast %squeeze3A_149 : f32 to vector<16xf32>
        %mul3A_603 = arith.mulf %mul3A_602, %get3A_601 : vector<16xf32>
        %add3A_604 = arith.addf %mul3A_595, %mul3A_603 : vector<16xf32>
        %add3A_605 = arith.constant 2 : i32
        %add3A_606 = arith.addi %add3A_182, %add3A_605 : i32
        %get3A_607 = arith.index_cast %add3A_606 : i32 to index
        %get3A_608 = arith.constant 64 : index
        %get3A_609 = tpu.vector_load %arg10[%get3A_607, %get3A_608] {strides = array<i32>} : memref<704x128xf32, #tpu.memory_space<vmem>>, vector<1x16xf32>,
        %get3A_610 = vector.shape_cast %get3A_609 : vector<1x16xf32> to vector<16xf32>
        %mul3A_611 = vector.broadcast %squeeze3A_151 : f32 to vector<16xf32>
        %mul3A_612 = arith.mulf %mul3A_611, %get3A_610 : vector<16xf32>
        %add3A_613 = arith.addf %add3A_604, %mul3A_612 : vector<16xf32>
        %add3A_614 = arith.constant 3 : i32
        %add3A_615 = arith.addi %add3A_182, %add3A_614 : i32
        %get3A_616 = arith.index_cast %add3A_615 : i32 to index
        %get3A_617 = arith.constant 64 : index
        %get3A_618 = tpu.vector_load %arg10[%get3A_616, %get3A_617] {strides = array<i32>} : memref<704x128xf32, #tpu.memory_space<vmem>>, vector<1x16xf32>,
        %get3A_619 = vector.shape_cast %get3A_618 : vector<1x16xf32> to vector<16xf32>
        %mul3A_620 = vector.broadcast %squeeze3A_153 : f32 to vector<16xf32>
        %mul3A_621 = arith.mulf %mul3A_620, %get3A_619 : vector<16xf32>
        %add3A_622 = arith.addf %add3A_613, %mul3A_621 : vector<16xf32>
        %add3A_623 = arith.constant 4 : i32
        %add3A_624 = arith.addi %add3A_182, %add3A_623 : i32
        %get3A_625 = arith.index_cast %add3A_624 : i32 to index
        %get3A_626 = arith.constant 64 : index
        %get3A_627 = tpu.vector_load %arg10[%get3A_625, %get3A_626] {strides = array<i32>} : memref<704x128xf32, #tpu.memory_space<vmem>>, vector<1x16xf32>,
        %get3A_628 = vector.shape_cast %get3A_627 : vector<1x16xf32> to vector<16xf32>
        %mul3A_629 = vector.broadcast %squeeze3A_155 : f32 to vector<16xf32>
        %mul3A_630 = arith.mulf %mul3A_629, %get3A_628 : vector<16xf32>
        %add3A_631 = arith.addf %add3A_622, %mul3A_630 : vector<16xf32>
        %add3A_632 = arith.constant 5 : i32
        %add3A_633 = arith.addi %add3A_182, %add3A_632 : i32
        %get3A_634 = arith.index_cast %add3A_633 : i32 to index
        %get3A_635 = arith.constant 64 : index
        %get3A_636 = tpu.vector_load %arg10[%get3A_634, %get3A_635] {strides = array<i32>} : memref<704x128xf32, #tpu.memory_space<vmem>>, vector<1x16xf32>,
        %get3A_637 = vector.shape_cast %get3A_636 : vector<1x16xf32> to vector<16xf32>
        %mul3A_638 = vector.broadcast %squeeze3A_157 : f32 to vector<16xf32>
        %mul3A_639 = arith.mulf %mul3A_638, %get3A_637 : vector<16xf32>
        %add3A_640 = arith.addf %add3A_631, %mul3A_639 : vector<16xf32>
        %add3A_641 = arith.constant 6 : i32
        %add3A_642 = arith.addi %add3A_182, %add3A_641 : i32
        %get3A_643 = arith.index_cast %add3A_642 : i32 to index
        %get3A_644 = arith.constant 64 : index
        %get3A_645 = tpu.vector_load %arg10[%get3A_643, %get3A_644] {strides = array<i32>} : memref<704x128xf32, #tpu.memory_space<vmem>>, vector<1x16xf32>,
        %get3A_646 = vector.shape_cast %get3A_645 : vector<1x16xf32> to vector<16xf32>
        %mul3A_647 = vector.broadcast %squeeze3A_159 : f32 to vector<16xf32>
        %mul3A_648 = arith.mulf %mul3A_647, %get3A_646 : vector<16xf32>
        %add3A_649 = arith.addf %add3A_640, %mul3A_648 : vector<16xf32>
        %add3A_650 = arith.constant 7 : i32
        %add3A_651 = arith.addi %add3A_182, %add3A_650 : i32
        %get3A_652 = arith.index_cast %add3A_651 : i32 to index
        %get3A_653 = arith.constant 64 : index
        %get3A_654 = tpu.vector_load %arg10[%get3A_652, %get3A_653] {strides = array<i32>} : memref<704x128xf32, #tpu.memory_space<vmem>>, vector<1x16xf32>,
        %get3A_655 = vector.shape_cast %get3A_654 : vector<1x16xf32> to vector<16xf32>
        %mul3A_656 = vector.broadcast %squeeze3A_161 : f32 to vector<16xf32>
        %mul3A_657 = arith.mulf %mul3A_656, %get3A_655 : vector<16xf32>
        %add3A_658 = arith.addf %add3A_649, %mul3A_657 : vector<16xf32>
        %add3A_659 = arith.constant 8 : i32
        %add3A_660 = arith.addi %add3A_182, %add3A_659 : i32
        %get3A_661 = arith.index_cast %add3A_660 : i32 to index
        %get3A_662 = arith.constant 64 : index
        %get3A_663 = tpu.vector_load %arg10[%get3A_661, %get3A_662] {strides = array<i32>} : memref<704x128xf32, #tpu.memory_space<vmem>>, vector<1x16xf32>,
        %get3A_664 = vector.shape_cast %get3A_663 : vector<1x16xf32> to vector<16xf32>
        %mul3A_665 = vector.broadcast %squeeze3A_163 : f32 to vector<16xf32>
        %mul3A_666 = arith.mulf %mul3A_665, %get3A_664 : vector<16xf32>
        %add3A_667 = arith.addf %add3A_658, %mul3A_666 : vector<16xf32>
        %add3A_668 = arith.constant 9 : i32
        %add3A_669 = arith.addi %add3A_182, %add3A_668 : i32
        %get3A_670 = arith.index_cast %add3A_669 : i32 to index
        %get3A_671 = arith.constant 64 : index
        %get3A_672 = tpu.vector_load %arg10[%get3A_670, %get3A_671] {strides = array<i32>} : memref<704x128xf32, #tpu.memory_space<vmem>>, vector<1x16xf32>,
        %get3A_673 = vector.shape_cast %get3A_672 : vector<1x16xf32> to vector<16xf32>
        %mul3A_674 = vector.broadcast %squeeze3A_165 : f32 to vector<16xf32>
        %mul3A_675 = arith.mulf %mul3A_674, %get3A_673 : vector<16xf32>
        %add3A_676 = arith.addf %add3A_667, %mul3A_675 : vector<16xf32>
        %add3A_677 = arith.constant 10 : i32
        %add3A_678 = arith.addi %add3A_182, %add3A_677 : i32
        %get3A_679 = arith.index_cast %add3A_678 : i32 to index
        %get3A_680 = arith.constant 64 : index
        %get3A_681 = tpu.vector_load %arg10[%get3A_679, %get3A_680] {strides = array<i32>} : memref<704x128xf32, #tpu.memory_space<vmem>>, vector<1x16xf32>,
        %get3A_682 = vector.shape_cast %get3A_681 : vector<1x16xf32> to vector<16xf32>
        %mul3A_683 = vector.broadcast %squeeze3A_167 : f32 to vector<16xf32>
        %mul3A_684 = arith.mulf %mul3A_683, %get3A_682 : vector<16xf32>
        %add3A_685 = arith.addf %add3A_676, %mul3A_684 : vector<16xf32>
        %mul3A_686 = arith.mulf %add3A_685, %div3A_179 : vector<16xf32>
        %swap3A_687 = arith.index_cast %add3A_139 : i32 to index
        %swap3A_688 = arith.constant 64 : index
        %swap3A_689 = tpu.vector_load %arg11[%swap3A_687, %swap3A_688] {strides = array<i32>} : memref<128x128xf32, #tpu.memory_space<vmem>>, vector<1x16xf32>,
        %swap3A_690 = vector.shape_cast %swap3A_689 : vector<1x16xf32> to vector<16xf32>
        %swap3A_691 = vector.shape_cast %mul3A_686 : vector<16xf32> to vector<1x16xf32>
        tpu.vector_store %arg11[%swap3A_687, %swap3A_688], %swap3A_691 {strides = array<i32>} : memref<128x128xf32, #tpu.memory_space<vmem>>, vector<1x16xf32>,
        %get3A_692 = arith.index_cast %add3A_182 : i32 to index
        %get3A_693 = arith.constant 80 : index
        %get3A_694 = tpu.vector_load %arg10[%get3A_692, %get3A_693] {strides = array<i32>} : memref<704x128xf32, #tpu.memory_space<vmem>>, vector<1x16xf32>,
        %get3A_695 = vector.shape_cast %get3A_694 : vector<1x16xf32> to vector<16xf32>
        %mul3A_696 = vector.broadcast %squeeze3A : f32 to vector<16xf32>
        %mul3A_697 = arith.mulf %mul3A_696, %get3A_695 : vector<16xf32>
        %add3A_698 = arith.constant 1 : i32
        %add3A_699 = arith.addi %add3A_182, %add3A_698 : i32
        %get3A_700 = arith.index_cast %add3A_699 : i32 to index
        %get3A_701 = arith.constant 80 : index
        %get3A_702 = tpu.vector_load %arg10[%get3A_700, %get3A_701] {strides = array<i32>} : memref<704x128xf32, #tpu.memory_space<vmem>>, vector<1x16xf32>,
        %get3A_703 = vector.shape_cast %get3A_702 : vector<1x16xf32> to vector<16xf32>
        %mul3A_704 = vector.broadcast %squeeze3A_149 : f32 to vector<16xf32>
        %mul3A_705 = arith.mulf %mul3A_704, %get3A_703 : vector<16xf32>
        %add3A_706 = arith.addf %mul3A_697, %mul3A_705 : vector<16xf32>
        %add3A_707 = arith.constant 2 : i32
        %add3A_708 = arith.addi %add3A_182, %add3A_707 : i32
        %get3A_709 = arith.index_cast %add3A_708 : i32 to index
        %get3A_710 = arith.constant 80 : index
        %get3A_711 = tpu.vector_load %arg10[%get3A_709, %get3A_710] {strides = array<i32>} : memref<704x128xf32, #tpu.memory_space<vmem>>, vector<1x16xf32>,
        %get3A_712 = vector.shape_cast %get3A_711 : vector<1x16xf32> to vector<16xf32>
        %mul3A_713 = vector.broadcast %squeeze3A_151 : f32 to vector<16xf32>
        %mul3A_714 = arith.mulf %mul3A_713, %get3A_712 : vector<16xf32>
        %add3A_715 = arith.addf %add3A_706, %mul3A_714 : vector<16xf32>
        %add3A_716 = arith.constant 3 : i32
        %add3A_717 = arith.addi %add3A_182, %add3A_716 : i32
        %get3A_718 = arith.index_cast %add3A_717 : i32 to index
        %get3A_719 = arith.constant 80 : index
        %get3A_720 = tpu.vector_load %arg10[%get3A_718, %get3A_719] {strides = array<i32>} : memref<704x128xf32, #tpu.memory_space<vmem>>, vector<1x16xf32>,
        %get3A_721 = vector.shape_cast %get3A_720 : vector<1x16xf32> to vector<16xf32>
        %mul3A_722 = vector.broadcast %squeeze3A_153 : f32 to vector<16xf32>
        %mul3A_723 = arith.mulf %mul3A_722, %get3A_721 : vector<16xf32>
        %add3A_724 = arith.addf %add3A_715, %mul3A_723 : vector<16xf32>
        %add3A_725 = arith.constant 4 : i32
        %add3A_726 = arith.addi %add3A_182, %add3A_725 : i32
        %get3A_727 = arith.index_cast %add3A_726 : i32 to index
        %get3A_728 = arith.constant 80 : index
        %get3A_729 = tpu.vector_load %arg10[%get3A_727, %get3A_728] {strides = array<i32>} : memref<704x128xf32, #tpu.memory_space<vmem>>, vector<1x16xf32>,
        %get3A_730 = vector.shape_cast %get3A_729 : vector<1x16xf32> to vector<16xf32>
        %mul3A_731 = vector.broadcast %squeeze3A_155 : f32 to vector<16xf32>
        %mul3A_732 = arith.mulf %mul3A_731, %get3A_730 : vector<16xf32>
        %add3A_733 = arith.addf %add3A_724, %mul3A_732 : vector<16xf32>
        %add3A_734 = arith.constant 5 : i32
        %add3A_735 = arith.addi %add3A_182, %add3A_734 : i32
        %get3A_736 = arith.index_cast %add3A_735 : i32 to index
        %get3A_737 = arith.constant 80 : index
        %get3A_738 = tpu.vector_load %arg10[%get3A_736, %get3A_737] {strides = array<i32>} : memref<704x128xf32, #tpu.memory_space<vmem>>, vector<1x16xf32>,
        %get3A_739 = vector.shape_cast %get3A_738 : vector<1x16xf32> to vector<16xf32>
        %mul3A_740 = vector.broadcast %squeeze3A_157 : f32 to vector<16xf32>
        %mul3A_741 = arith.mulf %mul3A_740, %get3A_739 : vector<16xf32>
        %add3A_742 = arith.addf %add3A_733, %mul3A_741 : vector<16xf32>
        %add3A_743 = arith.constant 6 : i32
        %add3A_744 = arith.addi %add3A_182, %add3A_743 : i32
        %get3A_745 = arith.index_cast %add3A_744 : i32 to index
        %get3A_746 = arith.constant 80 : index
        %get3A_747 = tpu.vector_load %arg10[%get3A_745, %get3A_746] {strides = array<i32>} : memref<704x128xf32, #tpu.memory_space<vmem>>, vector<1x16xf32>,
        %get3A_748 = vector.shape_cast %get3A_747 : vector<1x16xf32> to vector<16xf32>
        %mul3A_749 = vector.broadcast %squeeze3A_159 : f32 to vector<16xf32>
        %mul3A_750 = arith.mulf %mul3A_749, %get3A_748 : vector<16xf32>
        %add3A_751 = arith.addf %add3A_742, %mul3A_750 : vector<16xf32>
        %add3A_752 = arith.constant 7 : i32
        %add3A_753 = arith.addi %add3A_182, %add3A_752 : i32
        %get3A_754 = arith.index_cast %add3A_753 : i32 to index
        %get3A_755 = arith.constant 80 : index
        %get3A_756 = tpu.vector_load %arg10[%get3A_754, %get3A_755] {strides = array<i32>} : memref<704x128xf32, #tpu.memory_space<vmem>>, vector<1x16xf32>,
        %get3A_757 = vector.shape_cast %get3A_756 : vector<1x16xf32> to vector<16xf32>
        %mul3A_758 = vector.broadcast %squeeze3A_161 : f32 to vector<16xf32>
        %mul3A_759 = arith.mulf %mul3A_758, %get3A_757 : vector<16xf32>
        %add3A_760 = arith.addf %add3A_751, %mul3A_759 : vector<16xf32>
        %add3A_761 = arith.constant 8 : i32
        %add3A_762 = arith.addi %add3A_182, %add3A_761 : i32
        %get3A_763 = arith.index_cast %add3A_762 : i32 to index
        %get3A_764 = arith.constant 80 : index
        %get3A_765 = tpu.vector_load %arg10[%get3A_763, %get3A_764] {strides = array<i32>} : memref<704x128xf32, #tpu.memory_space<vmem>>, vector<1x16xf32>,
        %get3A_766 = vector.shape_cast %get3A_765 : vector<1x16xf32> to vector<16xf32>
        %mul3A_767 = vector.broadcast %squeeze3A_163 : f32 to vector<16xf32>
        %mul3A_768 = arith.mulf %mul3A_767, %get3A_766 : vector<16xf32>
        %add3A_769 = arith.addf %add3A_760, %mul3A_768 : vector<16xf32>
        %add3A_770 = arith.constant 9 : i32
        %add3A_771 = arith.addi %add3A_182, %add3A_770 : i32
        %get3A_772 = arith.index_cast %add3A_771 : i32 to index
        %get3A_773 = arith.constant 80 : index
        %get3A_774 = tpu.vector_load %arg10[%get3A_772, %get3A_773] {strides = array<i32>} : memref<704x128xf32, #tpu.memory_space<vmem>>, vector<1x16xf32>,
        %get3A_775 = vector.shape_cast %get3A_774 : vector<1x16xf32> to vector<16xf32>
        %mul3A_776 = vector.broadcast %squeeze3A_165 : f32 to vector<16xf32>
        %mul3A_777 = arith.mulf %mul3A_776, %get3A_775 : vector<16xf32>
        %add3A_778 = arith.addf %add3A_769, %mul3A_777 : vector<16xf32>
        %add3A_779 = arith.constant 10 : i32
        %add3A_780 = arith.addi %add3A_182, %add3A_779 : i32
        %get3A_781 = arith.index_cast %add3A_780 : i32 to index
        %get3A_782 = arith.constant 80 : index
        %get3A_783 = tpu.vector_load %arg10[%get3A_781, %get3A_782] {strides = array<i32>} : memref<704x128xf32, #tpu.memory_space<vmem>>, vector<1x16xf32>,
        %get3A_784 = vector.shape_cast %get3A_783 : vector<1x16xf32> to vector<16xf32>
        %mul3A_785 = vector.broadcast %squeeze3A_167 : f32 to vector<16xf32>
        %mul3A_786 = arith.mulf %mul3A_785, %get3A_784 : vector<16xf32>
        %add3A_787 = arith.addf %add3A_778, %mul3A_786 : vector<16xf32>
        %mul3A_788 = arith.mulf %add3A_787, %div3A_179 : vector<16xf32>
        %swap3A_789 = arith.index_cast %add3A_139 : i32 to index
        %swap3A_790 = arith.constant 80 : index
        %swap3A_791 = tpu.vector_load %arg11[%swap3A_789, %swap3A_790] {strides = array<i32>} : memref<128x128xf32, #tpu.memory_space<vmem>>, vector<1x16xf32>,
        %swap3A_792 = vector.shape_cast %swap3A_791 : vector<1x16xf32> to vector<16xf32>
        %swap3A_793 = vector.shape_cast %mul3A_788 : vector<16xf32> to vector<1x16xf32>
        tpu.vector_store %arg11[%swap3A_789, %swap3A_790], %swap3A_793 {strides = array<i32>} : memref<128x128xf32, #tpu.memory_space<vmem>>, vector<1x16xf32>,
        %get3A_794 = arith.index_cast %add3A_182 : i32 to index
        %get3A_795 = arith.constant 96 : index
        %get3A_796 = tpu.vector_load %arg10[%get3A_794, %get3A_795] {strides = array<i32>} : memref<704x128xf32, #tpu.memory_space<vmem>>, vector<1x16xf32>,
        %get3A_797 = vector.shape_cast %get3A_796 : vector<1x16xf32> to vector<16xf32>
        %mul3A_798 = vector.broadcast %squeeze3A : f32 to vector<16xf32>
        %mul3A_799 = arith.mulf %mul3A_798, %get3A_797 : vector<16xf32>
        %add3A_800 = arith.constant 1 : i32
        %add3A_801 = arith.addi %add3A_182, %add3A_800 : i32
        %get3A_802 = arith.index_cast %add3A_801 : i32 to index
        %get3A_803 = arith.constant 96 : index
        %get3A_804 = tpu.vector_load %arg10[%get3A_802, %get3A_803] {strides = array<i32>} : memref<704x128xf32, #tpu.memory_space<vmem>>, vector<1x16xf32>,
        %get3A_805 = vector.shape_cast %get3A_804 : vector<1x16xf32> to vector<16xf32>
        %mul3A_806 = vector.broadcast %squeeze3A_149 : f32 to vector<16xf32>
        %mul3A_807 = arith.mulf %mul3A_806, %get3A_805 : vector<16xf32>
        %add3A_808 = arith.addf %mul3A_799, %mul3A_807 : vector<16xf32>
        %add3A_809 = arith.constant 2 : i32
        %add3A_810 = arith.addi %add3A_182, %add3A_809 : i32
        %get3A_811 = arith.index_cast %add3A_810 : i32 to index
        %get3A_812 = arith.constant 96 : index
        %get3A_813 = tpu.vector_load %arg10[%get3A_811, %get3A_812] {strides = array<i32>} : memref<704x128xf32, #tpu.memory_space<vmem>>, vector<1x16xf32>,
        %get3A_814 = vector.shape_cast %get3A_813 : vector<1x16xf32> to vector<16xf32>
        %mul3A_815 = vector.broadcast %squeeze3A_151 : f32 to vector<16xf32>
        %mul3A_816 = arith.mulf %mul3A_815, %get3A_814 : vector<16xf32>
        %add3A_817 = arith.addf %add3A_808, %mul3A_816 : vector<16xf32>
        %add3A_818 = arith.constant 3 : i32
        %add3A_819 = arith.addi %add3A_182, %add3A_818 : i32
        %get3A_820 = arith.index_cast %add3A_819 : i32 to index
        %get3A_821 = arith.constant 96 : index
        %get3A_822 = tpu.vector_load %arg10[%get3A_820, %get3A_821] {strides = array<i32>} : memref<704x128xf32, #tpu.memory_space<vmem>>, vector<1x16xf32>,
        %get3A_823 = vector.shape_cast %get3A_822 : vector<1x16xf32> to vector<16xf32>
        %mul3A_824 = vector.broadcast %squeeze3A_153 : f32 to vector<16xf32>
        %mul3A_825 = arith.mulf %mul3A_824, %get3A_823 : vector<16xf32>
        %add3A_826 = arith.addf %add3A_817, %mul3A_825 : vector<16xf32>
        %add3A_827 = arith.constant 4 : i32
        %add3A_828 = arith.addi %add3A_182, %add3A_827 : i32
        %get3A_829 = arith.index_cast %add3A_828 : i32 to index
        %get3A_830 = arith.constant 96 : index
        %get3A_831 = tpu.vector_load %arg10[%get3A_829, %get3A_830] {strides = array<i32>} : memref<704x128xf32, #tpu.memory_space<vmem>>, vector<1x16xf32>,
        %get3A_832 = vector.shape_cast %get3A_831 : vector<1x16xf32> to vector<16xf32>
        %mul3A_833 = vector.broadcast %squeeze3A_155 : f32 to vector<16xf32>
        %mul3A_834 = arith.mulf %mul3A_833, %get3A_832 : vector<16xf32>
        %add3A_835 = arith.addf %add3A_826, %mul3A_834 : vector<16xf32>
        %add3A_836 = arith.constant 5 : i32
        %add3A_837 = arith.addi %add3A_182, %add3A_836 : i32
        %get3A_838 = arith.index_cast %add3A_837 : i32 to index
        %get3A_839 = arith.constant 96 : index
        %get3A_840 = tpu.vector_load %arg10[%get3A_838, %get3A_839] {strides = array<i32>} : memref<704x128xf32, #tpu.memory_space<vmem>>, vector<1x16xf32>,
        %get3A_841 = vector.shape_cast %get3A_840 : vector<1x16xf32> to vector<16xf32>
        %mul3A_842 = vector.broadcast %squeeze3A_157 : f32 to vector<16xf32>
        %mul3A_843 = arith.mulf %mul3A_842, %get3A_841 : vector<16xf32>
        %add3A_844 = arith.addf %add3A_835, %mul3A_843 : vector<16xf32>
        %add3A_845 = arith.constant 6 : i32
        %add3A_846 = arith.addi %add3A_182, %add3A_845 : i32
        %get3A_847 = arith.index_cast %add3A_846 : i32 to index
        %get3A_848 = arith.constant 96 : index
        %get3A_849 = tpu.vector_load %arg10[%get3A_847, %get3A_848] {strides = array<i32>} : memref<704x128xf32, #tpu.memory_space<vmem>>, vector<1x16xf32>,
        %get3A_850 = vector.shape_cast %get3A_849 : vector<1x16xf32> to vector<16xf32>
        %mul3A_851 = vector.broadcast %squeeze3A_159 : f32 to vector<16xf32>
        %mul3A_852 = arith.mulf %mul3A_851, %get3A_850 : vector<16xf32>
        %add3A_853 = arith.addf %add3A_844, %mul3A_852 : vector<16xf32>
        %add3A_854 = arith.constant 7 : i32
        %add3A_855 = arith.addi %add3A_182, %add3A_854 : i32
        %get3A_856 = arith.index_cast %add3A_855 : i32 to index
        %get3A_857 = arith.constant 96 : index
        %get3A_858 = tpu.vector_load %arg10[%get3A_856, %get3A_857] {strides = array<i32>} : memref<704x128xf32, #tpu.memory_space<vmem>>, vector<1x16xf32>,
        %get3A_859 = vector.shape_cast %get3A_858 : vector<1x16xf32> to vector<16xf32>
        %mul3A_860 = vector.broadcast %squeeze3A_161 : f32 to vector<16xf32>
        %mul3A_861 = arith.mulf %mul3A_860, %get3A_859 : vector<16xf32>
        %add3A_862 = arith.addf %add3A_853, %mul3A_861 : vector<16xf32>
        %add3A_863 = arith.constant 8 : i32
        %add3A_864 = arith.addi %add3A_182, %add3A_863 : i32
        %get3A_865 = arith.index_cast %add3A_864 : i32 to index
        %get3A_866 = arith.constant 96 : index
        %get3A_867 = tpu.vector_load %arg10[%get3A_865, %get3A_866] {strides = array<i32>} : memref<704x128xf32, #tpu.memory_space<vmem>>, vector<1x16xf32>,
        %get3A_868 = vector.shape_cast %get3A_867 : vector<1x16xf32> to vector<16xf32>
        %mul3A_869 = vector.broadcast %squeeze3A_163 : f32 to vector<16xf32>
        %mul3A_870 = arith.mulf %mul3A_869, %get3A_868 : vector<16xf32>
        %add3A_871 = arith.addf %add3A_862, %mul3A_870 : vector<16xf32>
        %add3A_872 = arith.constant 9 : i32
        %add3A_873 = arith.addi %add3A_182, %add3A_872 : i32
        %get3A_874 = arith.index_cast %add3A_873 : i32 to index
        %get3A_875 = arith.constant 96 : index
        %get3A_876 = tpu.vector_load %arg10[%get3A_874, %get3A_875] {strides = array<i32>} : memref<704x128xf32, #tpu.memory_space<vmem>>, vector<1x16xf32>,
        %get3A_877 = vector.shape_cast %get3A_876 : vector<1x16xf32> to vector<16xf32>
        %mul3A_878 = vector.broadcast %squeeze3A_165 : f32 to vector<16xf32>
        %mul3A_879 = arith.mulf %mul3A_878, %get3A_877 : vector<16xf32>
        %add3A_880 = arith.addf %add3A_871, %mul3A_879 : vector<16xf32>
        %add3A_881 = arith.constant 10 : i32
        %add3A_882 = arith.addi %add3A_182, %add3A_881 : i32
        %get3A_883 = arith.index_cast %add3A_882 : i32 to index
        %get3A_884 = arith.constant 96 : index
        %get3A_885 = tpu.vector_load %arg10[%get3A_883, %get3A_884] {strides = array<i32>} : memref<704x128xf32, #tpu.memory_space<vmem>>, vector<1x16xf32>,
        %get3A_886 = vector.shape_cast %get3A_885 : vector<1x16xf32> to vector<16xf32>
        %mul3A_887 = vector.broadcast %squeeze3A_167 : f32 to vector<16xf32>
        %mul3A_888 = arith.mulf %mul3A_887, %get3A_886 : vector<16xf32>
        %add3A_889 = arith.addf %add3A_880, %mul3A_888 : vector<16xf32>
        %mul3A_890 = arith.mulf %add3A_889, %div3A_179 : vector<16xf32>
        %swap3A_891 = arith.index_cast %add3A_139 : i32 to index
        %swap3A_892 = arith.constant 96 : index
        %swap3A_893 = tpu.vector_load %arg11[%swap3A_891, %swap3A_892] {strides = array<i32>} : memref<128x128xf32, #tpu.memory_space<vmem>>, vector<1x16xf32>,
        %swap3A_894 = vector.shape_cast %swap3A_893 : vector<1x16xf32> to vector<16xf32>
        %swap3A_895 = vector.shape_cast %mul3A_890 : vector<16xf32> to vector<1x16xf32>
        tpu.vector_store %arg11[%swap3A_891, %swap3A_892], %swap3A_895 {strides = array<i32>} : memref<128x128xf32, #tpu.memory_space<vmem>>, vector<1x16xf32>,
        %get3A_896 = arith.index_cast %add3A_182 : i32 to index
        %get3A_897 = arith.constant 112 : index
        %get3A_898 = tpu.vector_load %arg10[%get3A_896, %get3A_897] {strides = array<i32>} : memref<704x128xf32, #tpu.memory_space<vmem>>, vector<1x16xf32>,
        %get3A_899 = vector.shape_cast %get3A_898 : vector<1x16xf32> to vector<16xf32>
        %mul3A_900 = vector.broadcast %squeeze3A : f32 to vector<16xf32>
        %mul3A_901 = arith.mulf %mul3A_900, %get3A_899 : vector<16xf32>
        %add3A_902 = arith.constant 1 : i32
        %add3A_903 = arith.addi %add3A_182, %add3A_902 : i32
        %get3A_904 = arith.index_cast %add3A_903 : i32 to index
        %get3A_905 = arith.constant 112 : index
        %get3A_906 = tpu.vector_load %arg10[%get3A_904, %get3A_905] {strides = array<i32>} : memref<704x128xf32, #tpu.memory_space<vmem>>, vector<1x16xf32>,
        %get3A_907 = vector.shape_cast %get3A_906 : vector<1x16xf32> to vector<16xf32>
        %mul3A_908 = vector.broadcast %squeeze3A_149 : f32 to vector<16xf32>
        %mul3A_909 = arith.mulf %mul3A_908, %get3A_907 : vector<16xf32>
        %add3A_910 = arith.addf %mul3A_901, %mul3A_909 : vector<16xf32>
        %add3A_911 = arith.constant 2 : i32
        %add3A_912 = arith.addi %add3A_182, %add3A_911 : i32
        %get3A_913 = arith.index_cast %add3A_912 : i32 to index
        %get3A_914 = arith.constant 112 : index
        %get3A_915 = tpu.vector_load %arg10[%get3A_913, %get3A_914] {strides = array<i32>} : memref<704x128xf32, #tpu.memory_space<vmem>>, vector<1x16xf32>,
        %get3A_916 = vector.shape_cast %get3A_915 : vector<1x16xf32> to vector<16xf32>
        %mul3A_917 = vector.broadcast %squeeze3A_151 : f32 to vector<16xf32>
        %mul3A_918 = arith.mulf %mul3A_917, %get3A_916 : vector<16xf32>
        %add3A_919 = arith.addf %add3A_910, %mul3A_918 : vector<16xf32>
        %add3A_920 = arith.constant 3 : i32
        %add3A_921 = arith.addi %add3A_182, %add3A_920 : i32
        %get3A_922 = arith.index_cast %add3A_921 : i32 to index
        %get3A_923 = arith.constant 112 : index
        %get3A_924 = tpu.vector_load %arg10[%get3A_922, %get3A_923] {strides = array<i32>} : memref<704x128xf32, #tpu.memory_space<vmem>>, vector<1x16xf32>,
        %get3A_925 = vector.shape_cast %get3A_924 : vector<1x16xf32> to vector<16xf32>
        %mul3A_926 = vector.broadcast %squeeze3A_153 : f32 to vector<16xf32>
        %mul3A_927 = arith.mulf %mul3A_926, %get3A_925 : vector<16xf32>
        %add3A_928 = arith.addf %add3A_919, %mul3A_927 : vector<16xf32>
        %add3A_929 = arith.constant 4 : i32
        %add3A_930 = arith.addi %add3A_182, %add3A_929 : i32
        %get3A_931 = arith.index_cast %add3A_930 : i32 to index
        %get3A_932 = arith.constant 112 : index
        %get3A_933 = tpu.vector_load %arg10[%get3A_931, %get3A_932] {strides = array<i32>} : memref<704x128xf32, #tpu.memory_space<vmem>>, vector<1x16xf32>,
        %get3A_934 = vector.shape_cast %get3A_933 : vector<1x16xf32> to vector<16xf32>
        %mul3A_935 = vector.broadcast %squeeze3A_155 : f32 to vector<16xf32>
        %mul3A_936 = arith.mulf %mul3A_935, %get3A_934 : vector<16xf32>
        %add3A_937 = arith.addf %add3A_928, %mul3A_936 : vector<16xf32>
        %add3A_938 = arith.constant 5 : i32
        %add3A_939 = arith.addi %add3A_182, %add3A_938 : i32
        %get3A_940 = arith.index_cast %add3A_939 : i32 to index
        %get3A_941 = arith.constant 112 : index
        %get3A_942 = tpu.vector_load %arg10[%get3A_940, %get3A_941] {strides = array<i32>} : memref<704x128xf32, #tpu.memory_space<vmem>>, vector<1x16xf32>,
        %get3A_943 = vector.shape_cast %get3A_942 : vector<1x16xf32> to vector<16xf32>
        %mul3A_944 = vector.broadcast %squeeze3A_157 : f32 to vector<16xf32>
        %mul3A_945 = arith.mulf %mul3A_944, %get3A_943 : vector<16xf32>
        %add3A_946 = arith.addf %add3A_937, %mul3A_945 : vector<16xf32>
        %add3A_947 = arith.constant 6 : i32
        %add3A_948 = arith.addi %add3A_182, %add3A_947 : i32
        %get3A_949 = arith.index_cast %add3A_948 : i32 to index
        %get3A_950 = arith.constant 112 : index
        %get3A_951 = tpu.vector_load %arg10[%get3A_949, %get3A_950] {strides = array<i32>} : memref<704x128xf32, #tpu.memory_space<vmem>>, vector<1x16xf32>,
        %get3A_952 = vector.shape_cast %get3A_951 : vector<1x16xf32> to vector<16xf32>
        %mul3A_953 = vector.broadcast %squeeze3A_159 : f32 to vector<16xf32>
        %mul3A_954 = arith.mulf %mul3A_953, %get3A_952 : vector<16xf32>
        %add3A_955 = arith.addf %add3A_946, %mul3A_954 : vector<16xf32>
        %add3A_956 = arith.constant 7 : i32
        %add3A_957 = arith.addi %add3A_182, %add3A_956 : i32
        %get3A_958 = arith.index_cast %add3A_957 : i32 to index
        %get3A_959 = arith.constant 112 : index
        %get3A_960 = tpu.vector_load %arg10[%get3A_958, %get3A_959] {strides = array<i32>} : memref<704x128xf32, #tpu.memory_space<vmem>>, vector<1x16xf32>,
        %get3A_961 = vector.shape_cast %get3A_960 : vector<1x16xf32> to vector<16xf32>
        %mul3A_962 = vector.broadcast %squeeze3A_161 : f32 to vector<16xf32>
        %mul3A_963 = arith.mulf %mul3A_962, %get3A_961 : vector<16xf32>
        %add3A_964 = arith.addf %add3A_955, %mul3A_963 : vector<16xf32>
        %add3A_965 = arith.constant 8 : i32
        %add3A_966 = arith.addi %add3A_182, %add3A_965 : i32
        %get3A_967 = arith.index_cast %add3A_966 : i32 to index
        %get3A_968 = arith.constant 112 : index
        %get3A_969 = tpu.vector_load %arg10[%get3A_967, %get3A_968] {strides = array<i32>} : memref<704x128xf32, #tpu.memory_space<vmem>>, vector<1x16xf32>,
        %get3A_970 = vector.shape_cast %get3A_969 : vector<1x16xf32> to vector<16xf32>
        %mul3A_971 = vector.broadcast %squeeze3A_163 : f32 to vector<16xf32>
        %mul3A_972 = arith.mulf %mul3A_971, %get3A_970 : vector<16xf32>
        %add3A_973 = arith.addf %add3A_964, %mul3A_972 : vector<16xf32>
        %add3A_974 = arith.constant 9 : i32
        %add3A_975 = arith.addi %add3A_182, %add3A_974 : i32
        %get3A_976 = arith.index_cast %add3A_975 : i32 to index
        %get3A_977 = arith.constant 112 : index
        %get3A_978 = tpu.vector_load %arg10[%get3A_976, %get3A_977] {strides = array<i32>} : memref<704x128xf32, #tpu.memory_space<vmem>>, vector<1x16xf32>,
        %get3A_979 = vector.shape_cast %get3A_978 : vector<1x16xf32> to vector<16xf32>
        %mul3A_980 = vector.broadcast %squeeze3A_165 : f32 to vector<16xf32>
        %mul3A_981 = arith.mulf %mul3A_980, %get3A_979 : vector<16xf32>
        %add3A_982 = arith.addf %add3A_973, %mul3A_981 : vector<16xf32>
        %add3A_983 = arith.constant 10 : i32
        %add3A_984 = arith.addi %add3A_182, %add3A_983 : i32
        %get3A_985 = arith.index_cast %add3A_984 : i32 to index
        %get3A_986 = arith.constant 112 : index
        %get3A_987 = tpu.vector_load %arg10[%get3A_985, %get3A_986] {strides = array<i32>} : memref<704x128xf32, #tpu.memory_space<vmem>>, vector<1x16xf32>,
        %get3A_988 = vector.shape_cast %get3A_987 : vector<1x16xf32> to vector<16xf32>
        %mul3A_989 = vector.broadcast %squeeze3A_167 : f32 to vector<16xf32>
        %mul3A_990 = arith.mulf %mul3A_989, %get3A_988 : vector<16xf32>
        %add3A_991 = arith.addf %add3A_982, %mul3A_990 : vector<16xf32>
        %mul3A_992 = arith.mulf %add3A_991, %div3A_179 : vector<16xf32>
        %swap3A_993 = arith.index_cast %add3A_139 : i32 to index
        %swap3A_994 = arith.constant 112 : index
        %swap3A_995 = tpu.vector_load %arg11[%swap3A_993, %swap3A_994] {strides = array<i32>} : memref<128x128xf32, #tpu.memory_space<vmem>>, vector<1x16xf32>,
        %swap3A_996 = vector.shape_cast %swap3A_995 : vector<1x16xf32> to vector<16xf32>
        %swap3A_997 = vector.shape_cast %mul3A_992 : vector<16xf32> to vector<1x16xf32>
        tpu.vector_store %arg11[%swap3A_993, %swap3A_994], %swap3A_997 {strides = array<i32>} : memref<128x128xf32, #tpu.memory_space<vmem>>, vector<1x16xf32>,
        %scan3A_998 = arith.constant 1 : i32
        %scan3A_999 = arith.addi %scan3A_136, %scan3A_998 : i32
        %mul3A_1000 = arith.constant 32 : i32
        %mul3A_1001 = arith.muli %scan3A_100, %mul3A_1000 : i32
        %add3A_1002 = arith.addi %mul3A_1001, %scan3A_999 : i32
        %mul3A_1003 = arith.constant 11 : i32
        %mul3A_1004 = arith.muli %add3A_1002, %mul3A_1003 : i32
        %get3A_1005 = arith.index_cast %mul3A_1004 : i32 to index
        %get3A_1006 = tpu.vector_load %arg8[%get3A_1005] {strides = array<i32>} : memref<1416xf32, #tpu.memory_space<vmem>>, vector<16xf32>,
        %get3A_1007 = vector.shape_cast %get3A_1006 : vector<16xf32> to vector<16xf32>
        %get3A_1008 = arith.index_cast %mul3A_1004 : i32 to index
        %get3A_1009 = tpu.vector_load %arg9[%get3A_1008] {strides = array<i32>} : memref<1416xf32, #tpu.memory_space<vmem>>, vector<16xf32>,
        %get3A_1010 = vector.shape_cast %get3A_1009 : vector<16xf32> to vector<16xf32>
        %add3A_1011 = arith.addf %get3A_1007, %get3A_1010 : vector<16xf32>
        %slice3A_1012 = vector.extract_strided_slice %add3A_1011 {offsets = [0], sizes = [1], strides = [1]} : vector<16xf32> to vector<1xf32>
        %squeeze3A_1013 = vector.extract %slice3A_1012[0] : f32 from vector<1xf32>
        %slice3A_1014 = vector.extract_strided_slice %add3A_1011 {offsets = [1], sizes = [1], strides = [1]} : vector<16xf32> to vector<1xf32>
        %squeeze3A_1015 = vector.extract %slice3A_1014[0] : f32 from vector<1xf32>
        %slice3A_1016 = vector.extract_strided_slice %add3A_1011 {offsets = [2], sizes = [1], strides = [1]} : vector<16xf32> to vector<1xf32>
        %squeeze3A_1017 = vector.extract %slice3A_1016[0] : f32 from vector<1xf32>
        %slice3A_1018 = vector.extract_strided_slice %add3A_1011 {offsets = [3], sizes = [1], strides = [1]} : vector<16xf32> to vector<1xf32>
        %squeeze3A_1019 = vector.extract %slice3A_1018[0] : f32 from vector<1xf32>
        %slice3A_1020 = vector.extract_strided_slice %add3A_1011 {offsets = [4], sizes = [1], strides = [1]} : vector<16xf32> to vector<1xf32>
        %squeeze3A_1021 = vector.extract %slice3A_1020[0] : f32 from vector<1xf32>
        %slice3A_1022 = vector.extract_strided_slice %add3A_1011 {offsets = [5], sizes = [1], strides = [1]} : vector<16xf32> to vector<1xf32>
        %squeeze3A_1023 = vector.extract %slice3A_1022[0] : f32 from vector<1xf32>
        %slice3A_1024 = vector.extract_strided_slice %add3A_1011 {offsets = [6], sizes = [1], strides = [1]} : vector<16xf32> to vector<1xf32>
        %squeeze3A_1025 = vector.extract %slice3A_1024[0] : f32 from vector<1xf32>
        %slice3A_1026 = vector.extract_strided_slice %add3A_1011 {offsets = [7], sizes = [1], strides = [1]} : vector<16xf32> to vector<1xf32>
        %squeeze3A_1027 = vector.extract %slice3A_1026[0] : f32 from vector<1xf32>
        %slice3A_1028 = vector.extract_strided_slice %add3A_1011 {offsets = [8], sizes = [1], strides = [1]} : vector<16xf32> to vector<1xf32>
        %squeeze3A_1029 = vector.extract %slice3A_1028[0] : f32 from vector<1xf32>
        %slice3A_1030 = vector.extract_strided_slice %add3A_1011 {offsets = [9], sizes = [1], strides = [1]} : vector<16xf32> to vector<1xf32>
        %squeeze3A_1031 = vector.extract %slice3A_1030[0] : f32 from vector<1xf32>
        %slice3A_1032 = vector.extract_strided_slice %add3A_1011 {offsets = [10], sizes = [1], strides = [1]} : vector<16xf32> to vector<1xf32>
        %squeeze3A_1033 = vector.extract %slice3A_1032[0] : f32 from vector<1xf32>
        %add3A_1034 = arith.addf %squeeze3A_1013, %squeeze3A_1015 : f32
        %add3A_1035 = arith.addf %add3A_1034, %squeeze3A_1017 : f32
        %add3A_1036 = arith.addf %add3A_1035, %squeeze3A_1019 : f32
        %add3A_1037 = arith.addf %add3A_1036, %squeeze3A_1021 : f32
        %add3A_1038 = arith.addf %add3A_1037, %squeeze3A_1023 : f32
        %add3A_1039 = arith.addf %add3A_1038, %squeeze3A_1025 : f32
        %add3A_1040 = arith.addf %add3A_1039, %squeeze3A_1027 : f32
        %add3A_1041 = arith.addf %add3A_1040, %squeeze3A_1029 : f32
        %add3A_1042 = arith.addf %add3A_1041, %squeeze3A_1031 : f32
        %add3A_1043 = arith.addf %add3A_1042, %squeeze3A_1033 : f32
        %broadcast_in_dim3A_1044 = vector.broadcast %add3A_1043 : f32 to vector<16xf32>
        %div3A_1045 = arith.constant 1.000000e+00 : f32
        %div3A_1046 = vector.broadcast %div3A_1045 : f32 to vector<16xf32>
        %div3A_1047 = arith.divf %div3A_1046, %broadcast_in_dim3A_1044 : vector<16xf32>
        %mul3A_1048 = arith.constant 11 : i32
        %mul3A_1049 = arith.muli %scan3A_999, %mul3A_1048 : i32
        %add3A_1050 = arith.addi %mul3A_116, %mul3A_1049 : i32
        %get3A_1051 = arith.index_cast %add3A_1050 : i32 to index
        %get3A_1052 = arith.constant 0 : index
        %get3A_1053 = tpu.vector_load %arg10[%get3A_1051, %get3A_1052] {strides = array<i32>} : memref<704x128xf32, #tpu.memory_space<vmem>>, vector<1x16xf32>,
        %get3A_1054 = vector.shape_cast %get3A_1053 : vector<1x16xf32> to vector<16xf32>
        %mul3A_1055 = vector.broadcast %squeeze3A_1013 : f32 to vector<16xf32>
        %mul3A_1056 = arith.mulf %mul3A_1055, %get3A_1054 : vector<16xf32>
        %add3A_1057 = arith.constant 1 : i32
        %add3A_1058 = arith.addi %add3A_1050, %add3A_1057 : i32
        %get3A_1059 = arith.index_cast %add3A_1058 : i32 to index
        %get3A_1060 = arith.constant 0 : index
        %get3A_1061 = tpu.vector_load %arg10[%get3A_1059, %get3A_1060] {strides = array<i32>} : memref<704x128xf32, #tpu.memory_space<vmem>>, vector<1x16xf32>,
        %get3A_1062 = vector.shape_cast %get3A_1061 : vector<1x16xf32> to vector<16xf32>
        %mul3A_1063 = vector.broadcast %squeeze3A_1015 : f32 to vector<16xf32>
        %mul3A_1064 = arith.mulf %mul3A_1063, %get3A_1062 : vector<16xf32>
        %add3A_1065 = arith.addf %mul3A_1056, %mul3A_1064 : vector<16xf32>
        %add3A_1066 = arith.constant 2 : i32
        %add3A_1067 = arith.addi %add3A_1050, %add3A_1066 : i32
        %get3A_1068 = arith.index_cast %add3A_1067 : i32 to index
        %get3A_1069 = arith.constant 0 : index
        %get3A_1070 = tpu.vector_load %arg10[%get3A_1068, %get3A_1069] {strides = array<i32>} : memref<704x128xf32, #tpu.memory_space<vmem>>, vector<1x16xf32>,
        %get3A_1071 = vector.shape_cast %get3A_1070 : vector<1x16xf32> to vector<16xf32>
        %mul3A_1072 = vector.broadcast %squeeze3A_1017 : f32 to vector<16xf32>
        %mul3A_1073 = arith.mulf %mul3A_1072, %get3A_1071 : vector<16xf32>
        %add3A_1074 = arith.addf %add3A_1065, %mul3A_1073 : vector<16xf32>
        %add3A_1075 = arith.constant 3 : i32
        %add3A_1076 = arith.addi %add3A_1050, %add3A_1075 : i32
        %get3A_1077 = arith.index_cast %add3A_1076 : i32 to index
        %get3A_1078 = arith.constant 0 : index
        %get3A_1079 = tpu.vector_load %arg10[%get3A_1077, %get3A_1078] {strides = array<i32>} : memref<704x128xf32, #tpu.memory_space<vmem>>, vector<1x16xf32>,
        %get3A_1080 = vector.shape_cast %get3A_1079 : vector<1x16xf32> to vector<16xf32>
        %mul3A_1081 = vector.broadcast %squeeze3A_1019 : f32 to vector<16xf32>
        %mul3A_1082 = arith.mulf %mul3A_1081, %get3A_1080 : vector<16xf32>
        %add3A_1083 = arith.addf %add3A_1074, %mul3A_1082 : vector<16xf32>
        %add3A_1084 = arith.constant 4 : i32
        %add3A_1085 = arith.addi %add3A_1050, %add3A_1084 : i32
        %get3A_1086 = arith.index_cast %add3A_1085 : i32 to index
        %get3A_1087 = arith.constant 0 : index
        %get3A_1088 = tpu.vector_load %arg10[%get3A_1086, %get3A_1087] {strides = array<i32>} : memref<704x128xf32, #tpu.memory_space<vmem>>, vector<1x16xf32>,
        %get3A_1089 = vector.shape_cast %get3A_1088 : vector<1x16xf32> to vector<16xf32>
        %mul3A_1090 = vector.broadcast %squeeze3A_1021 : f32 to vector<16xf32>
        %mul3A_1091 = arith.mulf %mul3A_1090, %get3A_1089 : vector<16xf32>
        %add3A_1092 = arith.addf %add3A_1083, %mul3A_1091 : vector<16xf32>
        %add3A_1093 = arith.constant 5 : i32
        %add3A_1094 = arith.addi %add3A_1050, %add3A_1093 : i32
        %get3A_1095 = arith.index_cast %add3A_1094 : i32 to index
        %get3A_1096 = arith.constant 0 : index
        %get3A_1097 = tpu.vector_load %arg10[%get3A_1095, %get3A_1096] {strides = array<i32>} : memref<704x128xf32, #tpu.memory_space<vmem>>, vector<1x16xf32>,
        %get3A_1098 = vector.shape_cast %get3A_1097 : vector<1x16xf32> to vector<16xf32>
        %mul3A_1099 = vector.broadcast %squeeze3A_1023 : f32 to vector<16xf32>
        %mul3A_1100 = arith.mulf %mul3A_1099, %get3A_1098 : vector<16xf32>
        %add3A_1101 = arith.addf %add3A_1092, %mul3A_1100 : vector<16xf32>
        %add3A_1102 = arith.constant 6 : i32
        %add3A_1103 = arith.addi %add3A_1050, %add3A_1102 : i32
        %get3A_1104 = arith.index_cast %add3A_1103 : i32 to index
        %get3A_1105 = arith.constant 0 : index
        %get3A_1106 = tpu.vector_load %arg10[%get3A_1104, %get3A_1105] {strides = array<i32>} : memref<704x128xf32, #tpu.memory_space<vmem>>, vector<1x16xf32>,
        %get3A_1107 = vector.shape_cast %get3A_1106 : vector<1x16xf32> to vector<16xf32>
        %mul3A_1108 = vector.broadcast %squeeze3A_1025 : f32 to vector<16xf32>
        %mul3A_1109 = arith.mulf %mul3A_1108, %get3A_1107 : vector<16xf32>
        %add3A_1110 = arith.addf %add3A_1101, %mul3A_1109 : vector<16xf32>
        %add3A_1111 = arith.constant 7 : i32
        %add3A_1112 = arith.addi %add3A_1050, %add3A_1111 : i32
        %get3A_1113 = arith.index_cast %add3A_1112 : i32 to index
        %get3A_1114 = arith.constant 0 : index
        %get3A_1115 = tpu.vector_load %arg10[%get3A_1113, %get3A_1114] {strides = array<i32>} : memref<704x128xf32, #tpu.memory_space<vmem>>, vector<1x16xf32>,
        %get3A_1116 = vector.shape_cast %get3A_1115 : vector<1x16xf32> to vector<16xf32>
        %mul3A_1117 = vector.broadcast %squeeze3A_1027 : f32 to vector<16xf32>
        %mul3A_1118 = arith.mulf %mul3A_1117, %get3A_1116 : vector<16xf32>
        %add3A_1119 = arith.addf %add3A_1110, %mul3A_1118 : vector<16xf32>
        %add3A_1120 = arith.constant 8 : i32
        %add3A_1121 = arith.addi %add3A_1050, %add3A_1120 : i32
        %get3A_1122 = arith.index_cast %add3A_1121 : i32 to index
        %get3A_1123 = arith.constant 0 : index
        %get3A_1124 = tpu.vector_load %arg10[%get3A_1122, %get3A_1123] {strides = array<i32>} : memref<704x128xf32, #tpu.memory_space<vmem>>, vector<1x16xf32>,
        %get3A_1125 = vector.shape_cast %get3A_1124 : vector<1x16xf32> to vector<16xf32>
        %mul3A_1126 = vector.broadcast %squeeze3A_1029 : f32 to vector<16xf32>
        %mul3A_1127 = arith.mulf %mul3A_1126, %get3A_1125 : vector<16xf32>
        %add3A_1128 = arith.addf %add3A_1119, %mul3A_1127 : vector<16xf32>
        %add3A_1129 = arith.constant 9 : i32
        %add3A_1130 = arith.addi %add3A_1050, %add3A_1129 : i32
        %get3A_1131 = arith.index_cast %add3A_1130 : i32 to index
        %get3A_1132 = arith.constant 0 : index
        %get3A_1133 = tpu.vector_load %arg10[%get3A_1131, %get3A_1132] {strides = array<i32>} : memref<704x128xf32, #tpu.memory_space<vmem>>, vector<1x16xf32>,
        %get3A_1134 = vector.shape_cast %get3A_1133 : vector<1x16xf32> to vector<16xf32>
        %mul3A_1135 = vector.broadcast %squeeze3A_1031 : f32 to vector<16xf32>
        %mul3A_1136 = arith.mulf %mul3A_1135, %get3A_1134 : vector<16xf32>
        %add3A_1137 = arith.addf %add3A_1128, %mul3A_1136 : vector<16xf32>
        %add3A_1138 = arith.constant 10 : i32
        %add3A_1139 = arith.addi %add3A_1050, %add3A_1138 : i32
        %get3A_1140 = arith.index_cast %add3A_1139 : i32 to index
        %get3A_1141 = arith.constant 0 : index
        %get3A_1142 = tpu.vector_load %arg10[%get3A_1140, %get3A_1141] {strides = array<i32>} : memref<704x128xf32, #tpu.memory_space<vmem>>, vector<1x16xf32>,
        %get3A_1143 = vector.shape_cast %get3A_1142 : vector<1x16xf32> to vector<16xf32>
        %mul3A_1144 = vector.broadcast %squeeze3A_1033 : f32 to vector<16xf32>
        %mul3A_1145 = arith.mulf %mul3A_1144, %get3A_1143 : vector<16xf32>
        %add3A_1146 = arith.addf %add3A_1137, %mul3A_1145 : vector<16xf32>
        %mul3A_1147 = arith.mulf %add3A_1146, %div3A_1047 : vector<16xf32>
        %swap3A_1148 = arith.index_cast %add3A_1002 : i32 to index
        %swap3A_1149 = arith.constant 0 : index
        %swap3A_1150 = tpu.vector_load %arg11[%swap3A_1148, %swap3A_1149] {strides = array<i32>} : memref<128x128xf32, #tpu.memory_space<vmem>>, vector<1x16xf32>,
        %swap3A_1151 = vector.shape_cast %swap3A_1150 : vector<1x16xf32> to vector<16xf32>
        %swap3A_1152 = vector.shape_cast %mul3A_1147 : vector<16xf32> to vector<1x16xf32>
        tpu.vector_store %arg11[%swap3A_1148, %swap3A_1149], %swap3A_1152 {strides = array<i32>} : memref<128x128xf32, #tpu.memory_space<vmem>>, vector<1x16xf32>,
        %get3A_1153 = arith.index_cast %add3A_1050 : i32 to index
        %get3A_1154 = arith.constant 16 : index
        %get3A_1155 = tpu.vector_load %arg10[%get3A_1153, %get3A_1154] {strides = array<i32>} : memref<704x128xf32, #tpu.memory_space<vmem>>, vector<1x16xf32>,
        %get3A_1156 = vector.shape_cast %get3A_1155 : vector<1x16xf32> to vector<16xf32>
        %mul3A_1157 = vector.broadcast %squeeze3A_1013 : f32 to vector<16xf32>
        %mul3A_1158 = arith.mulf %mul3A_1157, %get3A_1156 : vector<16xf32>
        %add3A_1159 = arith.constant 1 : i32
        %add3A_1160 = arith.addi %add3A_1050, %add3A_1159 : i32
        %get3A_1161 = arith.index_cast %add3A_1160 : i32 to index
        %get3A_1162 = arith.constant 16 : index
        %get3A_1163 = tpu.vector_load %arg10[%get3A_1161, %get3A_1162] {strides = array<i32>} : memref<704x128xf32, #tpu.memory_space<vmem>>, vector<1x16xf32>,
        %get3A_1164 = vector.shape_cast %get3A_1163 : vector<1x16xf32> to vector<16xf32>
        %mul3A_1165 = vector.broadcast %squeeze3A_1015 : f32 to vector<16xf32>
        %mul3A_1166 = arith.mulf %mul3A_1165, %get3A_1164 : vector<16xf32>
        %add3A_1167 = arith.addf %mul3A_1158, %mul3A_1166 : vector<16xf32>
        %add3A_1168 = arith.constant 2 : i32
        %add3A_1169 = arith.addi %add3A_1050, %add3A_1168 : i32
        %get3A_1170 = arith.index_cast %add3A_1169 : i32 to index
        %get3A_1171 = arith.constant 16 : index
        %get3A_1172 = tpu.vector_load %arg10[%get3A_1170, %get3A_1171] {strides = array<i32>} : memref<704x128xf32, #tpu.memory_space<vmem>>, vector<1x16xf32>,
        %get3A_1173 = vector.shape_cast %get3A_1172 : vector<1x16xf32> to vector<16xf32>
        %mul3A_1174 = vector.broadcast %squeeze3A_1017 : f32 to vector<16xf32>
        %mul3A_1175 = arith.mulf %mul3A_1174, %get3A_1173 : vector<16xf32>
        %add3A_1176 = arith.addf %add3A_1167, %mul3A_1175 : vector<16xf32>
        %add3A_1177 = arith.constant 3 : i32
        %add3A_1178 = arith.addi %add3A_1050, %add3A_1177 : i32
        %get3A_1179 = arith.index_cast %add3A_1178 : i32 to index
        %get3A_1180 = arith.constant 16 : index
        %get3A_1181 = tpu.vector_load %arg10[%get3A_1179, %get3A_1180] {strides = array<i32>} : memref<704x128xf32, #tpu.memory_space<vmem>>, vector<1x16xf32>,
        %get3A_1182 = vector.shape_cast %get3A_1181 : vector<1x16xf32> to vector<16xf32>
        %mul3A_1183 = vector.broadcast %squeeze3A_1019 : f32 to vector<16xf32>
        %mul3A_1184 = arith.mulf %mul3A_1183, %get3A_1182 : vector<16xf32>
        %add3A_1185 = arith.addf %add3A_1176, %mul3A_1184 : vector<16xf32>
        %add3A_1186 = arith.constant 4 : i32
        %add3A_1187 = arith.addi %add3A_1050, %add3A_1186 : i32
        %get3A_1188 = arith.index_cast %add3A_1187 : i32 to index
        %get3A_1189 = arith.constant 16 : index
        %get3A_1190 = tpu.vector_load %arg10[%get3A_1188, %get3A_1189] {strides = array<i32>} : memref<704x128xf32, #tpu.memory_space<vmem>>, vector<1x16xf32>,
        %get3A_1191 = vector.shape_cast %get3A_1190 : vector<1x16xf32> to vector<16xf32>
        %mul3A_1192 = vector.broadcast %squeeze3A_1021 : f32 to vector<16xf32>
        %mul3A_1193 = arith.mulf %mul3A_1192, %get3A_1191 : vector<16xf32>
        %add3A_1194 = arith.addf %add3A_1185, %mul3A_1193 : vector<16xf32>
        %add3A_1195 = arith.constant 5 : i32
        %add3A_1196 = arith.addi %add3A_1050, %add3A_1195 : i32
        %get3A_1197 = arith.index_cast %add3A_1196 : i32 to index
        %get3A_1198 = arith.constant 16 : index
        %get3A_1199 = tpu.vector_load %arg10[%get3A_1197, %get3A_1198] {strides = array<i32>} : memref<704x128xf32, #tpu.memory_space<vmem>>, vector<1x16xf32>,
        %get3A_1200 = vector.shape_cast %get3A_1199 : vector<1x16xf32> to vector<16xf32>
        %mul3A_1201 = vector.broadcast %squeeze3A_1023 : f32 to vector<16xf32>
        %mul3A_1202 = arith.mulf %mul3A_1201, %get3A_1200 : vector<16xf32>
        %add3A_1203 = arith.addf %add3A_1194, %mul3A_1202 : vector<16xf32>
        %add3A_1204 = arith.constant 6 : i32
        %add3A_1205 = arith.addi %add3A_1050, %add3A_1204 : i32
        %get3A_1206 = arith.index_cast %add3A_1205 : i32 to index
        %get3A_1207 = arith.constant 16 : index
        %get3A_1208 = tpu.vector_load %arg10[%get3A_1206, %get3A_1207] {strides = array<i32>} : memref<704x128xf32, #tpu.memory_space<vmem>>, vector<1x16xf32>,
        %get3A_1209 = vector.shape_cast %get3A_1208 : vector<1x16xf32> to vector<16xf32>
        %mul3A_1210 = vector.broadcast %squeeze3A_1025 : f32 to vector<16xf32>
        %mul3A_1211 = arith.mulf %mul3A_1210, %get3A_1209 : vector<16xf32>
        %add3A_1212 = arith.addf %add3A_1203, %mul3A_1211 : vector<16xf32>
        %add3A_1213 = arith.constant 7 : i32
        %add3A_1214 = arith.addi %add3A_1050, %add3A_1213 : i32
        %get3A_1215 = arith.index_cast %add3A_1214 : i32 to index
        %get3A_1216 = arith.constant 16 : index
        %get3A_1217 = tpu.vector_load %arg10[%get3A_1215, %get3A_1216] {strides = array<i32>} : memref<704x128xf32, #tpu.memory_space<vmem>>, vector<1x16xf32>,
        %get3A_1218 = vector.shape_cast %get3A_1217 : vector<1x16xf32> to vector<16xf32>
        %mul3A_1219 = vector.broadcast %squeeze3A_1027 : f32 to vector<16xf32>
        %mul3A_1220 = arith.mulf %mul3A_1219, %get3A_1218 : vector<16xf32>
        %add3A_1221 = arith.addf %add3A_1212, %mul3A_1220 : vector<16xf32>
        %add3A_1222 = arith.constant 8 : i32
        %add3A_1223 = arith.addi %add3A_1050, %add3A_1222 : i32
        %get3A_1224 = arith.index_cast %add3A_1223 : i32 to index
        %get3A_1225 = arith.constant 16 : index
        %get3A_1226 = tpu.vector_load %arg10[%get3A_1224, %get3A_1225] {strides = array<i32>} : memref<704x128xf32, #tpu.memory_space<vmem>>, vector<1x16xf32>,
        %get3A_1227 = vector.shape_cast %get3A_1226 : vector<1x16xf32> to vector<16xf32>
        %mul3A_1228 = vector.broadcast %squeeze3A_1029 : f32 to vector<16xf32>
        %mul3A_1229 = arith.mulf %mul3A_1228, %get3A_1227 : vector<16xf32>
        %add3A_1230 = arith.addf %add3A_1221, %mul3A_1229 : vector<16xf32>
        %add3A_1231 = arith.constant 9 : i32
        %add3A_1232 = arith.addi %add3A_1050, %add3A_1231 : i32
        %get3A_1233 = arith.index_cast %add3A_1232 : i32 to index
        %get3A_1234 = arith.constant 16 : index
        %get3A_1235 = tpu.vector_load %arg10[%get3A_1233, %get3A_1234] {strides = array<i32>} : memref<704x128xf32, #tpu.memory_space<vmem>>, vector<1x16xf32>,
        %get3A_1236 = vector.shape_cast %get3A_1235 : vector<1x16xf32> to vector<16xf32>
        %mul3A_1237 = vector.broadcast %squeeze3A_1031 : f32 to vector<16xf32>
        %mul3A_1238 = arith.mulf %mul3A_1237, %get3A_1236 : vector<16xf32>
        %add3A_1239 = arith.addf %add3A_1230, %mul3A_1238 : vector<16xf32>
        %add3A_1240 = arith.constant 10 : i32
        %add3A_1241 = arith.addi %add3A_1050, %add3A_1240 : i32
        %get3A_1242 = arith.index_cast %add3A_1241 : i32 to index
        %get3A_1243 = arith.constant 16 : index
        %get3A_1244 = tpu.vector_load %arg10[%get3A_1242, %get3A_1243] {strides = array<i32>} : memref<704x128xf32, #tpu.memory_space<vmem>>, vector<1x16xf32>,
        %get3A_1245 = vector.shape_cast %get3A_1244 : vector<1x16xf32> to vector<16xf32>
        %mul3A_1246 = vector.broadcast %squeeze3A_1033 : f32 to vector<16xf32>
        %mul3A_1247 = arith.mulf %mul3A_1246, %get3A_1245 : vector<16xf32>
        %add3A_1248 = arith.addf %add3A_1239, %mul3A_1247 : vector<16xf32>
        %mul3A_1249 = arith.mulf %add3A_1248, %div3A_1047 : vector<16xf32>
        %swap3A_1250 = arith.index_cast %add3A_1002 : i32 to index
        %swap3A_1251 = arith.constant 16 : index
        %swap3A_1252 = tpu.vector_load %arg11[%swap3A_1250, %swap3A_1251] {strides = array<i32>} : memref<128x128xf32, #tpu.memory_space<vmem>>, vector<1x16xf32>,
        %swap3A_1253 = vector.shape_cast %swap3A_1252 : vector<1x16xf32> to vector<16xf32>
        %swap3A_1254 = vector.shape_cast %mul3A_1249 : vector<16xf32> to vector<1x16xf32>
        tpu.vector_store %arg11[%swap3A_1250, %swap3A_1251], %swap3A_1254 {strides = array<i32>} : memref<128x128xf32, #tpu.memory_space<vmem>>, vector<1x16xf32>,
        %get3A_1255 = arith.index_cast %add3A_1050 : i32 to index
        %get3A_1256 = arith.constant 32 : index
        %get3A_1257 = tpu.vector_load %arg10[%get3A_1255, %get3A_1256] {strides = array<i32>} : memref<704x128xf32, #tpu.memory_space<vmem>>, vector<1x16xf32>,
        %get3A_1258 = vector.shape_cast %get3A_1257 : vector<1x16xf32> to vector<16xf32>
        %mul3A_1259 = vector.broadcast %squeeze3A_1013 : f32 to vector<16xf32>
        %mul3A_1260 = arith.mulf %mul3A_1259, %get3A_1258 : vector<16xf32>
        %add3A_1261 = arith.constant 1 : i32
        %add3A_1262 = arith.addi %add3A_1050, %add3A_1261 : i32
        %get3A_1263 = arith.index_cast %add3A_1262 : i32 to index
        %get3A_1264 = arith.constant 32 : index
        %get3A_1265 = tpu.vector_load %arg10[%get3A_1263, %get3A_1264] {strides = array<i32>} : memref<704x128xf32, #tpu.memory_space<vmem>>, vector<1x16xf32>,
        %get3A_1266 = vector.shape_cast %get3A_1265 : vector<1x16xf32> to vector<16xf32>
        %mul3A_1267 = vector.broadcast %squeeze3A_1015 : f32 to vector<16xf32>
        %mul3A_1268 = arith.mulf %mul3A_1267, %get3A_1266 : vector<16xf32>
        %add3A_1269 = arith.addf %mul3A_1260, %mul3A_1268 : vector<16xf32>
        %add3A_1270 = arith.constant 2 : i32
        %add3A_1271 = arith.addi %add3A_1050, %add3A_1270 : i32
        %get3A_1272 = arith.index_cast %add3A_1271 : i32 to index
        %get3A_1273 = arith.constant 32 : index
        %get3A_1274 = tpu.vector_load %arg10[%get3A_1272, %get3A_1273] {strides = array<i32>} : memref<704x128xf32, #tpu.memory_space<vmem>>, vector<1x16xf32>,
        %get3A_1275 = vector.shape_cast %get3A_1274 : vector<1x16xf32> to vector<16xf32>
        %mul3A_1276 = vector.broadcast %squeeze3A_1017 : f32 to vector<16xf32>
        %mul3A_1277 = arith.mulf %mul3A_1276, %get3A_1275 : vector<16xf32>
        %add3A_1278 = arith.addf %add3A_1269, %mul3A_1277 : vector<16xf32>
        %add3A_1279 = arith.constant 3 : i32
        %add3A_1280 = arith.addi %add3A_1050, %add3A_1279 : i32
        %get3A_1281 = arith.index_cast %add3A_1280 : i32 to index
        %get3A_1282 = arith.constant 32 : index
        %get3A_1283 = tpu.vector_load %arg10[%get3A_1281, %get3A_1282] {strides = array<i32>} : memref<704x128xf32, #tpu.memory_space<vmem>>, vector<1x16xf32>,
        %get3A_1284 = vector.shape_cast %get3A_1283 : vector<1x16xf32> to vector<16xf32>
        %mul3A_1285 = vector.broadcast %squeeze3A_1019 : f32 to vector<16xf32>
        %mul3A_1286 = arith.mulf %mul3A_1285, %get3A_1284 : vector<16xf32>
        %add3A_1287 = arith.addf %add3A_1278, %mul3A_1286 : vector<16xf32>
        %add3A_1288 = arith.constant 4 : i32
        %add3A_1289 = arith.addi %add3A_1050, %add3A_1288 : i32
        %get3A_1290 = arith.index_cast %add3A_1289 : i32 to index
        %get3A_1291 = arith.constant 32 : index
        %get3A_1292 = tpu.vector_load %arg10[%get3A_1290, %get3A_1291] {strides = array<i32>} : memref<704x128xf32, #tpu.memory_space<vmem>>, vector<1x16xf32>,
        %get3A_1293 = vector.shape_cast %get3A_1292 : vector<1x16xf32> to vector<16xf32>
        %mul3A_1294 = vector.broadcast %squeeze3A_1021 : f32 to vector<16xf32>
        %mul3A_1295 = arith.mulf %mul3A_1294, %get3A_1293 : vector<16xf32>
        %add3A_1296 = arith.addf %add3A_1287, %mul3A_1295 : vector<16xf32>
        %add3A_1297 = arith.constant 5 : i32
        %add3A_1298 = arith.addi %add3A_1050, %add3A_1297 : i32
        %get3A_1299 = arith.index_cast %add3A_1298 : i32 to index
        %get3A_1300 = arith.constant 32 : index
        %get3A_1301 = tpu.vector_load %arg10[%get3A_1299, %get3A_1300] {strides = array<i32>} : memref<704x128xf32, #tpu.memory_space<vmem>>, vector<1x16xf32>,
        %get3A_1302 = vector.shape_cast %get3A_1301 : vector<1x16xf32> to vector<16xf32>
        %mul3A_1303 = vector.broadcast %squeeze3A_1023 : f32 to vector<16xf32>
        %mul3A_1304 = arith.mulf %mul3A_1303, %get3A_1302 : vector<16xf32>
        %add3A_1305 = arith.addf %add3A_1296, %mul3A_1304 : vector<16xf32>
        %add3A_1306 = arith.constant 6 : i32
        %add3A_1307 = arith.addi %add3A_1050, %add3A_1306 : i32
        %get3A_1308 = arith.index_cast %add3A_1307 : i32 to index
        %get3A_1309 = arith.constant 32 : index
        %get3A_1310 = tpu.vector_load %arg10[%get3A_1308, %get3A_1309] {strides = array<i32>} : memref<704x128xf32, #tpu.memory_space<vmem>>, vector<1x16xf32>,
        %get3A_1311 = vector.shape_cast %get3A_1310 : vector<1x16xf32> to vector<16xf32>
        %mul3A_1312 = vector.broadcast %squeeze3A_1025 : f32 to vector<16xf32>
        %mul3A_1313 = arith.mulf %mul3A_1312, %get3A_1311 : vector<16xf32>
        %add3A_1314 = arith.addf %add3A_1305, %mul3A_1313 : vector<16xf32>
        %add3A_1315 = arith.constant 7 : i32
        %add3A_1316 = arith.addi %add3A_1050, %add3A_1315 : i32
        %get3A_1317 = arith.index_cast %add3A_1316 : i32 to index
        %get3A_1318 = arith.constant 32 : index
        %get3A_1319 = tpu.vector_load %arg10[%get3A_1317, %get3A_1318] {strides = array<i32>} : memref<704x128xf32, #tpu.memory_space<vmem>>, vector<1x16xf32>,
        %get3A_1320 = vector.shape_cast %get3A_1319 : vector<1x16xf32> to vector<16xf32>
        %mul3A_1321 = vector.broadcast %squeeze3A_1027 : f32 to vector<16xf32>
        %mul3A_1322 = arith.mulf %mul3A_1321, %get3A_1320 : vector<16xf32>
        %add3A_1323 = arith.addf %add3A_1314, %mul3A_1322 : vector<16xf32>
        %add3A_1324 = arith.constant 8 : i32
        %add3A_1325 = arith.addi %add3A_1050, %add3A_1324 : i32
        %get3A_1326 = arith.index_cast %add3A_1325 : i32 to index
        %get3A_1327 = arith.constant 32 : index
        %get3A_1328 = tpu.vector_load %arg10[%get3A_1326, %get3A_1327] {strides = array<i32>} : memref<704x128xf32, #tpu.memory_space<vmem>>, vector<1x16xf32>,
        %get3A_1329 = vector.shape_cast %get3A_1328 : vector<1x16xf32> to vector<16xf32>
        %mul3A_1330 = vector.broadcast %squeeze3A_1029 : f32 to vector<16xf32>
        %mul3A_1331 = arith.mulf %mul3A_1330, %get3A_1329 : vector<16xf32>
        %add3A_1332 = arith.addf %add3A_1323, %mul3A_1331 : vector<16xf32>
        %add3A_1333 = arith.constant 9 : i32
        %add3A_1334 = arith.addi %add3A_1050, %add3A_1333 : i32
        %get3A_1335 = arith.index_cast %add3A_1334 : i32 to index
        %get3A_1336 = arith.constant 32 : index
        %get3A_1337 = tpu.vector_load %arg10[%get3A_1335, %get3A_1336] {strides = array<i32>} : memref<704x128xf32, #tpu.memory_space<vmem>>, vector<1x16xf32>,
        %get3A_1338 = vector.shape_cast %get3A_1337 : vector<1x16xf32> to vector<16xf32>
        %mul3A_1339 = vector.broadcast %squeeze3A_1031 : f32 to vector<16xf32>
        %mul3A_1340 = arith.mulf %mul3A_1339, %get3A_1338 : vector<16xf32>
        %add3A_1341 = arith.addf %add3A_1332, %mul3A_1340 : vector<16xf32>
        %add3A_1342 = arith.constant 10 : i32
        %add3A_1343 = arith.addi %add3A_1050, %add3A_1342 : i32
        %get3A_1344 = arith.index_cast %add3A_1343 : i32 to index
        %get3A_1345 = arith.constant 32 : index
        %get3A_1346 = tpu.vector_load %arg10[%get3A_1344, %get3A_1345] {strides = array<i32>} : memref<704x128xf32, #tpu.memory_space<vmem>>, vector<1x16xf32>,
        %get3A_1347 = vector.shape_cast %get3A_1346 : vector<1x16xf32> to vector<16xf32>
        %mul3A_1348 = vector.broadcast %squeeze3A_1033 : f32 to vector<16xf32>
        %mul3A_1349 = arith.mulf %mul3A_1348, %get3A_1347 : vector<16xf32>
        %add3A_1350 = arith.addf %add3A_1341, %mul3A_1349 : vector<16xf32>
        %mul3A_1351 = arith.mulf %add3A_1350, %div3A_1047 : vector<16xf32>
        %swap3A_1352 = arith.index_cast %add3A_1002 : i32 to index
        %swap3A_1353 = arith.constant 32 : index
        %swap3A_1354 = tpu.vector_load %arg11[%swap3A_1352, %swap3A_1353] {strides = array<i32>} : memref<128x128xf32, #tpu.memory_space<vmem>>, vector<1x16xf32>,
        %swap3A_1355 = vector.shape_cast %swap3A_1354 : vector<1x16xf32> to vector<16xf32>
        %swap3A_1356 = vector.shape_cast %mul3A_1351 : vector<16xf32> to vector<1x16xf32>
        tpu.vector_store %arg11[%swap3A_1352, %swap3A_1353], %swap3A_1356 {strides = array<i32>} : memref<128x128xf32, #tpu.memory_space<vmem>>, vector<1x16xf32>,
        %get3A_1357 = arith.index_cast %add3A_1050 : i32 to index
        %get3A_1358 = arith.constant 48 : index
        %get3A_1359 = tpu.vector_load %arg10[%get3A_1357, %get3A_1358] {strides = array<i32>} : memref<704x128xf32, #tpu.memory_space<vmem>>, vector<1x16xf32>,
        %get3A_1360 = vector.shape_cast %get3A_1359 : vector<1x16xf32> to vector<16xf32>
        %mul3A_1361 = vector.broadcast %squeeze3A_1013 : f32 to vector<16xf32>
        %mul3A_1362 = arith.mulf %mul3A_1361, %get3A_1360 : vector<16xf32>
        %add3A_1363 = arith.constant 1 : i32
        %add3A_1364 = arith.addi %add3A_1050, %add3A_1363 : i32
        %get3A_1365 = arith.index_cast %add3A_1364 : i32 to index
        %get3A_1366 = arith.constant 48 : index
        %get3A_1367 = tpu.vector_load %arg10[%get3A_1365, %get3A_1366] {strides = array<i32>} : memref<704x128xf32, #tpu.memory_space<vmem>>, vector<1x16xf32>,
        %get3A_1368 = vector.shape_cast %get3A_1367 : vector<1x16xf32> to vector<16xf32>
        %mul3A_1369 = vector.broadcast %squeeze3A_1015 : f32 to vector<16xf32>
        %mul3A_1370 = arith.mulf %mul3A_1369, %get3A_1368 : vector<16xf32>
        %add3A_1371 = arith.addf %mul3A_1362, %mul3A_1370 : vector<16xf32>
        %add3A_1372 = arith.constant 2 : i32
        %add3A_1373 = arith.addi %add3A_1050, %add3A_1372 : i32
        %get3A_1374 = arith.index_cast %add3A_1373 : i32 to index
        %get3A_1375 = arith.constant 48 : index
        %get3A_1376 = tpu.vector_load %arg10[%get3A_1374, %get3A_1375] {strides = array<i32>} : memref<704x128xf32, #tpu.memory_space<vmem>>, vector<1x16xf32>,
        %get3A_1377 = vector.shape_cast %get3A_1376 : vector<1x16xf32> to vector<16xf32>
        %mul3A_1378 = vector.broadcast %squeeze3A_1017 : f32 to vector<16xf32>
        %mul3A_1379 = arith.mulf %mul3A_1378, %get3A_1377 : vector<16xf32>
        %add3A_1380 = arith.addf %add3A_1371, %mul3A_1379 : vector<16xf32>
        %add3A_1381 = arith.constant 3 : i32
        %add3A_1382 = arith.addi %add3A_1050, %add3A_1381 : i32
        %get3A_1383 = arith.index_cast %add3A_1382 : i32 to index
        %get3A_1384 = arith.constant 48 : index
        %get3A_1385 = tpu.vector_load %arg10[%get3A_1383, %get3A_1384] {strides = array<i32>} : memref<704x128xf32, #tpu.memory_space<vmem>>, vector<1x16xf32>,
        %get3A_1386 = vector.shape_cast %get3A_1385 : vector<1x16xf32> to vector<16xf32>
        %mul3A_1387 = vector.broadcast %squeeze3A_1019 : f32 to vector<16xf32>
        %mul3A_1388 = arith.mulf %mul3A_1387, %get3A_1386 : vector<16xf32>
        %add3A_1389 = arith.addf %add3A_1380, %mul3A_1388 : vector<16xf32>
        %add3A_1390 = arith.constant 4 : i32
        %add3A_1391 = arith.addi %add3A_1050, %add3A_1390 : i32
        %get3A_1392 = arith.index_cast %add3A_1391 : i32 to index
        %get3A_1393 = arith.constant 48 : index
        %get3A_1394 = tpu.vector_load %arg10[%get3A_1392, %get3A_1393] {strides = array<i32>} : memref<704x128xf32, #tpu.memory_space<vmem>>, vector<1x16xf32>,
        %get3A_1395 = vector.shape_cast %get3A_1394 : vector<1x16xf32> to vector<16xf32>
        %mul3A_1396 = vector.broadcast %squeeze3A_1021 : f32 to vector<16xf32>
        %mul3A_1397 = arith.mulf %mul3A_1396, %get3A_1395 : vector<16xf32>
        %add3A_1398 = arith.addf %add3A_1389, %mul3A_1397 : vector<16xf32>
        %add3A_1399 = arith.constant 5 : i32
        %add3A_1400 = arith.addi %add3A_1050, %add3A_1399 : i32
        %get3A_1401 = arith.index_cast %add3A_1400 : i32 to index
        %get3A_1402 = arith.constant 48 : index
        %get3A_1403 = tpu.vector_load %arg10[%get3A_1401, %get3A_1402] {strides = array<i32>} : memref<704x128xf32, #tpu.memory_space<vmem>>, vector<1x16xf32>,
        %get3A_1404 = vector.shape_cast %get3A_1403 : vector<1x16xf32> to vector<16xf32>
        %mul3A_1405 = vector.broadcast %squeeze3A_1023 : f32 to vector<16xf32>
        %mul3A_1406 = arith.mulf %mul3A_1405, %get3A_1404 : vector<16xf32>
        %add3A_1407 = arith.addf %add3A_1398, %mul3A_1406 : vector<16xf32>
        %add3A_1408 = arith.constant 6 : i32
        %add3A_1409 = arith.addi %add3A_1050, %add3A_1408 : i32
        %get3A_1410 = arith.index_cast %add3A_1409 : i32 to index
        %get3A_1411 = arith.constant 48 : index
        %get3A_1412 = tpu.vector_load %arg10[%get3A_1410, %get3A_1411] {strides = array<i32>} : memref<704x128xf32, #tpu.memory_space<vmem>>, vector<1x16xf32>,
        %get3A_1413 = vector.shape_cast %get3A_1412 : vector<1x16xf32> to vector<16xf32>
        %mul3A_1414 = vector.broadcast %squeeze3A_1025 : f32 to vector<16xf32>
        %mul3A_1415 = arith.mulf %mul3A_1414, %get3A_1413 : vector<16xf32>
        %add3A_1416 = arith.addf %add3A_1407, %mul3A_1415 : vector<16xf32>
        %add3A_1417 = arith.constant 7 : i32
        %add3A_1418 = arith.addi %add3A_1050, %add3A_1417 : i32
        %get3A_1419 = arith.index_cast %add3A_1418 : i32 to index
        %get3A_1420 = arith.constant 48 : index
        %get3A_1421 = tpu.vector_load %arg10[%get3A_1419, %get3A_1420] {strides = array<i32>} : memref<704x128xf32, #tpu.memory_space<vmem>>, vector<1x16xf32>,
        %get3A_1422 = vector.shape_cast %get3A_1421 : vector<1x16xf32> to vector<16xf32>
        %mul3A_1423 = vector.broadcast %squeeze3A_1027 : f32 to vector<16xf32>
        %mul3A_1424 = arith.mulf %mul3A_1423, %get3A_1422 : vector<16xf32>
        %add3A_1425 = arith.addf %add3A_1416, %mul3A_1424 : vector<16xf32>
        %add3A_1426 = arith.constant 8 : i32
        %add3A_1427 = arith.addi %add3A_1050, %add3A_1426 : i32
        %get3A_1428 = arith.index_cast %add3A_1427 : i32 to index
        %get3A_1429 = arith.constant 48 : index
        %get3A_1430 = tpu.vector_load %arg10[%get3A_1428, %get3A_1429] {strides = array<i32>} : memref<704x128xf32, #tpu.memory_space<vmem>>, vector<1x16xf32>,
        %get3A_1431 = vector.shape_cast %get3A_1430 : vector<1x16xf32> to vector<16xf32>
        %mul3A_1432 = vector.broadcast %squeeze3A_1029 : f32 to vector<16xf32>
        %mul3A_1433 = arith.mulf %mul3A_1432, %get3A_1431 : vector<16xf32>
        %add3A_1434 = arith.addf %add3A_1425, %mul3A_1433 : vector<16xf32>
        %add3A_1435 = arith.constant 9 : i32
        %add3A_1436 = arith.addi %add3A_1050, %add3A_1435 : i32
        %get3A_1437 = arith.index_cast %add3A_1436 : i32 to index
        %get3A_1438 = arith.constant 48 : index
        %get3A_1439 = tpu.vector_load %arg10[%get3A_1437, %get3A_1438] {strides = array<i32>} : memref<704x128xf32, #tpu.memory_space<vmem>>, vector<1x16xf32>,
        %get3A_1440 = vector.shape_cast %get3A_1439 : vector<1x16xf32> to vector<16xf32>
        %mul3A_1441 = vector.broadcast %squeeze3A_1031 : f32 to vector<16xf32>
        %mul3A_1442 = arith.mulf %mul3A_1441, %get3A_1440 : vector<16xf32>
        %add3A_1443 = arith.addf %add3A_1434, %mul3A_1442 : vector<16xf32>
        %add3A_1444 = arith.constant 10 : i32
        %add3A_1445 = arith.addi %add3A_1050, %add3A_1444 : i32
        %get3A_1446 = arith.index_cast %add3A_1445 : i32 to index
        %get3A_1447 = arith.constant 48 : index
        %get3A_1448 = tpu.vector_load %arg10[%get3A_1446, %get3A_1447] {strides = array<i32>} : memref<704x128xf32, #tpu.memory_space<vmem>>, vector<1x16xf32>,
        %get3A_1449 = vector.shape_cast %get3A_1448 : vector<1x16xf32> to vector<16xf32>
        %mul3A_1450 = vector.broadcast %squeeze3A_1033 : f32 to vector<16xf32>
        %mul3A_1451 = arith.mulf %mul3A_1450, %get3A_1449 : vector<16xf32>
        %add3A_1452 = arith.addf %add3A_1443, %mul3A_1451 : vector<16xf32>
        %mul3A_1453 = arith.mulf %add3A_1452, %div3A_1047 : vector<16xf32>
        %swap3A_1454 = arith.index_cast %add3A_1002 : i32 to index
        %swap3A_1455 = arith.constant 48 : index
        %swap3A_1456 = tpu.vector_load %arg11[%swap3A_1454, %swap3A_1455] {strides = array<i32>} : memref<128x128xf32, #tpu.memory_space<vmem>>, vector<1x16xf32>,
        %swap3A_1457 = vector.shape_cast %swap3A_1456 : vector<1x16xf32> to vector<16xf32>
        %swap3A_1458 = vector.shape_cast %mul3A_1453 : vector<16xf32> to vector<1x16xf32>
        tpu.vector_store %arg11[%swap3A_1454, %swap3A_1455], %swap3A_1458 {strides = array<i32>} : memref<128x128xf32, #tpu.memory_space<vmem>>, vector<1x16xf32>,
        %get3A_1459 = arith.index_cast %add3A_1050 : i32 to index
        %get3A_1460 = arith.constant 64 : index
        %get3A_1461 = tpu.vector_load %arg10[%get3A_1459, %get3A_1460] {strides = array<i32>} : memref<704x128xf32, #tpu.memory_space<vmem>>, vector<1x16xf32>,
        %get3A_1462 = vector.shape_cast %get3A_1461 : vector<1x16xf32> to vector<16xf32>
        %mul3A_1463 = vector.broadcast %squeeze3A_1013 : f32 to vector<16xf32>
        %mul3A_1464 = arith.mulf %mul3A_1463, %get3A_1462 : vector<16xf32>
        %add3A_1465 = arith.constant 1 : i32
        %add3A_1466 = arith.addi %add3A_1050, %add3A_1465 : i32
        %get3A_1467 = arith.index_cast %add3A_1466 : i32 to index
        %get3A_1468 = arith.constant 64 : index
        %get3A_1469 = tpu.vector_load %arg10[%get3A_1467, %get3A_1468] {strides = array<i32>} : memref<704x128xf32, #tpu.memory_space<vmem>>, vector<1x16xf32>,
        %get3A_1470 = vector.shape_cast %get3A_1469 : vector<1x16xf32> to vector<16xf32>
        %mul3A_1471 = vector.broadcast %squeeze3A_1015 : f32 to vector<16xf32>
        %mul3A_1472 = arith.mulf %mul3A_1471, %get3A_1470 : vector<16xf32>
        %add3A_1473 = arith.addf %mul3A_1464, %mul3A_1472 : vector<16xf32>
        %add3A_1474 = arith.constant 2 : i32
        %add3A_1475 = arith.addi %add3A_1050, %add3A_1474 : i32
        %get3A_1476 = arith.index_cast %add3A_1475 : i32 to index
        %get3A_1477 = arith.constant 64 : index
        %get3A_1478 = tpu.vector_load %arg10[%get3A_1476, %get3A_1477] {strides = array<i32>} : memref<704x128xf32, #tpu.memory_space<vmem>>, vector<1x16xf32>,
        %get3A_1479 = vector.shape_cast %get3A_1478 : vector<1x16xf32> to vector<16xf32>
        %mul3A_1480 = vector.broadcast %squeeze3A_1017 : f32 to vector<16xf32>
        %mul3A_1481 = arith.mulf %mul3A_1480, %get3A_1479 : vector<16xf32>
        %add3A_1482 = arith.addf %add3A_1473, %mul3A_1481 : vector<16xf32>
        %add3A_1483 = arith.constant 3 : i32
        %add3A_1484 = arith.addi %add3A_1050, %add3A_1483 : i32
        %get3A_1485 = arith.index_cast %add3A_1484 : i32 to index
        %get3A_1486 = arith.constant 64 : index
        %get3A_1487 = tpu.vector_load %arg10[%get3A_1485, %get3A_1486] {strides = array<i32>} : memref<704x128xf32, #tpu.memory_space<vmem>>, vector<1x16xf32>,
        %get3A_1488 = vector.shape_cast %get3A_1487 : vector<1x16xf32> to vector<16xf32>
        %mul3A_1489 = vector.broadcast %squeeze3A_1019 : f32 to vector<16xf32>
        %mul3A_1490 = arith.mulf %mul3A_1489, %get3A_1488 : vector<16xf32>
        %add3A_1491 = arith.addf %add3A_1482, %mul3A_1490 : vector<16xf32>
        %add3A_1492 = arith.constant 4 : i32
        %add3A_1493 = arith.addi %add3A_1050, %add3A_1492 : i32
        %get3A_1494 = arith.index_cast %add3A_1493 : i32 to index
        %get3A_1495 = arith.constant 64 : index
        %get3A_1496 = tpu.vector_load %arg10[%get3A_1494, %get3A_1495] {strides = array<i32>} : memref<704x128xf32, #tpu.memory_space<vmem>>, vector<1x16xf32>,
        %get3A_1497 = vector.shape_cast %get3A_1496 : vector<1x16xf32> to vector<16xf32>
        %mul3A_1498 = vector.broadcast %squeeze3A_1021 : f32 to vector<16xf32>
        %mul3A_1499 = arith.mulf %mul3A_1498, %get3A_1497 : vector<16xf32>
        %add3A_1500 = arith.addf %add3A_1491, %mul3A_1499 : vector<16xf32>
        %add3A_1501 = arith.constant 5 : i32
        %add3A_1502 = arith.addi %add3A_1050, %add3A_1501 : i32
        %get3A_1503 = arith.index_cast %add3A_1502 : i32 to index
        %get3A_1504 = arith.constant 64 : index
        %get3A_1505 = tpu.vector_load %arg10[%get3A_1503, %get3A_1504] {strides = array<i32>} : memref<704x128xf32, #tpu.memory_space<vmem>>, vector<1x16xf32>,
        %get3A_1506 = vector.shape_cast %get3A_1505 : vector<1x16xf32> to vector<16xf32>
        %mul3A_1507 = vector.broadcast %squeeze3A_1023 : f32 to vector<16xf32>
        %mul3A_1508 = arith.mulf %mul3A_1507, %get3A_1506 : vector<16xf32>
        %add3A_1509 = arith.addf %add3A_1500, %mul3A_1508 : vector<16xf32>
        %add3A_1510 = arith.constant 6 : i32
        %add3A_1511 = arith.addi %add3A_1050, %add3A_1510 : i32
        %get3A_1512 = arith.index_cast %add3A_1511 : i32 to index
        %get3A_1513 = arith.constant 64 : index
        %get3A_1514 = tpu.vector_load %arg10[%get3A_1512, %get3A_1513] {strides = array<i32>} : memref<704x128xf32, #tpu.memory_space<vmem>>, vector<1x16xf32>,
        %get3A_1515 = vector.shape_cast %get3A_1514 : vector<1x16xf32> to vector<16xf32>
        %mul3A_1516 = vector.broadcast %squeeze3A_1025 : f32 to vector<16xf32>
        %mul3A_1517 = arith.mulf %mul3A_1516, %get3A_1515 : vector<16xf32>
        %add3A_1518 = arith.addf %add3A_1509, %mul3A_1517 : vector<16xf32>
        %add3A_1519 = arith.constant 7 : i32
        %add3A_1520 = arith.addi %add3A_1050, %add3A_1519 : i32
        %get3A_1521 = arith.index_cast %add3A_1520 : i32 to index
        %get3A_1522 = arith.constant 64 : index
        %get3A_1523 = tpu.vector_load %arg10[%get3A_1521, %get3A_1522] {strides = array<i32>} : memref<704x128xf32, #tpu.memory_space<vmem>>, vector<1x16xf32>,
        %get3A_1524 = vector.shape_cast %get3A_1523 : vector<1x16xf32> to vector<16xf32>
        %mul3A_1525 = vector.broadcast %squeeze3A_1027 : f32 to vector<16xf32>
        %mul3A_1526 = arith.mulf %mul3A_1525, %get3A_1524 : vector<16xf32>
        %add3A_1527 = arith.addf %add3A_1518, %mul3A_1526 : vector<16xf32>
        %add3A_1528 = arith.constant 8 : i32
        %add3A_1529 = arith.addi %add3A_1050, %add3A_1528 : i32
        %get3A_1530 = arith.index_cast %add3A_1529 : i32 to index
        %get3A_1531 = arith.constant 64 : index
        %get3A_1532 = tpu.vector_load %arg10[%get3A_1530, %get3A_1531] {strides = array<i32>} : memref<704x128xf32, #tpu.memory_space<vmem>>, vector<1x16xf32>,
        %get3A_1533 = vector.shape_cast %get3A_1532 : vector<1x16xf32> to vector<16xf32>
        %mul3A_1534 = vector.broadcast %squeeze3A_1029 : f32 to vector<16xf32>
        %mul3A_1535 = arith.mulf %mul3A_1534, %get3A_1533 : vector<16xf32>
        %add3A_1536 = arith.addf %add3A_1527, %mul3A_1535 : vector<16xf32>
        %add3A_1537 = arith.constant 9 : i32
        %add3A_1538 = arith.addi %add3A_1050, %add3A_1537 : i32
        %get3A_1539 = arith.index_cast %add3A_1538 : i32 to index
        %get3A_1540 = arith.constant 64 : index
        %get3A_1541 = tpu.vector_load %arg10[%get3A_1539, %get3A_1540] {strides = array<i32>} : memref<704x128xf32, #tpu.memory_space<vmem>>, vector<1x16xf32>,
        %get3A_1542 = vector.shape_cast %get3A_1541 : vector<1x16xf32> to vector<16xf32>
        %mul3A_1543 = vector.broadcast %squeeze3A_1031 : f32 to vector<16xf32>
        %mul3A_1544 = arith.mulf %mul3A_1543, %get3A_1542 : vector<16xf32>
        %add3A_1545 = arith.addf %add3A_1536, %mul3A_1544 : vector<16xf32>
        %add3A_1546 = arith.constant 10 : i32
        %add3A_1547 = arith.addi %add3A_1050, %add3A_1546 : i32
        %get3A_1548 = arith.index_cast %add3A_1547 : i32 to index
        %get3A_1549 = arith.constant 64 : index
        %get3A_1550 = tpu.vector_load %arg10[%get3A_1548, %get3A_1549] {strides = array<i32>} : memref<704x128xf32, #tpu.memory_space<vmem>>, vector<1x16xf32>,
        %get3A_1551 = vector.shape_cast %get3A_1550 : vector<1x16xf32> to vector<16xf32>
        %mul3A_1552 = vector.broadcast %squeeze3A_1033 : f32 to vector<16xf32>
        %mul3A_1553 = arith.mulf %mul3A_1552, %get3A_1551 : vector<16xf32>
        %add3A_1554 = arith.addf %add3A_1545, %mul3A_1553 : vector<16xf32>
        %mul3A_1555 = arith.mulf %add3A_1554, %div3A_1047 : vector<16xf32>
        %swap3A_1556 = arith.index_cast %add3A_1002 : i32 to index
        %swap3A_1557 = arith.constant 64 : index
        %swap3A_1558 = tpu.vector_load %arg11[%swap3A_1556, %swap3A_1557] {strides = array<i32>} : memref<128x128xf32, #tpu.memory_space<vmem>>, vector<1x16xf32>,
        %swap3A_1559 = vector.shape_cast %swap3A_1558 : vector<1x16xf32> to vector<16xf32>
        %swap3A_1560 = vector.shape_cast %mul3A_1555 : vector<16xf32> to vector<1x16xf32>
        tpu.vector_store %arg11[%swap3A_1556, %swap3A_1557], %swap3A_1560 {strides = array<i32>} : memref<128x128xf32, #tpu.memory_space<vmem>>, vector<1x16xf32>,
        %get3A_1561 = arith.index_cast %add3A_1050 : i32 to index
        %get3A_1562 = arith.constant 80 : index
        %get3A_1563 = tpu.vector_load %arg10[%get3A_1561, %get3A_1562] {strides = array<i32>} : memref<704x128xf32, #tpu.memory_space<vmem>>, vector<1x16xf32>,
        %get3A_1564 = vector.shape_cast %get3A_1563 : vector<1x16xf32> to vector<16xf32>
        %mul3A_1565 = vector.broadcast %squeeze3A_1013 : f32 to vector<16xf32>
        %mul3A_1566 = arith.mulf %mul3A_1565, %get3A_1564 : vector<16xf32>
        %add3A_1567 = arith.constant 1 : i32
        %add3A_1568 = arith.addi %add3A_1050, %add3A_1567 : i32
        %get3A_1569 = arith.index_cast %add3A_1568 : i32 to index
        %get3A_1570 = arith.constant 80 : index
        %get3A_1571 = tpu.vector_load %arg10[%get3A_1569, %get3A_1570] {strides = array<i32>} : memref<704x128xf32, #tpu.memory_space<vmem>>, vector<1x16xf32>,
        %get3A_1572 = vector.shape_cast %get3A_1571 : vector<1x16xf32> to vector<16xf32>
        %mul3A_1573 = vector.broadcast %squeeze3A_1015 : f32 to vector<16xf32>
        %mul3A_1574 = arith.mulf %mul3A_1573, %get3A_1572 : vector<16xf32>
        %add3A_1575 = arith.addf %mul3A_1566, %mul3A_1574 : vector<16xf32>
        %add3A_1576 = arith.constant 2 : i32
        %add3A_1577 = arith.addi %add3A_1050, %add3A_1576 : i32
        %get3A_1578 = arith.index_cast %add3A_1577 : i32 to index
        %get3A_1579 = arith.constant 80 : index
        %get3A_1580 = tpu.vector_load %arg10[%get3A_1578, %get3A_1579] {strides = array<i32>} : memref<704x128xf32, #tpu.memory_space<vmem>>, vector<1x16xf32>,
        %get3A_1581 = vector.shape_cast %get3A_1580 : vector<1x16xf32> to vector<16xf32>
        %mul3A_1582 = vector.broadcast %squeeze3A_1017 : f32 to vector<16xf32>
        %mul3A_1583 = arith.mulf %mul3A_1582, %get3A_1581 : vector<16xf32>
        %add3A_1584 = arith.addf %add3A_1575, %mul3A_1583 : vector<16xf32>
        %add3A_1585 = arith.constant 3 : i32
        %add3A_1586 = arith.addi %add3A_1050, %add3A_1585 : i32
        %get3A_1587 = arith.index_cast %add3A_1586 : i32 to index
        %get3A_1588 = arith.constant 80 : index
        %get3A_1589 = tpu.vector_load %arg10[%get3A_1587, %get3A_1588] {strides = array<i32>} : memref<704x128xf32, #tpu.memory_space<vmem>>, vector<1x16xf32>,
        %get3A_1590 = vector.shape_cast %get3A_1589 : vector<1x16xf32> to vector<16xf32>
        %mul3A_1591 = vector.broadcast %squeeze3A_1019 : f32 to vector<16xf32>
        %mul3A_1592 = arith.mulf %mul3A_1591, %get3A_1590 : vector<16xf32>
        %add3A_1593 = arith.addf %add3A_1584, %mul3A_1592 : vector<16xf32>
        %add3A_1594 = arith.constant 4 : i32
        %add3A_1595 = arith.addi %add3A_1050, %add3A_1594 : i32
        %get3A_1596 = arith.index_cast %add3A_1595 : i32 to index
        %get3A_1597 = arith.constant 80 : index
        %get3A_1598 = tpu.vector_load %arg10[%get3A_1596, %get3A_1597] {strides = array<i32>} : memref<704x128xf32, #tpu.memory_space<vmem>>, vector<1x16xf32>,
        %get3A_1599 = vector.shape_cast %get3A_1598 : vector<1x16xf32> to vector<16xf32>
        %mul3A_1600 = vector.broadcast %squeeze3A_1021 : f32 to vector<16xf32>
        %mul3A_1601 = arith.mulf %mul3A_1600, %get3A_1599 : vector<16xf32>
        %add3A_1602 = arith.addf %add3A_1593, %mul3A_1601 : vector<16xf32>
        %add3A_1603 = arith.constant 5 : i32
        %add3A_1604 = arith.addi %add3A_1050, %add3A_1603 : i32
        %get3A_1605 = arith.index_cast %add3A_1604 : i32 to index
        %get3A_1606 = arith.constant 80 : index
        %get3A_1607 = tpu.vector_load %arg10[%get3A_1605, %get3A_1606] {strides = array<i32>} : memref<704x128xf32, #tpu.memory_space<vmem>>, vector<1x16xf32>,
        %get3A_1608 = vector.shape_cast %get3A_1607 : vector<1x16xf32> to vector<16xf32>
        %mul3A_1609 = vector.broadcast %squeeze3A_1023 : f32 to vector<16xf32>
        %mul3A_1610 = arith.mulf %mul3A_1609, %get3A_1608 : vector<16xf32>
        %add3A_1611 = arith.addf %add3A_1602, %mul3A_1610 : vector<16xf32>
        %add3A_1612 = arith.constant 6 : i32
        %add3A_1613 = arith.addi %add3A_1050, %add3A_1612 : i32
        %get3A_1614 = arith.index_cast %add3A_1613 : i32 to index
        %get3A_1615 = arith.constant 80 : index
        %get3A_1616 = tpu.vector_load %arg10[%get3A_1614, %get3A_1615] {strides = array<i32>} : memref<704x128xf32, #tpu.memory_space<vmem>>, vector<1x16xf32>,
        %get3A_1617 = vector.shape_cast %get3A_1616 : vector<1x16xf32> to vector<16xf32>
        %mul3A_1618 = vector.broadcast %squeeze3A_1025 : f32 to vector<16xf32>
        %mul3A_1619 = arith.mulf %mul3A_1618, %get3A_1617 : vector<16xf32>
        %add3A_1620 = arith.addf %add3A_1611, %mul3A_1619 : vector<16xf32>
        %add3A_1621 = arith.constant 7 : i32
        %add3A_1622 = arith.addi %add3A_1050, %add3A_1621 : i32
        %get3A_1623 = arith.index_cast %add3A_1622 : i32 to index
        %get3A_1624 = arith.constant 80 : index
        %get3A_1625 = tpu.vector_load %arg10[%get3A_1623, %get3A_1624] {strides = array<i32>} : memref<704x128xf32, #tpu.memory_space<vmem>>, vector<1x16xf32>,
        %get3A_1626 = vector.shape_cast %get3A_1625 : vector<1x16xf32> to vector<16xf32>
        %mul3A_1627 = vector.broadcast %squeeze3A_1027 : f32 to vector<16xf32>
        %mul3A_1628 = arith.mulf %mul3A_1627, %get3A_1626 : vector<16xf32>
        %add3A_1629 = arith.addf %add3A_1620, %mul3A_1628 : vector<16xf32>
        %add3A_1630 = arith.constant 8 : i32
        %add3A_1631 = arith.addi %add3A_1050, %add3A_1630 : i32
        %get3A_1632 = arith.index_cast %add3A_1631 : i32 to index
        %get3A_1633 = arith.constant 80 : index
        %get3A_1634 = tpu.vector_load %arg10[%get3A_1632, %get3A_1633] {strides = array<i32>} : memref<704x128xf32, #tpu.memory_space<vmem>>, vector<1x16xf32>,
        %get3A_1635 = vector.shape_cast %get3A_1634 : vector<1x16xf32> to vector<16xf32>
        %mul3A_1636 = vector.broadcast %squeeze3A_1029 : f32 to vector<16xf32>
        %mul3A_1637 = arith.mulf %mul3A_1636, %get3A_1635 : vector<16xf32>
        %add3A_1638 = arith.addf %add3A_1629, %mul3A_1637 : vector<16xf32>
        %add3A_1639 = arith.constant 9 : i32
        %add3A_1640 = arith.addi %add3A_1050, %add3A_1639 : i32
        %get3A_1641 = arith.index_cast %add3A_1640 : i32 to index
        %get3A_1642 = arith.constant 80 : index
        %get3A_1643 = tpu.vector_load %arg10[%get3A_1641, %get3A_1642] {strides = array<i32>} : memref<704x128xf32, #tpu.memory_space<vmem>>, vector<1x16xf32>,
        %get3A_1644 = vector.shape_cast %get3A_1643 : vector<1x16xf32> to vector<16xf32>
        %mul3A_1645 = vector.broadcast %squeeze3A_1031 : f32 to vector<16xf32>
        %mul3A_1646 = arith.mulf %mul3A_1645, %get3A_1644 : vector<16xf32>
        %add3A_1647 = arith.addf %add3A_1638, %mul3A_1646 : vector<16xf32>
        %add3A_1648 = arith.constant 10 : i32
        %add3A_1649 = arith.addi %add3A_1050, %add3A_1648 : i32
        %get3A_1650 = arith.index_cast %add3A_1649 : i32 to index
        %get3A_1651 = arith.constant 80 : index
        %get3A_1652 = tpu.vector_load %arg10[%get3A_1650, %get3A_1651] {strides = array<i32>} : memref<704x128xf32, #tpu.memory_space<vmem>>, vector<1x16xf32>,
        %get3A_1653 = vector.shape_cast %get3A_1652 : vector<1x16xf32> to vector<16xf32>
        %mul3A_1654 = vector.broadcast %squeeze3A_1033 : f32 to vector<16xf32>
        %mul3A_1655 = arith.mulf %mul3A_1654, %get3A_1653 : vector<16xf32>
        %add3A_1656 = arith.addf %add3A_1647, %mul3A_1655 : vector<16xf32>
        %mul3A_1657 = arith.mulf %add3A_1656, %div3A_1047 : vector<16xf32>
        %swap3A_1658 = arith.index_cast %add3A_1002 : i32 to index
        %swap3A_1659 = arith.constant 80 : index
        %swap3A_1660 = tpu.vector_load %arg11[%swap3A_1658, %swap3A_1659] {strides = array<i32>} : memref<128x128xf32, #tpu.memory_space<vmem>>, vector<1x16xf32>,
        %swap3A_1661 = vector.shape_cast %swap3A_1660 : vector<1x16xf32> to vector<16xf32>
        %swap3A_1662 = vector.shape_cast %mul3A_1657 : vector<16xf32> to vector<1x16xf32>
        tpu.vector_store %arg11[%swap3A_1658, %swap3A_1659], %swap3A_1662 {strides = array<i32>} : memref<128x128xf32, #tpu.memory_space<vmem>>, vector<1x16xf32>,
        %get3A_1663 = arith.index_cast %add3A_1050 : i32 to index
        %get3A_1664 = arith.constant 96 : index
        %get3A_1665 = tpu.vector_load %arg10[%get3A_1663, %get3A_1664] {strides = array<i32>} : memref<704x128xf32, #tpu.memory_space<vmem>>, vector<1x16xf32>,
        %get3A_1666 = vector.shape_cast %get3A_1665 : vector<1x16xf32> to vector<16xf32>
        %mul3A_1667 = vector.broadcast %squeeze3A_1013 : f32 to vector<16xf32>
        %mul3A_1668 = arith.mulf %mul3A_1667, %get3A_1666 : vector<16xf32>
        %add3A_1669 = arith.constant 1 : i32
        %add3A_1670 = arith.addi %add3A_1050, %add3A_1669 : i32
        %get3A_1671 = arith.index_cast %add3A_1670 : i32 to index
        %get3A_1672 = arith.constant 96 : index
        %get3A_1673 = tpu.vector_load %arg10[%get3A_1671, %get3A_1672] {strides = array<i32>} : memref<704x128xf32, #tpu.memory_space<vmem>>, vector<1x16xf32>,
        %get3A_1674 = vector.shape_cast %get3A_1673 : vector<1x16xf32> to vector<16xf32>
        %mul3A_1675 = vector.broadcast %squeeze3A_1015 : f32 to vector<16xf32>
        %mul3A_1676 = arith.mulf %mul3A_1675, %get3A_1674 : vector<16xf32>
        %add3A_1677 = arith.addf %mul3A_1668, %mul3A_1676 : vector<16xf32>
        %add3A_1678 = arith.constant 2 : i32
        %add3A_1679 = arith.addi %add3A_1050, %add3A_1678 : i32
        %get3A_1680 = arith.index_cast %add3A_1679 : i32 to index
        %get3A_1681 = arith.constant 96 : index
        %get3A_1682 = tpu.vector_load %arg10[%get3A_1680, %get3A_1681] {strides = array<i32>} : memref<704x128xf32, #tpu.memory_space<vmem>>, vector<1x16xf32>,
        %get3A_1683 = vector.shape_cast %get3A_1682 : vector<1x16xf32> to vector<16xf32>
        %mul3A_1684 = vector.broadcast %squeeze3A_1017 : f32 to vector<16xf32>
        %mul3A_1685 = arith.mulf %mul3A_1684, %get3A_1683 : vector<16xf32>
        %add3A_1686 = arith.addf %add3A_1677, %mul3A_1685 : vector<16xf32>
        %add3A_1687 = arith.constant 3 : i32
        %add3A_1688 = arith.addi %add3A_1050, %add3A_1687 : i32
        %get3A_1689 = arith.index_cast %add3A_1688 : i32 to index
        %get3A_1690 = arith.constant 96 : index
        %get3A_1691 = tpu.vector_load %arg10[%get3A_1689, %get3A_1690] {strides = array<i32>} : memref<704x128xf32, #tpu.memory_space<vmem>>, vector<1x16xf32>,
        %get3A_1692 = vector.shape_cast %get3A_1691 : vector<1x16xf32> to vector<16xf32>
        %mul3A_1693 = vector.broadcast %squeeze3A_1019 : f32 to vector<16xf32>
        %mul3A_1694 = arith.mulf %mul3A_1693, %get3A_1692 : vector<16xf32>
        %add3A_1695 = arith.addf %add3A_1686, %mul3A_1694 : vector<16xf32>
        %add3A_1696 = arith.constant 4 : i32
        %add3A_1697 = arith.addi %add3A_1050, %add3A_1696 : i32
        %get3A_1698 = arith.index_cast %add3A_1697 : i32 to index
        %get3A_1699 = arith.constant 96 : index
        %get3A_1700 = tpu.vector_load %arg10[%get3A_1698, %get3A_1699] {strides = array<i32>} : memref<704x128xf32, #tpu.memory_space<vmem>>, vector<1x16xf32>,
        %get3A_1701 = vector.shape_cast %get3A_1700 : vector<1x16xf32> to vector<16xf32>
        %mul3A_1702 = vector.broadcast %squeeze3A_1021 : f32 to vector<16xf32>
        %mul3A_1703 = arith.mulf %mul3A_1702, %get3A_1701 : vector<16xf32>
        %add3A_1704 = arith.addf %add3A_1695, %mul3A_1703 : vector<16xf32>
        %add3A_1705 = arith.constant 5 : i32
        %add3A_1706 = arith.addi %add3A_1050, %add3A_1705 : i32
        %get3A_1707 = arith.index_cast %add3A_1706 : i32 to index
        %get3A_1708 = arith.constant 96 : index
        %get3A_1709 = tpu.vector_load %arg10[%get3A_1707, %get3A_1708] {strides = array<i32>} : memref<704x128xf32, #tpu.memory_space<vmem>>, vector<1x16xf32>,
        %get3A_1710 = vector.shape_cast %get3A_1709 : vector<1x16xf32> to vector<16xf32>
        %mul3A_1711 = vector.broadcast %squeeze3A_1023 : f32 to vector<16xf32>
        %mul3A_1712 = arith.mulf %mul3A_1711, %get3A_1710 : vector<16xf32>
        %add3A_1713 = arith.addf %add3A_1704, %mul3A_1712 : vector<16xf32>
        %add3A_1714 = arith.constant 6 : i32
        %add3A_1715 = arith.addi %add3A_1050, %add3A_1714 : i32
        %get3A_1716 = arith.index_cast %add3A_1715 : i32 to index
        %get3A_1717 = arith.constant 96 : index
        %get3A_1718 = tpu.vector_load %arg10[%get3A_1716, %get3A_1717] {strides = array<i32>} : memref<704x128xf32, #tpu.memory_space<vmem>>, vector<1x16xf32>,
        %get3A_1719 = vector.shape_cast %get3A_1718 : vector<1x16xf32> to vector<16xf32>
        %mul3A_1720 = vector.broadcast %squeeze3A_1025 : f32 to vector<16xf32>
        %mul3A_1721 = arith.mulf %mul3A_1720, %get3A_1719 : vector<16xf32>
        %add3A_1722 = arith.addf %add3A_1713, %mul3A_1721 : vector<16xf32>
        %add3A_1723 = arith.constant 7 : i32
        %add3A_1724 = arith.addi %add3A_1050, %add3A_1723 : i32
        %get3A_1725 = arith.index_cast %add3A_1724 : i32 to index
        %get3A_1726 = arith.constant 96 : index
        %get3A_1727 = tpu.vector_load %arg10[%get3A_1725, %get3A_1726] {strides = array<i32>} : memref<704x128xf32, #tpu.memory_space<vmem>>, vector<1x16xf32>,
        %get3A_1728 = vector.shape_cast %get3A_1727 : vector<1x16xf32> to vector<16xf32>
        %mul3A_1729 = vector.broadcast %squeeze3A_1027 : f32 to vector<16xf32>
        %mul3A_1730 = arith.mulf %mul3A_1729, %get3A_1728 : vector<16xf32>
        %add3A_1731 = arith.addf %add3A_1722, %mul3A_1730 : vector<16xf32>
        %add3A_1732 = arith.constant 8 : i32
        %add3A_1733 = arith.addi %add3A_1050, %add3A_1732 : i32
        %get3A_1734 = arith.index_cast %add3A_1733 : i32 to index
        %get3A_1735 = arith.constant 96 : index
        %get3A_1736 = tpu.vector_load %arg10[%get3A_1734, %get3A_1735] {strides = array<i32>} : memref<704x128xf32, #tpu.memory_space<vmem>>, vector<1x16xf32>,
        %get3A_1737 = vector.shape_cast %get3A_1736 : vector<1x16xf32> to vector<16xf32>
        %mul3A_1738 = vector.broadcast %squeeze3A_1029 : f32 to vector<16xf32>
        %mul3A_1739 = arith.mulf %mul3A_1738, %get3A_1737 : vector<16xf32>
        %add3A_1740 = arith.addf %add3A_1731, %mul3A_1739 : vector<16xf32>
        %add3A_1741 = arith.constant 9 : i32
        %add3A_1742 = arith.addi %add3A_1050, %add3A_1741 : i32
        %get3A_1743 = arith.index_cast %add3A_1742 : i32 to index
        %get3A_1744 = arith.constant 96 : index
        %get3A_1745 = tpu.vector_load %arg10[%get3A_1743, %get3A_1744] {strides = array<i32>} : memref<704x128xf32, #tpu.memory_space<vmem>>, vector<1x16xf32>,
        %get3A_1746 = vector.shape_cast %get3A_1745 : vector<1x16xf32> to vector<16xf32>
        %mul3A_1747 = vector.broadcast %squeeze3A_1031 : f32 to vector<16xf32>
        %mul3A_1748 = arith.mulf %mul3A_1747, %get3A_1746 : vector<16xf32>
        %add3A_1749 = arith.addf %add3A_1740, %mul3A_1748 : vector<16xf32>
        %add3A_1750 = arith.constant 10 : i32
        %add3A_1751 = arith.addi %add3A_1050, %add3A_1750 : i32
        %get3A_1752 = arith.index_cast %add3A_1751 : i32 to index
        %get3A_1753 = arith.constant 96 : index
        %get3A_1754 = tpu.vector_load %arg10[%get3A_1752, %get3A_1753] {strides = array<i32>} : memref<704x128xf32, #tpu.memory_space<vmem>>, vector<1x16xf32>,
        %get3A_1755 = vector.shape_cast %get3A_1754 : vector<1x16xf32> to vector<16xf32>
        %mul3A_1756 = vector.broadcast %squeeze3A_1033 : f32 to vector<16xf32>
        %mul3A_1757 = arith.mulf %mul3A_1756, %get3A_1755 : vector<16xf32>
        %add3A_1758 = arith.addf %add3A_1749, %mul3A_1757 : vector<16xf32>
        %mul3A_1759 = arith.mulf %add3A_1758, %div3A_1047 : vector<16xf32>
        %swap3A_1760 = arith.index_cast %add3A_1002 : i32 to index
        %swap3A_1761 = arith.constant 96 : index
        %swap3A_1762 = tpu.vector_load %arg11[%swap3A_1760, %swap3A_1761] {strides = array<i32>} : memref<128x128xf32, #tpu.memory_space<vmem>>, vector<1x16xf32>,
        %swap3A_1763 = vector.shape_cast %swap3A_1762 : vector<1x16xf32> to vector<16xf32>
        %swap3A_1764 = vector.shape_cast %mul3A_1759 : vector<16xf32> to vector<1x16xf32>
        tpu.vector_store %arg11[%swap3A_1760, %swap3A_1761], %swap3A_1764 {strides = array<i32>} : memref<128x128xf32, #tpu.memory_space<vmem>>, vector<1x16xf32>,
        %get3A_1765 = arith.index_cast %add3A_1050 : i32 to index
        %get3A_1766 = arith.constant 112 : index
        %get3A_1767 = tpu.vector_load %arg10[%get3A_1765, %get3A_1766] {strides = array<i32>} : memref<704x128xf32, #tpu.memory_space<vmem>>, vector<1x16xf32>,
        %get3A_1768 = vector.shape_cast %get3A_1767 : vector<1x16xf32> to vector<16xf32>
        %mul3A_1769 = vector.broadcast %squeeze3A_1013 : f32 to vector<16xf32>
        %mul3A_1770 = arith.mulf %mul3A_1769, %get3A_1768 : vector<16xf32>
        %add3A_1771 = arith.constant 1 : i32
        %add3A_1772 = arith.addi %add3A_1050, %add3A_1771 : i32
        %get3A_1773 = arith.index_cast %add3A_1772 : i32 to index
        %get3A_1774 = arith.constant 112 : index
        %get3A_1775 = tpu.vector_load %arg10[%get3A_1773, %get3A_1774] {strides = array<i32>} : memref<704x128xf32, #tpu.memory_space<vmem>>, vector<1x16xf32>,
        %get3A_1776 = vector.shape_cast %get3A_1775 : vector<1x16xf32> to vector<16xf32>
        %mul3A_1777 = vector.broadcast %squeeze3A_1015 : f32 to vector<16xf32>
        %mul3A_1778 = arith.mulf %mul3A_1777, %get3A_1776 : vector<16xf32>
        %add3A_1779 = arith.addf %mul3A_1770, %mul3A_1778 : vector<16xf32>
        %add3A_1780 = arith.constant 2 : i32
        %add3A_1781 = arith.addi %add3A_1050, %add3A_1780 : i32
        %get3A_1782 = arith.index_cast %add3A_1781 : i32 to index
        %get3A_1783 = arith.constant 112 : index
        %get3A_1784 = tpu.vector_load %arg10[%get3A_1782, %get3A_1783] {strides = array<i32>} : memref<704x128xf32, #tpu.memory_space<vmem>>, vector<1x16xf32>,
        %get3A_1785 = vector.shape_cast %get3A_1784 : vector<1x16xf32> to vector<16xf32>
        %mul3A_1786 = vector.broadcast %squeeze3A_1017 : f32 to vector<16xf32>
        %mul3A_1787 = arith.mulf %mul3A_1786, %get3A_1785 : vector<16xf32>
        %add3A_1788 = arith.addf %add3A_1779, %mul3A_1787 : vector<16xf32>
        %add3A_1789 = arith.constant 3 : i32
        %add3A_1790 = arith.addi %add3A_1050, %add3A_1789 : i32
        %get3A_1791 = arith.index_cast %add3A_1790 : i32 to index
        %get3A_1792 = arith.constant 112 : index
        %get3A_1793 = tpu.vector_load %arg10[%get3A_1791, %get3A_1792] {strides = array<i32>} : memref<704x128xf32, #tpu.memory_space<vmem>>, vector<1x16xf32>,
        %get3A_1794 = vector.shape_cast %get3A_1793 : vector<1x16xf32> to vector<16xf32>
        %mul3A_1795 = vector.broadcast %squeeze3A_1019 : f32 to vector<16xf32>
        %mul3A_1796 = arith.mulf %mul3A_1795, %get3A_1794 : vector<16xf32>
        %add3A_1797 = arith.addf %add3A_1788, %mul3A_1796 : vector<16xf32>
        %add3A_1798 = arith.constant 4 : i32
        %add3A_1799 = arith.addi %add3A_1050, %add3A_1798 : i32
        %get3A_1800 = arith.index_cast %add3A_1799 : i32 to index
        %get3A_1801 = arith.constant 112 : index
        %get3A_1802 = tpu.vector_load %arg10[%get3A_1800, %get3A_1801] {strides = array<i32>} : memref<704x128xf32, #tpu.memory_space<vmem>>, vector<1x16xf32>,
        %get3A_1803 = vector.shape_cast %get3A_1802 : vector<1x16xf32> to vector<16xf32>
        %mul3A_1804 = vector.broadcast %squeeze3A_1021 : f32 to vector<16xf32>
        %mul3A_1805 = arith.mulf %mul3A_1804, %get3A_1803 : vector<16xf32>
        %add3A_1806 = arith.addf %add3A_1797, %mul3A_1805 : vector<16xf32>
        %add3A_1807 = arith.constant 5 : i32
        %add3A_1808 = arith.addi %add3A_1050, %add3A_1807 : i32
        %get3A_1809 = arith.index_cast %add3A_1808 : i32 to index
        %get3A_1810 = arith.constant 112 : index
        %get3A_1811 = tpu.vector_load %arg10[%get3A_1809, %get3A_1810] {strides = array<i32>} : memref<704x128xf32, #tpu.memory_space<vmem>>, vector<1x16xf32>,
        %get3A_1812 = vector.shape_cast %get3A_1811 : vector<1x16xf32> to vector<16xf32>
        %mul3A_1813 = vector.broadcast %squeeze3A_1023 : f32 to vector<16xf32>
        %mul3A_1814 = arith.mulf %mul3A_1813, %get3A_1812 : vector<16xf32>
        %add3A_1815 = arith.addf %add3A_1806, %mul3A_1814 : vector<16xf32>
        %add3A_1816 = arith.constant 6 : i32
        %add3A_1817 = arith.addi %add3A_1050, %add3A_1816 : i32
        %get3A_1818 = arith.index_cast %add3A_1817 : i32 to index
        %get3A_1819 = arith.constant 112 : index
        %get3A_1820 = tpu.vector_load %arg10[%get3A_1818, %get3A_1819] {strides = array<i32>} : memref<704x128xf32, #tpu.memory_space<vmem>>, vector<1x16xf32>,
        %get3A_1821 = vector.shape_cast %get3A_1820 : vector<1x16xf32> to vector<16xf32>
        %mul3A_1822 = vector.broadcast %squeeze3A_1025 : f32 to vector<16xf32>
        %mul3A_1823 = arith.mulf %mul3A_1822, %get3A_1821 : vector<16xf32>
        %add3A_1824 = arith.addf %add3A_1815, %mul3A_1823 : vector<16xf32>
        %add3A_1825 = arith.constant 7 : i32
        %add3A_1826 = arith.addi %add3A_1050, %add3A_1825 : i32
        %get3A_1827 = arith.index_cast %add3A_1826 : i32 to index
        %get3A_1828 = arith.constant 112 : index
        %get3A_1829 = tpu.vector_load %arg10[%get3A_1827, %get3A_1828] {strides = array<i32>} : memref<704x128xf32, #tpu.memory_space<vmem>>, vector<1x16xf32>,
        %get3A_1830 = vector.shape_cast %get3A_1829 : vector<1x16xf32> to vector<16xf32>
        %mul3A_1831 = vector.broadcast %squeeze3A_1027 : f32 to vector<16xf32>
        %mul3A_1832 = arith.mulf %mul3A_1831, %get3A_1830 : vector<16xf32>
        %add3A_1833 = arith.addf %add3A_1824, %mul3A_1832 : vector<16xf32>
        %add3A_1834 = arith.constant 8 : i32
        %add3A_1835 = arith.addi %add3A_1050, %add3A_1834 : i32
        %get3A_1836 = arith.index_cast %add3A_1835 : i32 to index
        %get3A_1837 = arith.constant 112 : index
        %get3A_1838 = tpu.vector_load %arg10[%get3A_1836, %get3A_1837] {strides = array<i32>} : memref<704x128xf32, #tpu.memory_space<vmem>>, vector<1x16xf32>,
        %get3A_1839 = vector.shape_cast %get3A_1838 : vector<1x16xf32> to vector<16xf32>
        %mul3A_1840 = vector.broadcast %squeeze3A_1029 : f32 to vector<16xf32>
        %mul3A_1841 = arith.mulf %mul3A_1840, %get3A_1839 : vector<16xf32>
        %add3A_1842 = arith.addf %add3A_1833, %mul3A_1841 : vector<16xf32>
        %add3A_1843 = arith.constant 9 : i32
        %add3A_1844 = arith.addi %add3A_1050, %add3A_1843 : i32
        %get3A_1845 = arith.index_cast %add3A_1844 : i32 to index
        %get3A_1846 = arith.constant 112 : index
        %get3A_1847 = tpu.vector_load %arg10[%get3A_1845, %get3A_1846] {strides = array<i32>} : memref<704x128xf32, #tpu.memory_space<vmem>>, vector<1x16xf32>,
        %get3A_1848 = vector.shape_cast %get3A_1847 : vector<1x16xf32> to vector<16xf32>
        %mul3A_1849 = vector.broadcast %squeeze3A_1031 : f32 to vector<16xf32>
        %mul3A_1850 = arith.mulf %mul3A_1849, %get3A_1848 : vector<16xf32>
        %add3A_1851 = arith.addf %add3A_1842, %mul3A_1850 : vector<16xf32>
        %add3A_1852 = arith.constant 10 : i32
        %add3A_1853 = arith.addi %add3A_1050, %add3A_1852 : i32
        %get3A_1854 = arith.index_cast %add3A_1853 : i32 to index
        %get3A_1855 = arith.constant 112 : index
        %get3A_1856 = tpu.vector_load %arg10[%get3A_1854, %get3A_1855] {strides = array<i32>} : memref<704x128xf32, #tpu.memory_space<vmem>>, vector<1x16xf32>,
        %get3A_1857 = vector.shape_cast %get3A_1856 : vector<1x16xf32> to vector<16xf32>
        %mul3A_1858 = vector.broadcast %squeeze3A_1033 : f32 to vector<16xf32>
        %mul3A_1859 = arith.mulf %mul3A_1858, %get3A_1857 : vector<16xf32>
        %add3A_1860 = arith.addf %add3A_1851, %mul3A_1859 : vector<16xf32>
        %mul3A_1861 = arith.mulf %add3A_1860, %div3A_1047 : vector<16xf32>
        %swap3A_1862 = arith.index_cast %add3A_1002 : i32 to index
        %swap3A_1863 = arith.constant 112 : index
        %swap3A_1864 = tpu.vector_load %arg11[%swap3A_1862, %swap3A_1863] {strides = array<i32>} : memref<128x128xf32, #tpu.memory_space<vmem>>, vector<1x16xf32>,
        %swap3A_1865 = vector.shape_cast %swap3A_1864 : vector<1x16xf32> to vector<16xf32>
        %swap3A_1866 = vector.shape_cast %mul3A_1861 : vector<16xf32> to vector<1x16xf32>
        tpu.vector_store %arg11[%swap3A_1862, %swap3A_1863], %swap3A_1866 {strides = array<i32>} : memref<128x128xf32, #tpu.memory_space<vmem>>, vector<1x16xf32>,
      }
      %scan3A_122 = arith.constant 32 : i32
      %mul3A_123 = arith.constant 32 : i32
      %mul3A_124 = arith.muli %scan3A_100, %mul3A_123 : i32
      %mul3A_125 = arith.constant 32 : i32
      %mul3A_126 = arith.muli %scan3A_100, %mul3A_125 : i32
      %add3A_127 = arith.addi %mul3A_2, %mul3A_126 : i32
      %dma_start3A_128 = arith.constant 0 : i32
      %dma_start3A_129 = tpu.memref_slice %arg11[%mul3A_124, %dma_start3A_128] : memref<128x128xf32, #tpu.memory_space<vmem>> -> memref<32x128xf32, #tpu.memory_space<vmem>>
      %dma_start3A_130 = arith.constant 0 : i32
      %dma_start3A_131 = tpu.memref_slice %arg6[%add3A_127, %dma_start3A_130] : memref<4096x128xf32, #tpu.memory_space<hbm>> -> memref<32x128xf32, #tpu.memory_space<hbm>>
      %dma_start3A_132 = arith.constant 0 : i32
      %dma_start3A_133 = tpu.memref_slice %arg6[%add3A_127, %dma_start3A_132] : memref<4096x128xf32, #tpu.memory_space<hbm>> -> memref<32x128xf32, #tpu.memory_space<hbm>>
      %dma_start3A_134 = arith.constant 0 : i32
      %dma_start3A_135 = tpu.memref_slice %arg11[%mul3A_124, %dma_start3A_134] : memref<128x128xf32, #tpu.memory_space<vmem>> -> memref<32x128xf32, #tpu.memory_space<vmem>>
      tpu.enqueue_dma source(%dma_start3A_135 : memref<32x128xf32, #tpu.memory_space<vmem>>) target(%dma_start3A_133 : memref<32x128xf32, #tpu.memory_space<hbm>>) target_semaphore(%arg15 : memref<!tpu.dma_semaphore, #tpu.memory_space<semaphore_mem>>)
    }
    %scan3A_51 = arith.constant 4 : i32
    %add3A_52 = arith.constant 0 : i32
    %add3A_53 = arith.addi %mul3A_2, %add3A_52 : i32
    %dma_wait3A_54 = arith.constant 0 : i32
    %dma_wait3A_55 = arith.constant 0 : i32
    %dma_wait3A_56 = tpu.memref_slice %arg11[%dma_wait3A_54, %dma_wait3A_55] : memref<128x128xf32, #tpu.memory_space<vmem>> -> memref<32x128xf32, #tpu.memory_space<vmem>>
    %dma_wait3A_57 = arith.constant 0 : i32
    %dma_wait3A_58 = tpu.memref_slice %arg6[%add3A_53, %dma_wait3A_57] : memref<4096x128xf32, #tpu.memory_space<hbm>> -> memref<32x128xf32, #tpu.memory_space<hbm>>
    %dma_wait3A_59 = arith.constant 0 : i32
    %dma_wait3A_60 = tpu.memref_slice %arg6[%add3A_53, %dma_wait3A_59] : memref<4096x128xf32, #tpu.memory_space<hbm>> -> memref<32x128xf32, #tpu.memory_space<hbm>>
    %dma_wait3A_61 = arith.constant 0 : i32
    %dma_wait3A_62 = arith.constant 0 : i32
    %dma_wait3A_63 = tpu.memref_slice %arg11[%dma_wait3A_61, %dma_wait3A_62] : memref<128x128xf32, #tpu.memory_space<vmem>> -> memref<32x128xf32, #tpu.memory_space<vmem>>
    tpu.wait_dma2 semaphore(%arg15 : memref<!tpu.dma_semaphore, #tpu.memory_space<semaphore_mem>>) src(%dma_wait3A_63 : memref<32x128xf32, #tpu.memory_space<vmem>>) dst(%dma_wait3A_60 : memref<32x128xf32, #tpu.memory_space<hbm>>)
    %add3A_64 = arith.constant 32 : i32
    %add3A_65 = arith.addi %mul3A_2, %add3A_64 : i32
    %dma_wait3A_66 = arith.constant 32 : i32
    %dma_wait3A_67 = arith.constant 0 : i32
    %dma_wait3A_68 = tpu.memref_slice %arg11[%dma_wait3A_66, %dma_wait3A_67] : memref<128x128xf32, #tpu.memory_space<vmem>> -> memref<32x128xf32, #tpu.memory_space<vmem>>
    %dma_wait3A_69 = arith.constant 0 : i32
    %dma_wait3A_70 = tpu.memref_slice %arg6[%add3A_65, %dma_wait3A_69] : memref<4096x128xf32, #tpu.memory_space<hbm>> -> memref<32x128xf32, #tpu.memory_space<hbm>>
    %dma_wait3A_71 = arith.constant 0 : i32
    %dma_wait3A_72 = tpu.memref_slice %arg6[%add3A_65, %dma_wait3A_71] : memref<4096x128xf32, #tpu.memory_space<hbm>> -> memref<32x128xf32, #tpu.memory_space<hbm>>
    %dma_wait3A_73 = arith.constant 32 : i32
    %dma_wait3A_74 = arith.constant 0 : i32
    %dma_wait3A_75 = tpu.memref_slice %arg11[%dma_wait3A_73, %dma_wait3A_74] : memref<128x128xf32, #tpu.memory_space<vmem>> -> memref<32x128xf32, #tpu.memory_space<vmem>>
    tpu.wait_dma2 semaphore(%arg15 : memref<!tpu.dma_semaphore, #tpu.memory_space<semaphore_mem>>) src(%dma_wait3A_75 : memref<32x128xf32, #tpu.memory_space<vmem>>) dst(%dma_wait3A_72 : memref<32x128xf32, #tpu.memory_space<hbm>>)
    %add3A_76 = arith.constant 64 : i32
    %add3A_77 = arith.addi %mul3A_2, %add3A_76 : i32
    %dma_wait3A_78 = arith.constant 64 : i32
    %dma_wait3A_79 = arith.constant 0 : i32
    %dma_wait3A_80 = tpu.memref_slice %arg11[%dma_wait3A_78, %dma_wait3A_79] : memref<128x128xf32, #tpu.memory_space<vmem>> -> memref<32x128xf32, #tpu.memory_space<vmem>>
    %dma_wait3A_81 = arith.constant 0 : i32
    %dma_wait3A_82 = tpu.memref_slice %arg6[%add3A_77, %dma_wait3A_81] : memref<4096x128xf32, #tpu.memory_space<hbm>> -> memref<32x128xf32, #tpu.memory_space<hbm>>
    %dma_wait3A_83 = arith.constant 0 : i32
    %dma_wait3A_84 = tpu.memref_slice %arg6[%add3A_77, %dma_wait3A_83] : memref<4096x128xf32, #tpu.memory_space<hbm>> -> memref<32x128xf32, #tpu.memory_space<hbm>>
    %dma_wait3A_85 = arith.constant 64 : i32
    %dma_wait3A_86 = arith.constant 0 : i32
    %dma_wait3A_87 = tpu.memref_slice %arg11[%dma_wait3A_85, %dma_wait3A_86] : memref<128x128xf32, #tpu.memory_space<vmem>> -> memref<32x128xf32, #tpu.memory_space<vmem>>
    tpu.wait_dma2 semaphore(%arg15 : memref<!tpu.dma_semaphore, #tpu.memory_space<semaphore_mem>>) src(%dma_wait3A_87 : memref<32x128xf32, #tpu.memory_space<vmem>>) dst(%dma_wait3A_84 : memref<32x128xf32, #tpu.memory_space<hbm>>)
    %add3A_88 = arith.constant 96 : i32
    %add3A_89 = arith.addi %mul3A_2, %add3A_88 : i32
    %dma_wait3A_90 = arith.constant 96 : i32
    %dma_wait3A_91 = arith.constant 0 : i32
    %dma_wait3A_92 = tpu.memref_slice %arg11[%dma_wait3A_90, %dma_wait3A_91] : memref<128x128xf32, #tpu.memory_space<vmem>> -> memref<32x128xf32, #tpu.memory_space<vmem>>
    %dma_wait3A_93 = arith.constant 0 : i32
    %dma_wait3A_94 = tpu.memref_slice %arg6[%add3A_89, %dma_wait3A_93] : memref<4096x128xf32, #tpu.memory_space<hbm>> -> memref<32x128xf32, #tpu.memory_space<hbm>>
    %dma_wait3A_95 = arith.constant 0 : i32
    %dma_wait3A_96 = tpu.memref_slice %arg6[%add3A_89, %dma_wait3A_95] : memref<4096x128xf32, #tpu.memory_space<hbm>> -> memref<32x128xf32, #tpu.memory_space<hbm>>
    %dma_wait3A_97 = arith.constant 96 : i32
    %dma_wait3A_98 = arith.constant 0 : i32
    %dma_wait3A_99 = tpu.memref_slice %arg11[%dma_wait3A_97, %dma_wait3A_98] : memref<128x128xf32, #tpu.memory_space<vmem>> -> memref<32x128xf32, #tpu.memory_space<vmem>>
    tpu.wait_dma2 semaphore(%arg15 : memref<!tpu.dma_semaphore, #tpu.memory_space<semaphore_mem>>) src(%dma_wait3A_99 : memref<32x128xf32, #tpu.memory_space<vmem>>) dst(%dma_wait3A_96 : memref<32x128xf32, #tpu.memory_space<hbm>>)
    return
  }
}

</mosaic_0001>

<sc_bundles>
// kernel: gather_offload_async_start.1
scs
__scs_entry_jumppad:
0x0: {  	(pc) =	sbr.rel $0x88, $3  }
0x1: {  	(tag) =	ssettag $0x0;
	lr =	simm.s32 $0x1  }
0x2: {  	[smem:$0x3F9C] =	sst lr;
	_ =	strace $0xD0000000  }
0x3: {  	_ = 	snop  }
0x4: {  	_ = 	snop  }
0x5: {  	_ = 	snop  }
0x6: {  	_ = 	snop  }
0x7: {  	_ = 	snop  }
__scs_overlays_trampoline_lowered:
0x8: {  	[smem:$0x3FAB] =	sst s0  }
0x9: {  	[smem:$0x3FAC] =	sst s1  }
0xa: {  	[smem:$0x3FAD] =	sst s2  }
0xb: {  	[smem:$0x3FAE] =	sst s3  }
0xc: {  	[smem:$0x3FAF] =	sst s4  }
0xd: {  	[smem:$0x3FB0] =	sst s5  }
0xe: {  	[smem:$0x3FB1] =	sst s6  }
0xf: {  	[smem:$0x3FB2] =	sst s7  }
0x10: {  	[smem:$0x3FB3] =	sst s8  }
0x11: {  	[smem:$0x3FB4] =	sst s9;
	s0 =	simm.s32 @!p0 $0x0  }
0x12: {  	s1 =	sld [smem:$0x3F9A];
	s0 =	simm.s32 @p0 $0x1  }
0x13: {  	[smem:$0x3FB5] =	sst s0;
	s0 =	simm.s32 @!p1 $0x0  }
0x14: {  	s2 =	sld [smem:$0x3F99];
	s0 =	simm.s32 @p1 $0x1  }
0x15: {  	[smem:$0x3FB6] =	sst s0;
	s0 =	simm.s32 @!p2 $0x0  }
0x16: {  	s3 =	sld [smem:$0x3FDB];
	s0 =	simm.s32 @p2 $0x1  }
0x17: {  	s4 =	simm.s32 $0x1BF5;
	[smem:$0x3FB8] =	sst s0  }
0x18: {  	s0 =	sld [smem:$0x3F9B];
	_ =	swait.ge [sflag:s4], $0x0  }
0x19: {  	s7 =	sld [smem:$0x3F9C]  }
0x1a: {  	s8 =	sadd.s32 $0xFFFFE003, lr  }
0x1b: {  	s9 =	sadd.s32 $0xFFFFFEF7, lr;
	s5 =	simm.s32 $0xFFFFFFFF;
	p2 =	slt.u32 s8, $0xFFFFF086  }
0x1c: {  	p1 =	slt.u32 s9, $0xF7A;
	s5 =	simm.s32 @!p2 $0x0  }
0x1d: {  	s5 =	simm.s32 @p1 $0x1;
	p0 =	seq.s32 s7, s2  }
0x1e: {  	s7 =	smul.u32 @!p0 $0xF7A, s2;
	p2 =	seq.s32 @!p0 s5, $0x0  }
0x1f: {  	s9 =	smul.u32 $0xF7A, s1;
	s8 =	simm.s32 @!p0 $0x1BF5;
	p2 =	por !p2, p0  }
0x20: {  	[sflag:s8] =	ssyncset.s32 @!p0 $0xFFFFF086;
	s6 =	sadd.s32 @!p0 s3, s7;
	s7 =	simm.s32 @!p0 $0x108  }
0x21: {  	s3 =	sadd.s32 s3, s9;
	s6 =	sadd.s32 @!p0 $0x88, s6;
	s7 =	simm.s32 @p2 $0x1082  }
0x22: {  	[simem:s7], [sflag:s8] =	dma.local @!p0 [hbm:s6], $0xF7A  }
0x23: {  	s9 =	sor.u32 $0xD0000000, s2;
	s6 =	simm.s32 $0x108;
	_ =	swait.ge @!p0 [sflag:s8], $0x0  }
0x24: {  	s3 =	sadd.s32 $0x88, s3;
	s6 =	simm.s32 @!p1 $0x1082;
	[sflag:s4] =	ssyncset.s32 $0xFFFFF086  }
0x25: {  	[simem:s6], [sflag:s4] =	dma.local [hbm:s3], $0xF7A  }
0x26: {  	[smem:$0x3F9C] =	sst s1;
	(tag) =	ssettag s2;
	_ =	strace s9  }
0x27: {  	s1 =	sld [smem:$0x3FAC]  }
0x28: {  	s2 =	sld [smem:$0x3FAD]  }
0x29: {  	s4 =	sld [smem:$0x3FAF]  }
0x2a: {  	p0 =	seq.s32 s5, $0x0;
	s5 =	sld [smem:$0x3FB0]  }
0x2b: {  	s6 =	sld [smem:$0x3FB1]  }
0x2c: {  	s7 =	sld [smem:$0x3FB2]  }
0x2d: {  	s3 =	simm.s32 $0x108;
	s8 =	sld [smem:$0x3FB3]  }
0x2e: {  	s3 =	simm.s32 @!p0 $0x1082;
	s9 =	sld [smem:$0x3FB4]  }
0x2f: {  	lr =	sadd.s32 s0, s3;
	s0 =	sld [smem:$0x3FAB]  }
0x30: {  	s3 =	sld [smem:$0x3FAE]  }
0x31: {  	[smem:$0x3FB7] =	sst s10  }
0x32: {  	s10 =	sld [smem:$0x3FB5];
	_ =	sdelay $0x3  }
0x33: {  	p0 =	seq.s32 s10, $0x1;
	s10 =	sld [smem:$0x3FB7];
	_ =	sdelay $0x3  }
0x34: {  	[smem:$0x3FB7] =	sst s10  }
0x35: {  	s10 =	sld [smem:$0x3FB6];
	_ =	sdelay $0x3  }
0x36: {  	p1 =	seq.s32 s10, $0x1;
	s10 =	sld [smem:$0x3FB7];
	_ =	sdelay $0x3  }
0x37: {  	[smem:$0x3FB7] =	sst s10  }
0x38: {  	s10 =	sld [smem:$0x3FB8]  }
0x39: {  	_ = 	snop;
	(pc) =	sbr.ind lr, $3  }
0x3a: {  	_ = 	snop  }
0x3b: {  	_ = 	snop  }
0x3c: {  	p2 =	seq.s32 s10, $0x1;
	s10 =	sld [smem:$0x3FB7]  }
0x3d: {  	_ =	shalt  }
0x3e: {  	_ =	shalt  }
0x3f: {  	_ =	shalt  }
0x40: {  	_ =	shalt  }
0x41: {  	_ =	shalt  }
0x42: {  	_ =	shalt  }
0x43: {  	_ =	shalt  }
0x44: {  	_ =	shalt  }
0x45: {  	_ =	shalt  }
0x46: {  	_ =	shalt  }
0x47: {  	_ =	shalt  }
0x48: {  	_ =	shalt  }
0x49: {  	_ =	shalt  }
0x4a: {  	_ =	shalt  }
0x4b: {  	_ =	shalt  }
0x4c: {  	_ =	shalt  }
0x4d: {  	_ =	shalt  }
0x4e: {  	_ =	shalt  }
0x4f: {  	_ =	shalt  }
0x50: {  	_ =	shalt  }
0x51: {  	_ =	shalt  }
0x52: {  	_ =	shalt  }
0x53: {  	_ =	shalt  }
0x54: {  	_ =	shalt  }
0x55: {  	_ =	shalt  }
0x56: {  	_ =	shalt  }
0x57: {  	_ =	shalt  }
0x58: {  	_ =	shalt  }
0x59: {  	_ =	shalt  }
0x5a: {  	_ =	shalt  }
0x5b: {  	_ =	shalt  }
0x5c: {  	_ =	shalt  }
0x5d: {  	_ =	shalt  }
0x5e: {  	_ =	shalt  }
0x5f: {  	_ =	shalt  }
0x60: {  	_ =	shalt  }
0x61: {  	_ =	shalt  }
0x62: {  	_ =	shalt  }
0x63: {  	_ =	shalt  }
0x64: {  	_ =	shalt  }
0x65: {  	_ =	shalt  }
0x66: {  	_ =	shalt  }
0x67: {  	_ =	shalt  }
0x68: {  	_ =	shalt  }
0x69: {  	_ =	shalt  }
0x6a: {  	_ =	shalt  }
0x6b: {  	_ =	shalt  }
0x6c: {  	_ =	shalt  }
0x6d: {  	_ =	shalt  }
0x6e: {  	_ =	shalt  }
0x6f: {  	_ =	shalt  }
0x70: {  	_ =	shalt  }
0x71: {  	_ =	shalt  }
0x72: {  	_ =	shalt  }
0x73: {  	_ =	shalt  }
0x74: {  	_ =	shalt  }
0x75: {  	_ =	shalt  }
0x76: {  	_ =	shalt  }
0x77: {  	_ =	shalt  }
0x78: {  	_ =	shalt  }
0x79: {  	_ =	shalt  }
0x7a: {  	_ =	shalt  }
0x7b: {  	_ =	shalt  }
0x7c: {  	_ =	shalt  }
0x7d: {  	_ =	shalt  }
0x7e: {  	_ =	shalt  }
0x7f: {  	_ =	shalt  }
0x80: {  	_ =	shalt  }
0x81: {  	_ =	shalt  }
0x82: {  	_ =	shalt  }
0x83: {  	_ =	shalt  }
0x84: {  	_ =	shalt  }
0x85: {  	_ =	shalt  }
0x86: {  	_ =	shalt  }
0x87: {  	_ =	shalt  }
.Lfunc_end0:
.L_simem_size_0:
called_computation.1_lowered:
.L_overlay_start_0:
0x88: {  	s2 =	sld [smem:$0x3FD9]  }
0x89: {  	s3 =	sld [smem:$0x3FFE];
	_ =	sdelay $0x1  }
0x8a: {  	s1 =	srdreg.scid  }
0x8b: {  	s0 =	sand.u32 $0x1, s1  }
0x8c: {  	s17 =	sshll.u32 s0, $0xA;
	s2 =	sadd.s32 s3, s2  }
0x8d: {  	s2 =	sadd.s32 s2, s17  }
0x8e: {  	[smem:$0x3FC3] =	sst s2  }
0x8f: {  	_ = 	snop  }
0x90: {  	s18 =	sld [smem:$0x3FC6]  }
0x91: {  	s4 =	sld [smem:$0x3FD0];
	(tm) =	ssettm $0x1  }
0x92: {  	s19 =	sld [smem:$0x3FFB];
	_ =	sdelay $0x3  }
0x93: {  	_ =	strace s19  }
0x94: {  	s2 =	sld [smem:$0x3FFC];
	_ =	sdelay $0x3  }
0x95: {  	_ =	strace s2  }
0x96: {  	s2 =	sld [smem:$0x3FFD];
	_ =	sdelay $0x3  }
0x97: {  	_ =	strace s2  }
0x98: {  	_ =	strace $0x8FFFFFFF  }
0x99: {  	s20 =	sld [smem:$0x3FDB];
	_ =	sdelay $0x1  }
0x9a: {  	s5 =	simm.s32 $_scs_section_size  }
0x9b: {  	s6 =	simm.s32 $_size__tile_overlayer_lowered;
	s7 =	simm.s32 $_tile_overlayer_lowered  }
0x9c: {  	s8 =	simm.s32 $0x1BFF;
	s21 =	sshll.u32 s7, $0x1;
	s5 =	sadd.s32 s5, s20  }
0x9d: {  	s22 =	simm.s32 $0x0;
	s6 =	sshll.u32 s6, $0x1;
	s7 =	sadd.s32 s21, s5  }
0x9e: {  	[timem:s22], [sflag:s8] =	dma.local [hbm:s7], s6  }
0x9f: {  	_ =	swait.ge [sflag:s8], s6  }
0xa0: {  	s6 =	ssub.s32 $0x0, s6;
	[sflag:s8] =	ssyncset.done $0x0  }
0xa1: {  	[sflag:s8] =	ssyncadd.s32 s6;
	_ =	sdelay $0x1  }
0xa2: {  	s23 =	simm.s32 $0x1B8B  }
0xa3: {  	_ =	swait.ge [sflag:s23], $0x1  }
0xa4: {  	[sflag:s23] =	ssyncset.done $0x0  }
0xa5: {  	[sflag:s23] =	ssyncadd.s32 $0xFFFFFFFF  }
0xa6: {  	s6 =	sld [smem:$0x0]  }
0xa7: {  	s7 =	sand.u32 $0xFFFFFFFE, s1  }
0xa8: {  	p0 =	sne.s32 s1, s7  }
0xa9: {  	s7 =	sshll.u32 @p0 s7, $0xE  }
0xaa: {  	s7 =	sadd.s32 @p0 $0x11B8D, s7;
	s8 =	sshll.u32 @p0 s6, $0x11  }
0xab: {  	s7 =	sor.u32 @p0 s8, s7  }
0xac: {  	[sflag:s7] =	ssyncadd.remote.s32 @p0 $0x1;
	_ =	sdelay $0x1  }
0xad: {  	s7 =	simm.s32 @p0 $0x1B8D  }
0xae: {  	_ =	swait.eq @p0 [sflag:s7], $0x1  }
0xaf: {  	[sflag:s7] =	ssyncadd.s32 @p0 $0xFFFFFFFF  }
0xb0: {  	s8 =	sshll.u32 @!p0 s1, $0xE  }
0xb1: {  	s8 =	sor.u32 @!p0 $0x4000, s8;
	s7 =	simm.s32 @!p0 $0x1B8D  }
0xb2: {  	s6 =	sshll.u32 @!p0 s6, $0x11;
	s8 =	sadd.s32 @!p0 $0x11B8D, s8;
	_ =	swait.eq @!p0 [sflag:s7], $0x1  }
0xb3: {  	s6 =	sor.u32 @!p0 s6, s8;
	[sflag:s7] =	ssyncadd.s32 @!p0 $0xFFFFFFFF  }
0xb4: {  	s25 =	simm.s32 $0x1B8E;
	s24 =	sld [smem:$0x3FFE];
	[sflag:s6] =	ssyncadd.remote.s32 @!p0 $0x1  }
0xb5: {  	s26 =	simm.s32 $execute0_lowered;
	[smem:$0x3FD2] =	sst s25  }
0xb6: {  	s7 =	sshll.u32 s26, $0x1;
	_ =	strace $0x80000049;
	[dreg:$0x1] =	wrdreg $0xFFFFFFFF  }
0xb7: {  	s28 =	simm.s32 $_size_execute0_lowered;
	s5 =	sadd.s32 s5, s7;
	[dreg:$0x0] =	wrdreg $0x0  }
0xb8: {  	s7 =	sshll.u32 s28, $0x1;
	[dreg:$0x2] =	wrdreg s5  }
0xb9: {  	[dreg:$0x3] =	wrdreg s7  }
0xba: {  	[dreg:$0x4] =	wrdreg $0xC0  }
0xbb: {  	_ =	task [dreg:s22], $0x5FFFF  }
0xbc: {  	[dreg:$0x1] =	wrdreg $0xFFFFFFFF  }
0xbd: {  	[dreg:$0x0] =	wrdreg $0x60  }
0xbe: {  	[dreg:$0x2] =	wrdreg s18  }
0xbf: {  	[dreg:$0x3] =	wrdreg s4  }
0xc0: {  	[dreg:$0x4] =	wrdreg s24  }
0xc1: {  	[dreg:$0x5] =	wrdreg $0xA  }
0xc2: {  	_ =	task.clear_ibuf [dreg:s22], $0x6FFFF;
	_ =	strace $0x90000049  }
0xc3: {  	s29 =	simm.s32 $0xA;
	_ =	strace $0x8000004B  }
0xc4: {  	_ =	swait.ge [sflag:s29], $0x1  }
0xc5: {  	[sflag:s29] =	ssyncadd.s32 $0xFFFFFFFF  }
0xc6: {  	_ =	strace $0x9000004B  }
0xc7: {  	_ =	sfence  }
0xc8: {  	s30 =	sld [smem:$0x0];
	_ =	sdelay $0x2  }
0xc9: {  	s31 =	sshll.u32 s1, $0xD;
	s1 =	sshrl.u32 s1, $0x2  }
0xca: {  	s4 =	sand.u32 $0x4000, s31;
	s1 =	sadd.s32 s1, s30  }
0xcb: {  	s0 =	sor.u32 s4, s0;
	s1 =	sshll.u32 s1, $0x11  }
0xcc: {  	s0 =	sor.u32 s1, s0  }
0xcd: {  	s0 =	sadd.s32 $0x8F2B, s0  }
0xce: {  	[sflag:s0] =	ssyncadd.remote.s32 $0x1  }
0xcf: {  	_ =	sfence.sel $0xFFFF  }
0xd0: {  	[dreg:$0x0] =	wrdreg $0xFFFFFFFF;
	(pc) =	sbr.abs _section_cstart, $3  }
0xd1: {  	[dreg:$0x1] =	wrdreg $0xFFFFFFFF  }
0xd2: {  	_ =	task.clear_ibuf [dreg:s22], $0x2FFFF;
	_ =	strace $0x9FFFFFFF  }
0xd3: {  	(tm) =	ssettm $0x7FFFFFFF  }
tec
execute0_lowered:
.L_overlay_start_1:
0x0: {  	(tag) =	ssettag $0x1  }
0x1: {  	s2 =	rddreg [dreg:$0x0]  }
0x2: {  	s1 =	srdreg.scid;
	s3 =	rddreg [dreg:$0x1]  }
0x3: {  	s0 =	stileid.u32;
	s5 =	rddreg [dreg:$0x2]  }
0x4: {  	s9 =	simm.s32 $0x1;
	s10 =	simm.s32 $0x3;
	s1 =	sshll.u32 s1, $0xA  }
0x5: {  	s13 =	simm.s32 $0x0;
	s4 =	sshll.u32 s0, $0xB;
	s6 =	sand.u32 $0x400, s1  }
0x6: {  	s12 =	simm.s32 $0x0;
	s5 =	sadd.s32 $0x3A00, s5;
	s4 =	sor.u32 s4, s6  }
0x7: {  	s1 =	rddreg [dreg:$0x3];
	_ =	strace $0x8000004A;
	s8 =	ssub.s32 $0xB000, s4  }
.Ltmp0:
0x8: {  	s6 =	simm.s32 $0x1;
	s7 =	sand.u32 $0x7C00, s8;
	(pc) =	sbr.rel .LBB2_1-.Ltmp0, $4  }
0x9: {  	[sflag:s6] =	ssyncpa.u1 $0x0;
	s11 =	smov.u32 s4;
	p0 =	sne.s32 s7, $0x0  }
0xa: {  	s8 =	sshrl.u32 s8, $0xF;
	s7 =	simm.s32 $0x2;
	s9 =	simm.s32 @!p0 $0x0  }
0xb: {  	[sflag:s7] =	ssyncpa.u1 $0x0;
	p0 =	por $0x0, $0x0;
	s8 =	sadd.s32 s9, s8  }
0xc: {  	vm0 =	vmmov $0xffff;
	[sflag:s10] =	ssyncpa.u1 $0x0;
	s10 =	simm.s32 $0x0;
	s9 =	sadd.s32 $0x1, s8  }
.LBB2_4:
0xd: {  	vm1 =	veq.s32 v4, $0x80000000;
	v56 =	vand.u32 $0x3FFF, v4;
	v6 =	vand.u32 $0x3FFF, v6  }
0xe: {  	v2 =	vor.u32 v2, v5;
	v59 =	vshrl.u32 v1, $0xE;
	v60 =	vand.u32 $0x3FFF, v1  }
0xf: {  	v4 =	vsel vm1, $0xFFFFFFFF, v56;
	v6 =	vsel vm1, $0xFFFFFFFF, v6;
	v2 =	vor.u32 v3, v2  }
0x10: {  	vm1 =	veq.s32 v1, $0x80000000;
	v5 =	vand.u32 $0x3FFF, v59;
	v7 =	vshrl.u32 v4, $0x3  }
0x11: {  	v57 =	vshll.u32 v6, $0x3;
	v4 =	vshll.u32 v4, $0x7;
	v1 =	vsel vm1, $0xFFFFFFFF, v60  }
0x12: {  	v5 =	vsel vm1, $0xFFFFFFFF, v5;
	v6 =	vand.u32 $0x7F, v6;
	v7 =	vmul.u32 $0x13C00, v7  }
0x13: {  	v58 =	vand.u32 $0xFFFFFC00, v57;
	v4 =	vand.u32 $0x380, v4;
	v61 =	vshrl.u32 v1, $0x3  }
0x14: {  	v62 =	vshll.u32 v5, $0x3;
	v3 =	vadd.s32 v7, v58;
	v7 =	vmul.u32 $0x13C00, v61  }
0x15: {  	v1 =	vshll.u32 v1, $0x7;
	v3 =	vor.u32 v4, v3;
	v4 =	vand.u32 $0xFFFFFC00, v62  }
0x16: {  	v1 =	vand.u32 $0x380, v1;
	v3 =	vor.u32 v6, v3;
	v4 =	vadd.s32 v7, v4  }
0x17: {  	[tilespmem:s16], [sflag:$0x1] =	stream.indirect_vreg.gather [hbm4b:s2+s10], $0x1, v0, vm0, $0x4038;
	v63 =	vand.u32 $0x7F, v5;
	v1 =	vor.u32 v1, v4;
	[tilespmem:$0x1000] =	vst v63  }
0x18: {  	s15 =	sadd.s32 $0x10, s15;
	(ifvalue) =	ssetifvalue $0x7FFFFFFF;
	v0 =	vor.u32 v63, v1  }
0x19: {  	[tilespmem:s15], [sflag:$0x1] =	stream.indirect_vreg.gather [hbm4b:s2+s10], $0x1, v2, vm0, $0x4038;
	[tilespmem:$0x1000] =	vst v63  }
0x1a: {  	s15 =	sadd.s32 $0x10, s15;
	(ifvalue) =	ssetifvalue $0x7FFFFFFF  }
0x1b: {  	[tilespmem:s15], [sflag:$0x1] =	stream.indirect_vreg.gather [hbm4b:s2+s10], $0x1, v3, vm0, $0x4038;
	[tilespmem:$0x1000] =	vst v63  }
0x1c: {  	s15 =	sadd.s32 $0x10, s15;
	(ifvalue) =	ssetifvalue $0x7FFFFFFF  }
0x1d: {  	[tilespmem:s15], [sflag:$0x1] =	stream.indirect_vreg.gather [hbm4b:s2+s10], $0x1, v0, vm0, $0x4038;
	[tilespmem:$0x1000] =	vst v63  }
0x1e: {  	_ =	swait.ge [sflag:s6], $0x400  }
0x1f: {  	s30 =	sshrl.u32 s13, $0x3;
	[sflag:s6] =	ssyncset.done $0x0  }
0x20: {  	s31 =	sand.u32 $0x7, s13;
	s15 =	sadd.s32 s5, s30;
	[sflag:s6] =	ssyncadd.s32 $0xFFFFFC00  }
0x21: {  	[hbm4b:s15+s31] =	stream.linear.scatter [tilespmem:s14], [sflag:$0x3], $0x400, $0x38;
	[tilespmem:$0x1000] =	vst v63  }
.LBB2_5:
0x22: {  	s15 =	sadd.s32 $0x8000, s11  }
0x23: {  	p2 =	sgt.s32 s15, $0xAFFF  }
0x24: {  	s15 =	smov.u32 @p2 s4;
	p2 =	sne.s32 s12, s9  }
.Ltmp1:
0x25: {  	p1 =	slt.u32 s12, $0x2;
	(pc) =	sbr.rel @!p2 .LBB2_6-.Ltmp1, $4  }
0x26: {  	s14 =	simm.s32 @!p1 $0x3  }
0x27: {  	s16 =	sadd.s32 $0x1, s12;
	_ =	swait.ge @!p1 [sflag:s14], $0x400  }
0x28: {  	s13 =	smov.u32 s11;
	p0 =	por !p0, !p0;
	[sflag:s14] =	ssyncset.done @!p1 $0x0  }
0x29: {  	s12 =	smov.u32 s16;
	s11 =	smov.u32 s15;
	[sflag:s14] =	ssyncadd.s32 @!p1 $0xFFFFFC00  }
.LBB2_1:
0x2a: {  	p1 =	sge.u32 s12, s8  }
0x2b: {  	s14 =	sxor.u32 @!p1 $0xFFFFFFFF, s12  }
0x2c: {  	s31 =	sadd.s32 $0xFFFFFFFF, s12;
	s15 =	sshrl.u32 @!p1 s11, $0x3;
	s14 =	sshll.u32 @!p1 s14, $0xA  }
0x2d: {  	s16 =	sand.u32 @!p1 $0x7, s11;
	s15 =	sadd.s32 @!p1 s3, s15;
	s14 =	sand.u32 @!p1 $0x400, s14  }
0x2e: {  	[tilespmem:s14], [sflag:$0x2] =	stream.linear.gather @!p1 [hbm4b:s15+s16], $0x400, $0x38;
	[tilespmem:$0x1000] =	vst v63  }
0x2f: {  	p1 =	sge.u32 s31, s8  }
.Ltmp2:
0x30: {  	_ = 	snop;
	(pc) =	sbr.rel @p1 .LBB2_5-.Ltmp2, $1  }
0x31: {  	_ =	sdelay $0x3  }
0x32: {  	s14 =	simm.s32 $0x1  }
0x33: {  	_ =	swait.ge [sflag:s7], $0x400;
	s14 =	simm.s32 @!p0 $0x0  }
0x34: {  	[sflag:s7] =	ssyncset.done $0x0;
	s14 =	sshll.u32 s14, $0xA  }
0x35: {  	[sflag:s7] =	ssyncadd.s32 $0xFFFFFC00;
	(ifvalue) =	ssetifvalue $0x7FFFFFFF;
	v0 =	vld.msk [tilespmem:s14+$0x0 ss:$0x1], $0xffff  }
0x36: {  	s15 =	sadd.s32 $0x10, s14  }
0x37: {  	v1 =	vld.msk [tilespmem:s15+$0x0 ss:$0x1], $0xffff;
	_ =	sdelay $0x2  }
0x38: {  	v2 =	vshrl.u32 v0, $0xE  }
0x39: {  	vm1 =	veq.s32 v0, $0x80000000;
	v0 =	vand.u32 $0x3FFF, v0;
	v2 =	vand.u32 $0x3FFF, v2  }
0x3a: {  	v0 =	vsel vm1, $0xFFFFFFFF, v0;
	v6 =	vshrl.u32 v1, $0xE;
	v2 =	vsel vm1, $0xFFFFFFFF, v2  }
0x3b: {  	v3 =	vshrl.u32 v0, $0x3;
	v0 =	vshll.u32 v0, $0x7;
	vm1 =	veq.s32 v1, $0x80000000  }
0x3c: {  	s15 =	sadd.s32 $0x10, s15;
	v1 =	vand.u32 $0x3FFF, v1;
	v4 =	vshll.u32 v2, $0x3;
	v3 =	vmul.u32 $0x13C00, v3  }
0x3d: {  	v0 =	vand.u32 $0x380, v0;
	v7 =	vand.u32 $0x7F, v2;
	v5 =	vand.u32 $0xFFFFFC00, v4;
	v4 =	vld.msk [tilespmem:s15+$0x0 ss:$0x1], $0xffff  }
0x3e: {  	v1 =	vsel vm1, $0xFFFFFFFF, v1;
	v2 =	vadd.s32 v3, v5;
	v3 =	vand.u32 $0x3FFF, v6  }
0x3f: {  	v3 =	vsel vm1, $0xFFFFFFFF, v3;
	v0 =	vor.u32 v0, v2;
	v2 =	vshrl.u32 v1, $0x3  }
0x40: {  	s16 =	sshll.u32 s12, $0xA;
	s18 =	simm.s32 $0x30;
	v1 =	vshll.u32 v1, $0x7;
	v5 =	vshll.u32 v3, $0x3;
	v8 =	vmul.u32 $0x13C00, v2  }
0x41: {  	s31 =	sand.u32 $0x400, s16;
	s17 =	sadd.s32 $0x10, s15;
	s15 =	sor.u32 $0x800, s14;
	v2 =	vand.u32 $0x380, v1;
	v0 =	vor.u32 v7, v0;
	v5 =	vand.u32 $0xFFFFFC00, v5  }
0x42: {  	s14 =	sor.u32 $0x800, s31;
	s16 =	smov.u32 s15;
	v1 =	vld.msk [tilespmem:s17+$0x0 ss:$0x1], $0xffff;
	v3 =	vand.u32 $0x7F, v3;
	(ifvalue) =	ssetifvalue $0x7FFFFFFF;
	v6 =	vshrl.u32 v4, $0xE;
	v5 =	vadd.s32 v8, v5  }
.LBB2_3:
0x43: {  	s18 =	sadd.s32 $0x10, s18  }
0x44: {  	vm1 =	veq.s32 v4, $0x80000000;
	v4 =	vand.u32 $0x3FFF, v4;
	v6 =	vand.u32 $0x3FFF, v6;
	s15 =	sadd.s32 $0x10, s15;
	p1 =	slt.u32 s18, $0x3F0  }
.Ltmp3:
0x45: {  	v5 =	vor.u32 v2, v5;
	v4 =	vsel vm1, $0xFFFFFFFF, v4;
	v7 =	vsel vm1, $0xFFFFFFFF, v6;
	(pc) =	sbr.rel @p1 .LBB2_3-.Ltmp3, $4  }
0x46: {  	v2 =	vshrl.u32 v4, $0x3;
	v6 =	vshll.u32 v7, $0x3;
	v4 =	vshll.u32 v4, $0x7;
	[tilespmem:s16], [sflag:$0x1] =	stream.indirect_vreg.gather [hbm4b:s2+s10], $0x1, v0, vm0, $0x4038;
	[tilespmem:$0x1000] =	vst v63  }
0x47: {  	v0 =	vor.u32 v3, v5;
	s16 =	smov.u32 s15;
	v8 =	vmul.u32 $0x13C00, v2;
	v2 =	vand.u32 $0x380, v4  }
0x48: {  	s17 =	sadd.s32 $0x10, s17;
	v9 =	vand.u32 $0xFFFFFC00, v6  }
0x49: {  	v3 =	vand.u32 $0x7F, v7;
	v6 =	vshrl.u32 v1, $0xE;
	v5 =	vadd.s32 v8, v9;
	(ifvalue) =	ssetifvalue $0x7FFFFFFF;
	v4 =	vmovc v1;
	v1 =	vld.msk [tilespmem:s17+$0x0 ss:$0x1], $0xffff  }
.Ltmp4:
0x4a: {  	_ = 	snop;
	(pc) =	sbr.rel .LBB2_4-.Ltmp4, $1  }
0x4b: {  	_ =	sdelay $0x3  }
.LBB2_6:
0x4c: {  	_ =	sfence.sel $0x180000  }
0x4d: {  	s2 =	simm.s32 $0x2;
	[bflag:$0x0] =	sbarrier.arrive $0xFFFF  }
0x4e: {  	s30 =	simm.s32 $0x3;
	[sflag:s2] =	ssyncpa.u1 $0x1  }
0x4f: {  	s31 =	simm.s32 $0x1;
	[sflag:s30] =	ssyncpa.u1 $0x1  }
0x50: {  	[sflag:s31] =	ssyncpa.u1 $0x1  }
0x51: {  	p0 =	sne.s32 s0, $0x0;
	_ =	strace $0x9000004A  }
0x52: {  	s0 =	sadd.s32 @!p0 $0x100000, s1;
	[bflag:$0x2] =	sbarrier.arrive $0xFFFF  }
0x53: {  	[sflag:s0] =	ssyncadd.tile.s32 @!p0 $0x1;
	_ =	shalt  }
.Lfunc_end2:
_tile_overlayer_lowered:
.L_overlay_start_2:
0x54: {  	(tag) =	ssettag $0x2  }
0x55: {  	s0 =	rddreg [dreg:$0x0];
	s2 =	stileid.u32  }
0x56: {  	s1 =	rddreg [dreg:$0x1];
	p0 =	sne.s32 s2, $0x0  }
0x57: {  	s3 =	rddreg [dreg:$0x2];
	[bflag:$0x3] =	sbarrier.arrive $0xFFFF;
	s2 =	simm.s32 @!p0 $0x1C01  }
0x58: {  	[timem:s3], [sflag:s2] =	dma.local @!p0 [hbm:s0], s1  }
0x59: {  	s0 =	simm.s32 @!p0 $0x1  }
0x5a: {  	_ =	swait.ge @!p0 [sflag:s0], s1  }
0x5b: {  	s1 =	ssub.s32 @!p0 $0x0, s1;
	[sflag:s0] =	ssyncset.done @!p0 $0x0  }
0x5c: {  	[sflag:s0] =	ssyncadd.s32 @!p0 s1  }
0x5d: {  	[bflag:$0x3] =	sbarrier.arrive $0xFFFF  }
0x5e: {  	_ =	shalt  }

// kernel: gather_offload_async_start
scs
__scs_entry_jumppad:
0x0: {  	(pc) =	sbr.rel $0x88, $3  }
0x1: {  	(tag) =	ssettag $0x0;
	lr =	simm.s32 $0x1  }
0x2: {  	[smem:$0x3F9C] =	sst lr;
	_ =	strace $0xD0000000  }
0x3: {  	_ = 	snop  }
0x4: {  	_ = 	snop  }
0x5: {  	_ = 	snop  }
0x6: {  	_ = 	snop  }
0x7: {  	_ = 	snop  }
__scs_overlays_trampoline_lowered:
0x8: {  	[smem:$0x3FAB] =	sst s0  }
0x9: {  	[smem:$0x3FAC] =	sst s1  }
0xa: {  	[smem:$0x3FAD] =	sst s2  }
0xb: {  	[smem:$0x3FAE] =	sst s3  }
0xc: {  	[smem:$0x3FAF] =	sst s4  }
0xd: {  	[smem:$0x3FB0] =	sst s5  }
0xe: {  	[smem:$0x3FB1] =	sst s6  }
0xf: {  	[smem:$0x3FB2] =	sst s7  }
0x10: {  	[smem:$0x3FB3] =	sst s8  }
0x11: {  	[smem:$0x3FB4] =	sst s9;
	s0 =	simm.s32 @!p0 $0x0  }
0x12: {  	s1 =	sld [smem:$0x3F9A];
	s0 =	simm.s32 @p0 $0x1  }
0x13: {  	[smem:$0x3FB5] =	sst s0;
	s0 =	simm.s32 @!p1 $0x0  }
0x14: {  	s2 =	sld [smem:$0x3F99];
	s0 =	simm.s32 @p1 $0x1  }
0x15: {  	[smem:$0x3FB6] =	sst s0;
	s0 =	simm.s32 @!p2 $0x0  }
0x16: {  	s3 =	sld [smem:$0x3FDB];
	s0 =	simm.s32 @p2 $0x1  }
0x17: {  	s4 =	simm.s32 $0x1BF5;
	[smem:$0x3FB8] =	sst s0  }
0x18: {  	s0 =	sld [smem:$0x3F9B];
	_ =	swait.ge [sflag:s4], $0x0  }
0x19: {  	s7 =	sld [smem:$0x3F9C]  }
0x1a: {  	s8 =	sadd.s32 $0xFFFFE003, lr  }
0x1b: {  	s9 =	sadd.s32 $0xFFFFFEF7, lr;
	s5 =	simm.s32 $0xFFFFFFFF;
	p2 =	slt.u32 s8, $0xFFFFF086  }
0x1c: {  	p1 =	slt.u32 s9, $0xF7A;
	s5 =	simm.s32 @!p2 $0x0  }
0x1d: {  	s5 =	simm.s32 @p1 $0x1;
	p0 =	seq.s32 s7, s2  }
0x1e: {  	s7 =	smul.u32 @!p0 $0xF7A, s2;
	p2 =	seq.s32 @!p0 s5, $0x0  }
0x1f: {  	s9 =	smul.u32 $0xF7A, s1;
	s8 =	simm.s32 @!p0 $0x1BF5;
	p2 =	por !p2, p0  }
0x20: {  	[sflag:s8] =	ssyncset.s32 @!p0 $0xFFFFF086;
	s6 =	sadd.s32 @!p0 s3, s7;
	s7 =	simm.s32 @!p0 $0x108  }
0x21: {  	s3 =	sadd.s32 s3, s9;
	s6 =	sadd.s32 @!p0 $0x88, s6;
	s7 =	simm.s32 @p2 $0x1082  }
0x22: {  	[simem:s7], [sflag:s8] =	dma.local @!p0 [hbm:s6], $0xF7A  }
0x23: {  	s9 =	sor.u32 $0xD0000000, s2;
	s6 =	simm.s32 $0x108;
	_ =	swait.ge @!p0 [sflag:s8], $0x0  }
0x24: {  	s3 =	sadd.s32 $0x88, s3;
	s6 =	simm.s32 @!p1 $0x1082;
	[sflag:s4] =	ssyncset.s32 $0xFFFFF086  }
0x25: {  	[simem:s6], [sflag:s4] =	dma.local [hbm:s3], $0xF7A  }
0x26: {  	[smem:$0x3F9C] =	sst s1;
	(tag) =	ssettag s2;
	_ =	strace s9  }
0x27: {  	s1 =	sld [smem:$0x3FAC]  }
0x28: {  	s2 =	sld [smem:$0x3FAD]  }
0x29: {  	s4 =	sld [smem:$0x3FAF]  }
0x2a: {  	p0 =	seq.s32 s5, $0x0;
	s5 =	sld [smem:$0x3FB0]  }
0x2b: {  	s6 =	sld [smem:$0x3FB1]  }
0x2c: {  	s7 =	sld [smem:$0x3FB2]  }
0x2d: {  	s3 =	simm.s32 $0x108;
	s8 =	sld [smem:$0x3FB3]  }
0x2e: {  	s3 =	simm.s32 @!p0 $0x1082;
	s9 =	sld [smem:$0x3FB4]  }
0x2f: {  	lr =	sadd.s32 s0, s3;
	s0 =	sld [smem:$0x3FAB]  }
0x30: {  	s3 =	sld [smem:$0x3FAE]  }
0x31: {  	[smem:$0x3FB7] =	sst s10  }
0x32: {  	s10 =	sld [smem:$0x3FB5];
	_ =	sdelay $0x3  }
0x33: {  	p0 =	seq.s32 s10, $0x1;
	s10 =	sld [smem:$0x3FB7];
	_ =	sdelay $0x3  }
0x34: {  	[smem:$0x3FB7] =	sst s10  }
0x35: {  	s10 =	sld [smem:$0x3FB6];
	_ =	sdelay $0x3  }
0x36: {  	p1 =	seq.s32 s10, $0x1;
	s10 =	sld [smem:$0x3FB7];
	_ =	sdelay $0x3  }
0x37: {  	[smem:$0x3FB7] =	sst s10  }
0x38: {  	s10 =	sld [smem:$0x3FB8]  }
0x39: {  	_ = 	snop;
	(pc) =	sbr.ind lr, $3  }
0x3a: {  	_ = 	snop  }
0x3b: {  	_ = 	snop  }
0x3c: {  	p2 =	seq.s32 s10, $0x1;
	s10 =	sld [smem:$0x3FB7]  }
0x3d: {  	_ =	shalt  }
0x3e: {  	_ =	shalt  }
0x3f: {  	_ =	shalt  }
0x40: {  	_ =	shalt  }
0x41: {  	_ =	shalt  }
0x42: {  	_ =	shalt  }
0x43: {  	_ =	shalt  }
0x44: {  	_ =	shalt  }
0x45: {  	_ =	shalt  }
0x46: {  	_ =	shalt  }
0x47: {  	_ =	shalt  }
0x48: {  	_ =	shalt  }
0x49: {  	_ =	shalt  }
0x4a: {  	_ =	shalt  }
0x4b: {  	_ =	shalt  }
0x4c: {  	_ =	shalt  }
0x4d: {  	_ =	shalt  }
0x4e: {  	_ =	shalt  }
0x4f: {  	_ =	shalt  }
0x50: {  	_ =	shalt  }
0x51: {  	_ =	shalt  }
0x52: {  	_ =	shalt  }
0x53: {  	_ =	shalt  }
0x54: {  	_ =	shalt  }
0x55: {  	_ =	shalt  }
0x56: {  	_ =	shalt  }
0x57: {  	_ =	shalt  }
0x58: {  	_ =	shalt  }
0x59: {  	_ =	shalt  }
0x5a: {  	_ =	shalt  }
0x5b: {  	_ =	shalt  }
0x5c: {  	_ =	shalt  }
0x5d: {  	_ =	shalt  }
0x5e: {  	_ =	shalt  }
0x5f: {  	_ =	shalt  }
0x60: {  	_ =	shalt  }
0x61: {  	_ =	shalt  }
0x62: {  	_ =	shalt  }
0x63: {  	_ =	shalt  }
0x64: {  	_ =	shalt  }
0x65: {  	_ =	shalt  }
0x66: {  	_ =	shalt  }
0x67: {  	_ =	shalt  }
0x68: {  	_ =	shalt  }
0x69: {  	_ =	shalt  }
0x6a: {  	_ =	shalt  }
0x6b: {  	_ =	shalt  }
0x6c: {  	_ =	shalt  }
0x6d: {  	_ =	shalt  }
0x6e: {  	_ =	shalt  }
0x6f: {  	_ =	shalt  }
0x70: {  	_ =	shalt  }
0x71: {  	_ =	shalt  }
0x72: {  	_ =	shalt  }
0x73: {  	_ =	shalt  }
0x74: {  	_ =	shalt  }
0x75: {  	_ =	shalt  }
0x76: {  	_ =	shalt  }
0x77: {  	_ =	shalt  }
0x78: {  	_ =	shalt  }
0x79: {  	_ =	shalt  }
0x7a: {  	_ =	shalt  }
0x7b: {  	_ =	shalt  }
0x7c: {  	_ =	shalt  }
0x7d: {  	_ =	shalt  }
0x7e: {  	_ =	shalt  }
0x7f: {  	_ =	shalt  }
0x80: {  	_ =	shalt  }
0x81: {  	_ =	shalt  }
0x82: {  	_ =	shalt  }
0x83: {  	_ =	shalt  }
0x84: {  	_ =	shalt  }
0x85: {  	_ =	shalt  }
0x86: {  	_ =	shalt  }
0x87: {  	_ =	shalt  }
.Lfunc_end0:
.L_simem_size_0:
called_computation_lowered:
.L_overlay_start_0:
0x88: {  	s2 =	sld [smem:$0x3FD9]  }
0x89: {  	s3 =	sld [smem:$0x3FFE];
	_ =	sdelay $0x1  }
0x8a: {  	s1 =	srdreg.scid  }
0x8b: {  	s0 =	sand.u32 $0x1, s1  }
0x8c: {  	s17 =	sshll.u32 s0, $0xA;
	s2 =	sadd.s32 s3, s2  }
0x8d: {  	s2 =	sadd.s32 s2, s17  }
0x8e: {  	[smem:$0x3FC3] =	sst s2  }
0x8f: {  	_ = 	snop  }
0x90: {  	s2 =	sld [smem:$0x3FC7]  }
0x91: {  	s18 =	sld [smem:$0x3FD0];
	(tm) =	ssettm $0x1  }
0x92: {  	s4 =	sld [smem:$0x3FFB];
	_ =	sdelay $0x3  }
0x93: {  	_ =	strace s4  }
0x94: {  	s4 =	sld [smem:$0x3FFC];
	_ =	sdelay $0x3  }
0x95: {  	_ =	strace s4  }
0x96: {  	s4 =	sld [smem:$0x3FFD];
	_ =	sdelay $0x3  }
0x97: {  	_ =	strace s4  }
0x98: {  	_ =	strace $0x8FFFFFFF  }
0x99: {  	s19 =	sld [smem:$0x3FDB];
	_ =	sdelay $0x1  }
0x9a: {  	s5 =	simm.s32 $_scs_section_size  }
0x9b: {  	s6 =	simm.s32 $_size__tile_overlayer_lowered;
	s7 =	simm.s32 $_tile_overlayer_lowered  }
0x9c: {  	s22 =	simm.s32 $0x1BFF;
	s21 =	sshll.u32 s7, $0x1;
	s4 =	sadd.s32 s5, s19  }
0x9d: {  	s8 =	simm.s32 $0x0;
	s20 =	sshll.u32 s6, $0x1;
	s6 =	sadd.s32 s21, s4  }
0x9e: {  	[timem:s8], [sflag:s22] =	dma.local [hbm:s6], s20  }
0x9f: {  	_ =	swait.ge [sflag:s22], s20  }
0xa0: {  	s5 =	ssub.s32 $0x0, s20;
	[sflag:s22] =	ssyncset.done $0x0  }
0xa1: {  	[sflag:s22] =	ssyncadd.s32 s5;
	_ =	sdelay $0x1  }
0xa2: {  	s23 =	simm.s32 $0x1B8B  }
0xa3: {  	_ =	swait.ge [sflag:s23], $0x1  }
0xa4: {  	[sflag:s23] =	ssyncset.done $0x0  }
0xa5: {  	s25 =	simm.s32 $0x1B8E;
	s24 =	sld [smem:$0x3FFE];
	[sflag:s23] =	ssyncadd.s32 $0xFFFFFFFF  }
0xa6: {  	s26 =	simm.s32 $execute0_lowered;
	[smem:$0x3FD2] =	sst s25  }
0xa7: {  	s6 =	sshll.u32 s26, $0x1;
	_ =	strace $0x80000046;
	[dreg:$0x1] =	wrdreg $0xFFFFFFFF  }
0xa8: {  	s28 =	simm.s32 $_size_execute0_lowered;
	s4 =	sadd.s32 s4, s6;
	[dreg:$0x0] =	wrdreg $0x0  }
0xa9: {  	s6 =	sshll.u32 s28, $0x1;
	[dreg:$0x2] =	wrdreg s4  }
0xaa: {  	[dreg:$0x3] =	wrdreg s6  }
0xab: {  	[dreg:$0x4] =	wrdreg $0xC0  }
0xac: {  	_ =	task [dreg:s8], $0x5FFFF  }
0xad: {  	[dreg:$0x1] =	wrdreg $0xFFFFFFFF  }
0xae: {  	[dreg:$0x0] =	wrdreg $0x60  }
0xaf: {  	[dreg:$0x2] =	wrdreg s2  }
0xb0: {  	[dreg:$0x3] =	wrdreg s18  }
0xb1: {  	[dreg:$0x4] =	wrdreg s24  }
0xb2: {  	[dreg:$0x5] =	wrdreg $0x9  }
0xb3: {  	_ =	task.clear_ibuf [dreg:s8], $0x6FFFF;
	_ =	strace $0x90000046  }
0xb4: {  	s29 =	simm.s32 $0x9;
	_ =	strace $0x80000048  }
0xb5: {  	_ =	swait.ge [sflag:s29], $0x1  }
0xb6: {  	[sflag:s29] =	ssyncadd.s32 $0xFFFFFFFF  }
0xb7: {  	_ =	strace $0x90000048  }
0xb8: {  	_ =	sfence  }
0xb9: {  	s30 =	sld [smem:$0x0];
	_ =	sdelay $0x2  }
0xba: {  	s31 =	sshll.u32 s1, $0xD;
	s1 =	sshrl.u32 s1, $0x2  }
0xbb: {  	s3 =	sand.u32 $0x4000, s31;
	s1 =	sadd.s32 s1, s30  }
0xbc: {  	s0 =	sor.u32 s3, s0;
	s1 =	sshll.u32 s1, $0x11  }
0xbd: {  	s0 =	sor.u32 s1, s0  }
0xbe: {  	s0 =	sadd.s32 $0x8F2B, s0  }
0xbf: {  	[sflag:s0] =	ssyncadd.remote.s32 $0x1  }
0xc0: {  	_ =	sfence.sel $0xFFFF  }
0xc1: {  	[dreg:$0x0] =	wrdreg $0xFFFFFFFF;
	(pc) =	sbr.abs _section_cstart, $3  }
0xc2: {  	[dreg:$0x1] =	wrdreg $0xFFFFFFFF  }
0xc3: {  	_ =	task.clear_ibuf [dreg:s8], $0x2FFFF;
	_ =	strace $0x9FFFFFFF  }
0xc4: {  	(tm) =	ssettm $0x7FFFFFFF  }
0xc5: {  	_ =	shalt  }
tec
execute0_lowered:
.L_overlay_start_1:
0x0: {  	(tag) =	ssettag $0x1  }
0x1: {  	s2 =	rddreg [dreg:$0x0]  }
0x2: {  	s1 =	srdreg.scid;
	s3 =	rddreg [dreg:$0x1]  }
0x3: {  	s0 =	stileid.u32;
	s5 =	rddreg [dreg:$0x2]  }
0x4: {  	s9 =	simm.s32 $0x1;
	s10 =	simm.s32 $0x3;
	s1 =	sshll.u32 s1, $0xA  }
0x5: {  	s13 =	simm.s32 $0x0;
	s4 =	sshll.u32 s0, $0xB;
	s6 =	sand.u32 $0x400, s1  }
0x6: {  	s12 =	simm.s32 $0x0;
	s5 =	sadd.s32 $0x2400, s5;
	s4 =	sor.u32 s4, s6  }
0x7: {  	s1 =	rddreg [dreg:$0x3];
	_ =	strace $0x80000047;
	s8 =	ssub.s32 $0xB000, s4  }
.Ltmp0:
0x8: {  	s6 =	simm.s32 $0x1;
	s7 =	sand.u32 $0x7C00, s8;
	(pc) =	sbr.rel .LBB2_1-.Ltmp0, $4  }
0x9: {  	[sflag:s6] =	ssyncpa.u1 $0x0;
	s11 =	smov.u32 s4;
	p0 =	sne.s32 s7, $0x0  }
0xa: {  	s8 =	sshrl.u32 s8, $0xF;
	s7 =	simm.s32 $0x2;
	s9 =	simm.s32 @!p0 $0x0  }
0xb: {  	[sflag:s7] =	ssyncpa.u1 $0x0;
	p0 =	por $0x0, $0x0;
	s8 =	sadd.s32 s9, s8  }
0xc: {  	vm0 =	vmmov $0xffff;
	[sflag:s10] =	ssyncpa.u1 $0x0;
	s10 =	simm.s32 $0x0;
	s9 =	sadd.s32 $0x1, s8  }
.LBB2_4:
0xd: {  	vm1 =	veq.s32 v4, $0x80000000;
	v56 =	vand.u32 $0x3FFF, v4;
	v6 =	vand.u32 $0x3FFF, v6  }
0xe: {  	v2 =	vor.u32 v2, v5;
	v59 =	vshrl.u32 v1, $0xE;
	v60 =	vand.u32 $0x3FFF, v1  }
0xf: {  	v4 =	vsel vm1, $0xFFFFFFFF, v56;
	v6 =	vsel vm1, $0xFFFFFFFF, v6;
	v2 =	vor.u32 v3, v2  }
0x10: {  	vm1 =	veq.s32 v1, $0x80000000;
	v5 =	vand.u32 $0x3FFF, v59;
	v7 =	vshrl.u32 v4, $0x3  }
0x11: {  	v57 =	vshll.u32 v6, $0x3;
	v4 =	vshll.u32 v4, $0x7;
	v1 =	vsel vm1, $0xFFFFFFFF, v60  }
0x12: {  	v5 =	vsel vm1, $0xFFFFFFFF, v5;
	v6 =	vand.u32 $0x7F, v6;
	v7 =	vmul.u32 $0x13C00, v7  }
0x13: {  	v58 =	vand.u32 $0xFFFFFC00, v57;
	v4 =	vand.u32 $0x380, v4;
	v61 =	vshrl.u32 v1, $0x3  }
0x14: {  	v62 =	vshll.u32 v5, $0x3;
	v3 =	vadd.s32 v7, v58;
	v7 =	vmul.u32 $0x13C00, v61  }
0x15: {  	v1 =	vshll.u32 v1, $0x7;
	v3 =	vor.u32 v4, v3;
	v4 =	vand.u32 $0xFFFFFC00, v62  }
0x16: {  	v1 =	vand.u32 $0x380, v1;
	v3 =	vor.u32 v6, v3;
	v4 =	vadd.s32 v7, v4  }
0x17: {  	[tilespmem:s16], [sflag:$0x1] =	stream.indirect_vreg.gather [hbm4b:s2+s10], $0x1, v0, vm0, $0x4038;
	v63 =	vand.u32 $0x7F, v5;
	v1 =	vor.u32 v1, v4;
	[tilespmem:$0x1000] =	vst v63  }
0x18: {  	s15 =	sadd.s32 $0x10, s15;
	(ifvalue) =	ssetifvalue $0x7FFFFFFF;
	v0 =	vor.u32 v63, v1  }
0x19: {  	[tilespmem:s15], [sflag:$0x1] =	stream.indirect_vreg.gather [hbm4b:s2+s10], $0x1, v2, vm0, $0x4038;
	[tilespmem:$0x1000] =	vst v63  }
0x1a: {  	s15 =	sadd.s32 $0x10, s15;
	(ifvalue) =	ssetifvalue $0x7FFFFFFF  }
0x1b: {  	[tilespmem:s15], [sflag:$0x1] =	stream.indirect_vreg.gather [hbm4b:s2+s10], $0x1, v3, vm0, $0x4038;
	[tilespmem:$0x1000] =	vst v63  }
0x1c: {  	s15 =	sadd.s32 $0x10, s15;
	(ifvalue) =	ssetifvalue $0x7FFFFFFF  }
0x1d: {  	[tilespmem:s15], [sflag:$0x1] =	stream.indirect_vreg.gather [hbm4b:s2+s10], $0x1, v0, vm0, $0x4038;
	[tilespmem:$0x1000] =	vst v63  }
0x1e: {  	_ =	swait.ge [sflag:s6], $0x400  }
0x1f: {  	s30 =	sshrl.u32 s13, $0x3;
	[sflag:s6] =	ssyncset.done $0x0  }
0x20: {  	s31 =	sand.u32 $0x7, s13;
	s15 =	sadd.s32 s5, s30;
	[sflag:s6] =	ssyncadd.s32 $0xFFFFFC00  }
0x21: {  	[hbm4b:s15+s31] =	stream.linear.scatter [tilespmem:s14], [sflag:$0x3], $0x400, $0x38;
	[tilespmem:$0x1000] =	vst v63  }
.LBB2_5:
0x22: {  	s15 =	sadd.s32 $0x8000, s11  }
0x23: {  	p2 =	sgt.s32 s15, $0xAFFF  }
0x24: {  	s15 =	smov.u32 @p2 s4;
	p2 =	sne.s32 s12, s9  }
.Ltmp1:
0x25: {  	p1 =	slt.u32 s12, $0x2;
	(pc) =	sbr.rel @!p2 .LBB2_6-.Ltmp1, $4  }
0x26: {  	s14 =	simm.s32 @!p1 $0x3  }
0x27: {  	s16 =	sadd.s32 $0x1, s12;
	_ =	swait.ge @!p1 [sflag:s14], $0x400  }
0x28: {  	s13 =	smov.u32 s11;
	p0 =	por !p0, !p0;
	[sflag:s14] =	ssyncset.done @!p1 $0x0  }
0x29: {  	s12 =	smov.u32 s16;
	s11 =	smov.u32 s15;
	[sflag:s14] =	ssyncadd.s32 @!p1 $0xFFFFFC00  }
.LBB2_1:
0x2a: {  	p1 =	sge.u32 s12, s8  }
0x2b: {  	s14 =	sxor.u32 @!p1 $0xFFFFFFFF, s12  }
0x2c: {  	s31 =	sadd.s32 $0xFFFFFFFF, s12;
	s15 =	sshrl.u32 @!p1 s11, $0x3;
	s14 =	sshll.u32 @!p1 s14, $0xA  }
0x2d: {  	s16 =	sand.u32 @!p1 $0x7, s11;
	s15 =	sadd.s32 @!p1 s3, s15;
	s14 =	sand.u32 @!p1 $0x400, s14  }
0x2e: {  	[tilespmem:s14], [sflag:$0x2] =	stream.linear.gather @!p1 [hbm4b:s15+s16], $0x400, $0x38;
	[tilespmem:$0x1000] =	vst v63  }
0x2f: {  	p1 =	sge.u32 s31, s8  }
.Ltmp2:
0x30: {  	_ = 	snop;
	(pc) =	sbr.rel @p1 .LBB2_5-.Ltmp2, $1  }
0x31: {  	_ =	sdelay $0x3  }
0x32: {  	s14 =	simm.s32 $0x1  }
0x33: {  	_ =	swait.ge [sflag:s7], $0x400;
	s14 =	simm.s32 @!p0 $0x0  }
0x34: {  	[sflag:s7] =	ssyncset.done $0x0;
	s14 =	sshll.u32 s14, $0xA  }
0x35: {  	[sflag:s7] =	ssyncadd.s32 $0xFFFFFC00;
	(ifvalue) =	ssetifvalue $0x7FFFFFFF;
	v0 =	vld.msk [tilespmem:s14+$0x0 ss:$0x1], $0xffff  }
0x36: {  	s15 =	sadd.s32 $0x10, s14  }
0x37: {  	v1 =	vld.msk [tilespmem:s15+$0x0 ss:$0x1], $0xffff;
	_ =	sdelay $0x2  }
0x38: {  	v2 =	vshrl.u32 v0, $0xE  }
0x39: {  	vm1 =	veq.s32 v0, $0x80000000;
	v0 =	vand.u32 $0x3FFF, v0;
	v2 =	vand.u32 $0x3FFF, v2  }
0x3a: {  	v0 =	vsel vm1, $0xFFFFFFFF, v0;
	v6 =	vshrl.u32 v1, $0xE;
	v2 =	vsel vm1, $0xFFFFFFFF, v2  }
0x3b: {  	v3 =	vshrl.u32 v0, $0x3;
	v0 =	vshll.u32 v0, $0x7;
	vm1 =	veq.s32 v1, $0x80000000  }
0x3c: {  	s15 =	sadd.s32 $0x10, s15;
	v1 =	vand.u32 $0x3FFF, v1;
	v4 =	vshll.u32 v2, $0x3;
	v3 =	vmul.u32 $0x13C00, v3  }
0x3d: {  	v0 =	vand.u32 $0x380, v0;
	v7 =	vand.u32 $0x7F, v2;
	v5 =	vand.u32 $0xFFFFFC00, v4;
	v4 =	vld.msk [tilespmem:s15+$0x0 ss:$0x1], $0xffff  }
0x3e: {  	v1 =	vsel vm1, $0xFFFFFFFF, v1;
	v2 =	vadd.s32 v3, v5;
	v3 =	vand.u32 $0x3FFF, v6  }
0x3f: {  	v3 =	vsel vm1, $0xFFFFFFFF, v3;
	v0 =	vor.u32 v0, v2;
	v2 =	vshrl.u32 v1, $0x3  }
0x40: {  	s16 =	sshll.u32 s12, $0xA;
	s18 =	simm.s32 $0x30;
	v1 =	vshll.u32 v1, $0x7;
	v5 =	vshll.u32 v3, $0x3;
	v8 =	vmul.u32 $0x13C00, v2  }
0x41: {  	s31 =	sand.u32 $0x400, s16;
	s17 =	sadd.s32 $0x10, s15;
	s15 =	sor.u32 $0x800, s14;
	v2 =	vand.u32 $0x380, v1;
	v0 =	vor.u32 v7, v0;
	v5 =	vand.u32 $0xFFFFFC00, v5  }
0x42: {  	s14 =	sor.u32 $0x800, s31;
	s16 =	smov.u32 s15;
	v1 =	vld.msk [tilespmem:s17+$0x0 ss:$0x1], $0xffff;
	v3 =	vand.u32 $0x7F, v3;
	(ifvalue) =	ssetifvalue $0x7FFFFFFF;
	v6 =	vshrl.u32 v4, $0xE;
	v5 =	vadd.s32 v8, v5  }
.LBB2_3:
0x43: {  	s18 =	sadd.s32 $0x10, s18  }
0x44: {  	vm1 =	veq.s32 v4, $0x80000000;
	v4 =	vand.u32 $0x3FFF, v4;
	v6 =	vand.u32 $0x3FFF, v6;
	s15 =	sadd.s32 $0x10, s15;
	p1 =	slt.u32 s18, $0x3F0  }
.Ltmp3:
0x45: {  	v5 =	vor.u32 v2, v5;
	v4 =	vsel vm1, $0xFFFFFFFF, v4;
	v7 =	vsel vm1, $0xFFFFFFFF, v6;
	(pc) =	sbr.rel @p1 .LBB2_3-.Ltmp3, $4  }
0x46: {  	v2 =	vshrl.u32 v4, $0x3;
	v6 =	vshll.u32 v7, $0x3;
	v4 =	vshll.u32 v4, $0x7;
	[tilespmem:s16], [sflag:$0x1] =	stream.indirect_vreg.gather [hbm4b:s2+s10], $0x1, v0, vm0, $0x4038;
	[tilespmem:$0x1000] =	vst v63  }
0x47: {  	v0 =	vor.u32 v3, v5;
	s16 =	smov.u32 s15;
	v8 =	vmul.u32 $0x13C00, v2;
	v2 =	vand.u32 $0x380, v4  }
0x48: {  	s17 =	sadd.s32 $0x10, s17;
	v9 =	vand.u32 $0xFFFFFC00, v6  }
0x49: {  	v3 =	vand.u32 $0x7F, v7;
	v6 =	vshrl.u32 v1, $0xE;
	v5 =	vadd.s32 v8, v9;
	(ifvalue) =	ssetifvalue $0x7FFFFFFF;
	v4 =	vmovc v1;
	v1 =	vld.msk [tilespmem:s17+$0x0 ss:$0x1], $0xffff  }
.Ltmp4:
0x4a: {  	_ = 	snop;
	(pc) =	sbr.rel .LBB2_4-.Ltmp4, $1  }
0x4b: {  	_ =	sdelay $0x3  }
.LBB2_6:
0x4c: {  	_ =	sfence.sel $0x180000  }
0x4d: {  	s2 =	simm.s32 $0x2;
	[bflag:$0x0] =	sbarrier.arrive $0xFFFF  }
0x4e: {  	s30 =	simm.s32 $0x3;
	[sflag:s2] =	ssyncpa.u1 $0x1  }
0x4f: {  	s31 =	simm.s32 $0x1;
	[sflag:s30] =	ssyncpa.u1 $0x1  }
0x50: {  	[sflag:s31] =	ssyncpa.u1 $0x1  }
0x51: {  	p0 =	sne.s32 s0, $0x0;
	_ =	strace $0x90000047  }
0x52: {  	s0 =	sadd.s32 @!p0 $0x100000, s1;
	[bflag:$0x2] =	sbarrier.arrive $0xFFFF  }
0x53: {  	[sflag:s0] =	ssyncadd.tile.s32 @!p0 $0x1;
	_ =	shalt  }
.Lfunc_end2:
_tile_overlayer_lowered:
.L_overlay_start_2:
0x54: {  	(tag) =	ssettag $0x2  }
0x55: {  	s0 =	rddreg [dreg:$0x0];
	s2 =	stileid.u32  }
0x56: {  	s1 =	rddreg [dreg:$0x1];
	p0 =	sne.s32 s2, $0x0  }
0x57: {  	s3 =	rddreg [dreg:$0x2];
	[bflag:$0x3] =	sbarrier.arrive $0xFFFF;
	s2 =	simm.s32 @!p0 $0x1C01  }
0x58: {  	[timem:s3], [sflag:s2] =	dma.local @!p0 [hbm:s0], s1  }
0x59: {  	s0 =	simm.s32 @!p0 $0x1  }
0x5a: {  	_ =	swait.ge @!p0 [sflag:s0], s1  }
0x5b: {  	s1 =	ssub.s32 @!p0 $0x0, s1;
	[sflag:s0] =	ssyncset.done @!p0 $0x0  }
0x5c: {  	[sflag:s0] =	ssyncadd.s32 @!p0 s1  }
0x5d: {  	[bflag:$0x3] =	sbarrier.arrive $0xFFFF  }
0x5e: {  	_ =	shalt  }

// kernel: kernel.3.cloned.1.call-start
scs
__scs_entry_jumppad:
0x0: {  	(pc) =	sbr.rel $0x88, $3  }
0x1: {  	(tag) =	ssettag $0x0;
	lr =	simm.s32 $0x1  }
0x2: {  	[smem:$0x3F9C] =	sst lr;
	_ =	strace $0xD0000000  }
0x3: {  	_ = 	snop  }
0x4: {  	_ = 	snop  }
0x5: {  	_ = 	snop  }
0x6: {  	_ = 	snop  }
0x7: {  	_ = 	snop  }
__scs_overlays_trampoline_lowered:
0x8: {  	[smem:$0x3FAB] =	sst s0  }
0x9: {  	[smem:$0x3FAC] =	sst s1  }
0xa: {  	[smem:$0x3FAD] =	sst s2  }
0xb: {  	[smem:$0x3FAE] =	sst s3  }
0xc: {  	[smem:$0x3FAF] =	sst s4  }
0xd: {  	[smem:$0x3FB0] =	sst s5  }
0xe: {  	[smem:$0x3FB1] =	sst s6  }
0xf: {  	[smem:$0x3FB2] =	sst s7  }
0x10: {  	[smem:$0x3FB3] =	sst s8  }
0x11: {  	[smem:$0x3FB4] =	sst s9;
	s0 =	simm.s32 @!p0 $0x0  }
0x12: {  	s1 =	sld [smem:$0x3F9A];
	s0 =	simm.s32 @p0 $0x1  }
0x13: {  	[smem:$0x3FB5] =	sst s0;
	s0 =	simm.s32 @!p1 $0x0  }
0x14: {  	s2 =	sld [smem:$0x3F99];
	s0 =	simm.s32 @p1 $0x1  }
0x15: {  	[smem:$0x3FB6] =	sst s0;
	s0 =	simm.s32 @!p2 $0x0  }
0x16: {  	s3 =	sld [smem:$0x3FDB];
	s0 =	simm.s32 @p2 $0x1  }
0x17: {  	s4 =	simm.s32 $0x1BF5;
	[smem:$0x3FB8] =	sst s0  }
0x18: {  	s0 =	sld [smem:$0x3F9B];
	_ =	swait.ge [sflag:s4], $0x0  }
0x19: {  	s7 =	sld [smem:$0x3F9C]  }
0x1a: {  	s8 =	sadd.s32 $0xFFFFE003, lr  }
0x1b: {  	s9 =	sadd.s32 $0xFFFFFEF7, lr;
	s5 =	simm.s32 $0xFFFFFFFF;
	p2 =	slt.u32 s8, $0xFFFFF086  }
0x1c: {  	p1 =	slt.u32 s9, $0xF7A;
	s5 =	simm.s32 @!p2 $0x0  }
0x1d: {  	s5 =	simm.s32 @p1 $0x1;
	p0 =	seq.s32 s7, s2  }
0x1e: {  	s7 =	smul.u32 @!p0 $0xF7A, s2;
	p2 =	seq.s32 @!p0 s5, $0x0  }
0x1f: {  	s9 =	smul.u32 $0xF7A, s1;
	s8 =	simm.s32 @!p0 $0x1BF5;
	p2 =	por !p2, p0  }
0x20: {  	[sflag:s8] =	ssyncset.s32 @!p0 $0xFFFFF086;
	s6 =	sadd.s32 @!p0 s3, s7;
	s7 =	simm.s32 @!p0 $0x108  }
0x21: {  	s3 =	sadd.s32 s3, s9;
	s6 =	sadd.s32 @!p0 $0x88, s6;
	s7 =	simm.s32 @p2 $0x1082  }
0x22: {  	[simem:s7], [sflag:s8] =	dma.local @!p0 [hbm:s6], $0xF7A  }
0x23: {  	s9 =	sor.u32 $0xD0000000, s2;
	s6 =	simm.s32 $0x108;
	_ =	swait.ge @!p0 [sflag:s8], $0x0  }
0x24: {  	s3 =	sadd.s32 $0x88, s3;
	s6 =	simm.s32 @!p1 $0x1082;
	[sflag:s4] =	ssyncset.s32 $0xFFFFF086  }
0x25: {  	[simem:s6], [sflag:s4] =	dma.local [hbm:s3], $0xF7A  }
0x26: {  	[smem:$0x3F9C] =	sst s1;
	(tag) =	ssettag s2;
	_ =	strace s9  }
0x27: {  	s1 =	sld [smem:$0x3FAC]  }
0x28: {  	s2 =	sld [smem:$0x3FAD]  }
0x29: {  	s4 =	sld [smem:$0x3FAF]  }
0x2a: {  	p0 =	seq.s32 s5, $0x0;
	s5 =	sld [smem:$0x3FB0]  }
0x2b: {  	s6 =	sld [smem:$0x3FB1]  }
0x2c: {  	s7 =	sld [smem:$0x3FB2]  }
0x2d: {  	s3 =	simm.s32 $0x108;
	s8 =	sld [smem:$0x3FB3]  }
0x2e: {  	s3 =	simm.s32 @!p0 $0x1082;
	s9 =	sld [smem:$0x3FB4]  }
0x2f: {  	lr =	sadd.s32 s0, s3;
	s0 =	sld [smem:$0x3FAB]  }
0x30: {  	s3 =	sld [smem:$0x3FAE]  }
0x31: {  	[smem:$0x3FB7] =	sst s10  }
0x32: {  	s10 =	sld [smem:$0x3FB5];
	_ =	sdelay $0x3  }
0x33: {  	p0 =	seq.s32 s10, $0x1;
	s10 =	sld [smem:$0x3FB7];
	_ =	sdelay $0x3  }
0x34: {  	[smem:$0x3FB7] =	sst s10  }
0x35: {  	s10 =	sld [smem:$0x3FB6];
	_ =	sdelay $0x3  }
0x36: {  	p1 =	seq.s32 s10, $0x1;
	s10 =	sld [smem:$0x3FB7];
	_ =	sdelay $0x3  }
0x37: {  	[smem:$0x3FB7] =	sst s10  }
0x38: {  	s10 =	sld [smem:$0x3FB8]  }
0x39: {  	_ = 	snop;
	(pc) =	sbr.ind lr, $3  }
0x3a: {  	_ = 	snop  }
0x3b: {  	_ = 	snop  }
0x3c: {  	p2 =	seq.s32 s10, $0x1;
	s10 =	sld [smem:$0x3FB7]  }
0x3d: {  	_ =	shalt  }
0x3e: {  	_ =	shalt  }
0x3f: {  	_ =	shalt  }
0x40: {  	_ =	shalt  }
0x41: {  	_ =	shalt  }
0x42: {  	_ =	shalt  }
0x43: {  	_ =	shalt  }
0x44: {  	_ =	shalt  }
0x45: {  	_ =	shalt  }
0x46: {  	_ =	shalt  }
0x47: {  	_ =	shalt  }
0x48: {  	_ =	shalt  }
0x49: {  	_ =	shalt  }
0x4a: {  	_ =	shalt  }
0x4b: {  	_ =	shalt  }
0x4c: {  	_ =	shalt  }
0x4d: {  	_ =	shalt  }
0x4e: {  	_ =	shalt  }
0x4f: {  	_ =	shalt  }
0x50: {  	_ =	shalt  }
0x51: {  	_ =	shalt  }
0x52: {  	_ =	shalt  }
0x53: {  	_ =	shalt  }
0x54: {  	_ =	shalt  }
0x55: {  	_ =	shalt  }
0x56: {  	_ =	shalt  }
0x57: {  	_ =	shalt  }
0x58: {  	_ =	shalt  }
0x59: {  	_ =	shalt  }
0x5a: {  	_ =	shalt  }
0x5b: {  	_ =	shalt  }
0x5c: {  	_ =	shalt  }
0x5d: {  	_ =	shalt  }
0x5e: {  	_ =	shalt  }
0x5f: {  	_ =	shalt  }
0x60: {  	_ =	shalt  }
0x61: {  	_ =	shalt  }
0x62: {  	_ =	shalt  }
0x63: {  	_ =	shalt  }
0x64: {  	_ =	shalt  }
0x65: {  	_ =	shalt  }
0x66: {  	_ =	shalt  }
0x67: {  	_ =	shalt  }
0x68: {  	_ =	shalt  }
0x69: {  	_ =	shalt  }
0x6a: {  	_ =	shalt  }
0x6b: {  	_ =	shalt  }
0x6c: {  	_ =	shalt  }
0x6d: {  	_ =	shalt  }
0x6e: {  	_ =	shalt  }
0x6f: {  	_ =	shalt  }
0x70: {  	_ =	shalt  }
0x71: {  	_ =	shalt  }
0x72: {  	_ =	shalt  }
0x73: {  	_ =	shalt  }
0x74: {  	_ =	shalt  }
0x75: {  	_ =	shalt  }
0x76: {  	_ =	shalt  }
0x77: {  	_ =	shalt  }
0x78: {  	_ =	shalt  }
0x79: {  	_ =	shalt  }
0x7a: {  	_ =	shalt  }
0x7b: {  	_ =	shalt  }
0x7c: {  	_ =	shalt  }
0x7d: {  	_ =	shalt  }
0x7e: {  	_ =	shalt  }
0x7f: {  	_ =	shalt  }
0x80: {  	_ =	shalt  }
0x81: {  	_ =	shalt  }
0x82: {  	_ =	shalt  }
0x83: {  	_ =	shalt  }
0x84: {  	_ =	shalt  }
0x85: {  	_ =	shalt  }
0x86: {  	_ =	shalt  }
0x87: {  	_ =	shalt  }
.Lfunc_end0:
.L_simem_size_0:
called_computation.2_lowered:
.L_overlay_start_0:
0x88: {  	s2 =	sld [smem:$0x3FD9]  }
0x89: {  	s3 =	sld [smem:$0x3FFE];
	_ =	sdelay $0x1  }
0x8a: {  	s1 =	srdreg.scid  }
0x8b: {  	s0 =	sand.u32 $0x1, s1  }
0x8c: {  	s17 =	sshll.u32 s0, $0xA;
	s2 =	sadd.s32 s3, s2  }
0x8d: {  	s2 =	sadd.s32 s2, s17  }
0x8e: {  	[smem:$0x3FC3] =	sst s2  }
0x8f: {  	_ = 	snop  }
0x90: {  	s2 =	sld [smem:$0x3FC5]  }
0x91: {  	s18 =	sld [smem:$0x3FD0];
	(tm) =	ssettm $0x1  }
0x92: {  	s4 =	sld [smem:$0x3FFB];
	_ =	sdelay $0x3  }
0x93: {  	_ =	strace s4  }
0x94: {  	s4 =	sld [smem:$0x3FFC];
	_ =	sdelay $0x3  }
0x95: {  	_ =	strace s4  }
0x96: {  	s4 =	sld [smem:$0x3FFD];
	_ =	sdelay $0x3  }
0x97: {  	_ =	strace s4  }
0x98: {  	_ =	strace $0x8FFFFFFF  }
0x99: {  	s19 =	sld [smem:$0x3FDB];
	_ =	sdelay $0x1  }
0x9a: {  	s5 =	simm.s32 $_scs_section_size  }
0x9b: {  	s6 =	simm.s32 $_size__tile_overlayer_lowered;
	s7 =	simm.s32 $_tile_overlayer_lowered  }
0x9c: {  	s22 =	simm.s32 $0x1BFF;
	s21 =	sshll.u32 s7, $0x1;
	s4 =	sadd.s32 s5, s19  }
0x9d: {  	s8 =	simm.s32 $0x0;
	s20 =	sshll.u32 s6, $0x1;
	s6 =	sadd.s32 s21, s4  }
0x9e: {  	[timem:s8], [sflag:s22] =	dma.local [hbm:s6], s20  }
0x9f: {  	_ =	swait.ge [sflag:s22], s20  }
0xa0: {  	s5 =	ssub.s32 $0x0, s20;
	[sflag:s22] =	ssyncset.done $0x0  }
0xa1: {  	[sflag:s22] =	ssyncadd.s32 s5;
	_ =	sdelay $0x1  }
0xa2: {  	s23 =	simm.s32 $0x1B8B  }
0xa3: {  	_ =	swait.ge [sflag:s23], $0x1  }
0xa4: {  	[sflag:s23] =	ssyncset.done $0x0  }
0xa5: {  	s25 =	simm.s32 $0x1B8E;
	s24 =	sld [smem:$0x3FFE];
	[sflag:s23] =	ssyncadd.s32 $0xFFFFFFFF  }
0xa6: {  	s26 =	simm.s32 $execute0_lowered;
	[smem:$0x3FD2] =	sst s25  }
0xa7: {  	s6 =	sshll.u32 s26, $0x1;
	_ =	strace $0x8000004C;
	[dreg:$0x1] =	wrdreg $0xFFFFFFFF  }
0xa8: {  	s28 =	simm.s32 $_size_execute0_lowered;
	s4 =	sadd.s32 s4, s6;
	[dreg:$0x0] =	wrdreg $0x0  }
0xa9: {  	s6 =	sshll.u32 s28, $0x1;
	[dreg:$0x2] =	wrdreg s4  }
0xaa: {  	[dreg:$0x3] =	wrdreg s6  }
0xab: {  	[dreg:$0x4] =	wrdreg $0xC0  }
0xac: {  	_ =	task [dreg:s8], $0x5FFFF  }
0xad: {  	[dreg:$0x1] =	wrdreg $0xFFFFFFFF  }
0xae: {  	[dreg:$0x0] =	wrdreg $0x60  }
0xaf: {  	[dreg:$0x2] =	wrdreg s24  }
0xb0: {  	[dreg:$0x3] =	wrdreg s2  }
0xb1: {  	[dreg:$0x4] =	wrdreg s18  }
0xb2: {  	[dreg:$0x5] =	wrdreg $0x9  }
0xb3: {  	_ =	task.clear_ibuf [dreg:s8], $0x6FFFF;
	_ =	strace $0x9000004C  }
0xb4: {  	s29 =	simm.s32 $0x9;
	_ =	strace $0x8000004E  }
0xb5: {  	_ =	swait.ge [sflag:s29], $0x1  }
0xb6: {  	[sflag:s29] =	ssyncadd.s32 $0xFFFFFFFF  }
0xb7: {  	_ =	strace $0x9000004E  }
0xb8: {  	_ =	sfence  }
0xb9: {  	s30 =	sld [smem:$0x0];
	_ =	sdelay $0x2  }
0xba: {  	s31 =	sshll.u32 s1, $0xD;
	s1 =	sshrl.u32 s1, $0x2  }
0xbb: {  	s3 =	sand.u32 $0x4000, s31;
	s1 =	sadd.s32 s1, s30  }
0xbc: {  	s0 =	sor.u32 s3, s0;
	s1 =	sshll.u32 s1, $0x11  }
0xbd: {  	s0 =	sor.u32 s1, s0  }
0xbe: {  	s0 =	sadd.s32 $0x8F2B, s0  }
0xbf: {  	[sflag:s0] =	ssyncadd.remote.s32 $0x1  }
0xc0: {  	_ =	sfence.sel $0xFFFF  }
0xc1: {  	[dreg:$0x0] =	wrdreg $0xFFFFFFFF;
	(pc) =	sbr.abs _section_cstart, $3  }
0xc2: {  	[dreg:$0x1] =	wrdreg $0xFFFFFFFF  }
0xc3: {  	_ =	task.clear_ibuf [dreg:s8], $0x2FFFF;
	_ =	strace $0x9FFFFFFF  }
0xc4: {  	(tm) =	ssettm $0x7FFFFFFF  }
0xc5: {  	_ =	shalt  }
tec
execute0_lowered:
.L_overlay_start_1:
0x0: {  	(tag) =	ssettag $0x1  }
0x1: {  	s4 =	rddreg [dreg:$0x0]  }
0x2: {  	s1 =	srdreg.scid;
	s2 =	rddreg [dreg:$0x1]  }
0x3: {  	s0 =	stileid.u32;
	s8 =	rddreg [dreg:$0x2];
	s3 =	simm.s32 $0x0  }
0x4: {  	s10 =	simm.s32 $0xC00;
	s11 =	simm.s32 $0x3;
	s12 =	simm.s32 $0x160  }
0x5: {  	s13 =	simm.s32 $0x1200;
	s14 =	simm.s32 $0x1;
	s15 =	simm.s32 $0x2  }
0x6: {  	s16 =	simm.s32 $0x4;
	s17 =	simm.s32 $0xC200;
	s18 =	simm.s32 $0x0  }
0x7: {  	s5 =	sand.u32 $0x1, s1;
	s30 =	sshll.u32 s0, $0x1;
	s1 =	rddreg [dreg:$0x3]  }
0x8: {  	[smem:$0x7FF] =	sst s3;
	s7 =	sor.u32 s5, s30;
	s5 =	ssub.s32 $0x2, s5  }
0x9: {  	s6 =	smul.u32 $0xB0, s7;
	s31 =	sshrl.u32 s5, $0x1;
	s7 =	sshll.u32 s7, $0xB  }
0xa: {  	_ =	strace $0x8000004D;
	s9 =	ssub.s32 s5, s31;
	s7 =	sadd.s32 s8, s7  }
0xb: {  	s6 =	sadd.s32 s6, s4;
	s8 =	smax.u32 s9, $0x1;
	s9 =	simm.s32 $0x600  }
0xc: {  	s4 =	sadd.s32 $0xE00, s6;
	s5 =	sadd.s32 $0x2400, s6;
	s6 =	sadd.s32 $0x3A00, s6  }
.LBB2_1:
0xd: {  	[tilespmem:s3], [sflag:$0x3] =	stream.linear.gather [hbm4b:s4+s3], $0x580, $0x38;
	[tilespmem:$0x1B200] =	vst v63  }
0xe: {  	_ = 	snop  }
0xf: {  	[tilespmem:s9], [sflag:$0x3] =	stream.linear.gather [hbm4b:s5+s3], $0x580, $0x38;
	[tilespmem:$0x1B200] =	vst v63  }
0x10: {  	_ = 	snop  }
0x11: {  	[tilespmem:s10], [sflag:$0x3] =	stream.linear.gather [hbm4b:s6+s3], $0x580, $0x38;
	[tilespmem:$0x1B200] =	vst v63  }
0x12: {  	_ =	swait.ge [sflag:s11], $0x580  }
0x13: {  	[sflag:s11] =	ssyncset.done $0x0  }
0x14: {  	[sflag:s11] =	ssyncadd.s32 $0xFFFFFA80  }
0x15: {  	[tilespmem:s13], [sflag:$0x1] =	stream.indirect.gather [hbm4b:s2+s12], $0x80, s3, s12, $0xb8;
	[tilespmem:$0x1B200] =	vst v63  }
0x16: {  	_ =	swait.ge [sflag:s11], $0x580  }
0x17: {  	[sflag:s11] =	ssyncset.done $0x0  }
0x18: {  	[sflag:s11] =	ssyncadd.s32 $0xFFFFFA80  }
0x19: {  	p0 =	por $0x0, $0x0;
	_ =	swait.ge [sflag:s11], $0x580  }
0x1a: {  	s19 =	simm.s32 $0xC0B;
	s20 =	simm.s32 $0x60B;
	[sflag:s11] =	ssyncset.done $0x0  }
0x1b: {  	s21 =	simm.s32 $0x17280;
	s23 =	simm.s32 $0x0;
	[sflag:s11] =	ssyncadd.s32 $0xFFFFFA80  }
.LBB2_2:
0x1c: {  	p1 =	seq.s32 s23, $0x3  }
.Ltmp0:
0x1d: {  	_ = 	snop;
	(pc) =	sbr.rel @p1 .LBB2_6-.Ltmp0, $2  }
0x1e: {  	_ =	sdelay $0x2  }
0x1f: {  	s22 =	sadd.s32 $0x1, s23  }
0x20: {  	s24 =	sand.u32 $0x1, s23  }
0x21: {  	p1 =	seq.s32 s24, $0x1  }
.Ltmp1:
0x22: {  	_ = 	snop;
	(pc) =	sbr.rel @!p1 .LBB2_4-.Ltmp1, $3  }
0x23: {  	_ = 	snop  }
0x24: {  	s25 =	smul.u32 $0x580, s22;
	_ =	sdelay $0x1  }
0x25: {  	s25 =	sshra.s32 s25, $0x2  }
.Ltmp2:
0x26: {  	(pc) =	sbr.rel .LBB2_6-.Ltmp2, $2  }
0x27: {  	_ =	sdelay $0x2  }
0x28: {  	[tilespmem:s13], [sflag:$0x1] =	stream.indirect.gather [hbm4b:s2+s12], $0x80, s25, s12, $0xb8;
	[tilespmem:$0x1B200] =	vst v63  }
.LBB2_4:
0x29: {  	p1 =	seq.s32 s24, $0x0  }
.Ltmp3:
0x2a: {  	_ = 	snop;
	(pc) =	sbr.rel @p1 .LBB2_7-.Ltmp3, $4  }
0x2b: {  	[tilespmem:s17], [sflag:$0x2] =	stream.indirect.gather [hbm4b:s2+s12], $0x80, s25, s12, $0xb8;
	[tilespmem:$0x1B200] =	vst v63  }
0x2c: {  	_ =	swait.ge [sflag:s14], $0xB000  }
0x2d: {  	[sflag:s14] =	ssyncset.done $0x0  }
0x2e: {  	[sflag:s14] =	ssyncadd.s32 $0xFFFF5000  }
.LBB2_6:
0x2f: {  	_ =	swait.ge [sflag:s15], $0xB000  }
0x30: {  	[sflag:s15] =	ssyncset.done $0x0  }
0x31: {  	[sflag:s15] =	ssyncadd.s32 $0xFFFF5000  }
.LBB2_7:
0x32: {  	s24 =	simm.s32 $0x1  }
0x33: {  	s24 =	simm.s32 @!p0 $0x0  }
0x34: {  	s24 =	smul.u32 $0x2C000, s24;
	_ =	sdelay $0x1  }
0x35: {  	s25 =	simm.s32 $0xFFFFFFFE;
	s26 =	smov.u32 s21;
	s24 =	sshrl.u32 s24, $0x2  }
0x36: {  	s28 =	smov.u32 s20;
	s29 =	smov.u32 s19;
	s24 =	sadd.s32 $0x1780, s24  }
.LBB2_8:
0x37: {  	v0 =	vld [tilespmem:s28+$0xFFFFFFF5]  }
0x38: {  	v1 =	vld [tilespmem:s29+$0xFFFFFFF5];
	_ =	sdelay $0x4  }
0x39: {  	v10 =	vadd.f32 v1, v0;
	_ =	sdelay $0x1  }
0x3a: {  	(v2sf) =	vpush v10, $0x0  }
0x3b: {  	(v2sf) =	vpush v10, $0x1;
	_ =	sdelay $0x1  }
0x3c: {  	(v2sf) =	vpush v10, $0x2;
	_ =	sdelay $0x1  }
0x3d: {  	(v2sf) =	vpush v10, $0x3;
	_ =	sdelay $0x1  }
0x3e: {  	(v2sf) =	vpush v10, $0x4;
	_ =	sdelay $0x1  }
0x3f: {  	(v2sf) =	vpush v10, $0x5;
	_ =	sdelay $0x1  }
0x40: {  	(v2sf) =	vpush v10, $0x6;
	_ =	sdelay $0x1  }
0x41: {  	(v2sf) =	vpush v10, $0x7;
	_ =	sdelay $0x1  }
0x42: {  	s30 =	spop (v2sf);
	(v2sf) =	vpush v10, $0x8  }
0x43: {  	s31 =	spop (v2sf)  }
0x44: {  	(v2sf) =	vpush v10, $0x9;
	s30 =	sadd.f32 s31, s30  }
0x45: {  	v2 =	vld [tilespmem:s24+$0xFFFFFA80];
	s31 =	spop (v2sf)  }
0x46: {  	v3 =	vld [tilespmem:s24+$0xFFFFFB00];
	(v2sf) =	vpush v10, $0xA;
	s30 =	sadd.f32 s30, s31  }
0x47: {  	s31 =	spop (v2sf)  }
0x48: {  	v4 =	vld [tilespmem:s24+$0xFFFFFB80];
	v0 =	vbroadcast v10, $0x0;
	s30 =	sadd.f32 s30, s31  }
0x49: {  	v1 =	vbroadcast v10, $0x1;
	s31 =	spop (v2sf)  }
0x4a: {  	v6 =	vld [tilespmem:s24+$0xFFFFFC00];
	v5 =	vmul.f32 v0, v2;
	s30 =	sadd.f32 s30, s31  }
0x4b: {  	v3 =	vmul.f32 v3, v1;
	v2 =	vbroadcast v10, $0x2;
	s31 =	spop (v2sf)  }
0x4c: {  	v7 =	vld [tilespmem:s24+$0xFFFFFC80];
	s30 =	sadd.f32 s30, s31  }
0x4d: {  	v5 =	vadd.f32 v3, v5;
	v4 =	vmul.f32 v4, v2;
	v3 =	vbroadcast v10, $0x3;
	s31 =	spop (v2sf)  }
0x4e: {  	v8 =	vld [tilespmem:s24+$0xFFFFFD00];
	s30 =	sadd.f32 s30, s31  }
0x4f: {  	v5 =	vadd.f32 v4, v5;
	v6 =	vmul.f32 v6, v3;
	v4 =	vbroadcast v10, $0x4;
	s31 =	spop (v2sf)  }
0x50: {  	v9 =	vld [tilespmem:s24+$0xFFFFFD80];
	s30 =	sadd.f32 s30, s31  }
0x51: {  	v6 =	vadd.f32 v6, v5;
	v7 =	vmul.f32 v7, v4;
	v5 =	vbroadcast v10, $0x5;
	s31 =	spop (v2sf)  }
0x52: {  	s30 =	sadd.f32 s30, s31  }
0x53: {  	v11 =	vld [tilespmem:s24+$0xFFFFFE00];
	v7 =	vadd.f32 v7, v6;
	v8 =	vmul.f32 v8, v5;
	v6 =	vbroadcast v10, $0x6;
	s31 =	spop (v2sf)  }
0x54: {  	s30 =	sadd.f32 s30, s31  }
0x55: {  	v13 =	vld [tilespmem:s24+$0xFFFFFE80];
	v8 =	vadd.f32 v8, v7;
	v9 =	vmul.f32 v9, v6;
	s31 =	spop (v2sf)  }
0x56: {  	v7 =	vbroadcast v10, $0x7;
	s30 =	sadd.f32 s30, s31  }
0x57: {  	v54 =	vld [tilespmem:s24+$0xFFFFFF00];
	v9 =	vadd.f32 v9, v8  }
0x58: {  	v11 =	vmul.f32 v11, v7;
	v8 =	vbroadcast v10, $0x8;
	v12 =	vmov s30  }
0x59: {  	(erf) = vrcp.f32 v12  }
0x5a: {  	v14 =	vld [tilespmem:s24+$0xFFFFFF80];
	v11 =	vadd.f32 v11, v9;
	v13 =	vmul.f32 v13, v8;
	v9 =	vbroadcast v10, $0x9;
	_ =	sdelay $0x1  }
0x5b: {  	v11 =	vadd.f32 v13, v11;
	v12 =	vmul.f32 v54, v9  }
0x5c: {  	v10 =	vbroadcast v10, $0xA  }
0x5d: {  	v11 =	vadd.f32 v12, v11  }
0x5e: {  	v55 =	vmul.f32 v14, v10;
	_ =	sdelay $0x1  }
0x5f: {  	v12 =	vadd.f32 v55, v11  }
0x60: {  	v11 =	vpop (erf)  }
0x61: {  	v12 =	vmul.f32 v11, v12;
	_ =	sdelay $0x1  }
0x62: {  	[tilespmem:s26+$0xFFFFFF80] =	vst v12  }
0x63: {  	v12 =	vld [tilespmem:s24+$0xFFFFFA90]  }
0x64: {  	v56 =	vld [tilespmem:s24+$0xFFFFFB10];
	_ =	sdelay $0x1  }
0x65: {  	v57 =	vld [tilespmem:s24+$0xFFFFFB90];
	_ =	sdelay $0x1  }
0x66: {  	v15 =	vld [tilespmem:s24+$0xFFFFFC10]  }
0x67: {  	v12 =	vmul.f32 v12, v0;
	v13 =	vmul.f32 v56, v1  }
0x68: {  	v16 =	vld [tilespmem:s24+$0xFFFFFC90]  }
0x69: {  	v58 =	vmul.f32 v57, v2;
	v12 =	vadd.f32 v13, v12  }
0x6a: {  	v59 =	vld [tilespmem:s24+$0xFFFFFD10]  }
0x6b: {  	v60 =	vmul.f32 v15, v3;
	v12 =	vadd.f32 v58, v12  }
0x6c: {  	v61 =	vld [tilespmem:s24+$0xFFFFFD90]  }
0x6d: {  	v62 =	vmul.f32 v16, v4;
	v12 =	vadd.f32 v60, v12  }
0x6e: {  	v63 =	vld [tilespmem:s24+$0xFFFFFE10]  }
0x6f: {  	v20 =	vmul.f32 v59, v5;
	v12 =	vadd.f32 v62, v12  }
0x70: {  	v21 =	vld [tilespmem:s24+$0xFFFFFE90]  }
0x71: {  	v22 =	vmul.f32 v61, v6;
	v12 =	vadd.f32 v20, v12  }
0x72: {  	v23 =	vld [tilespmem:s24+$0xFFFFFF10]  }
0x73: {  	v24 =	vmul.f32 v63, v7;
	v12 =	vadd.f32 v22, v12  }
0x74: {  	v25 =	vld [tilespmem:s24+$0xFFFFFF90]  }
0x75: {  	v26 =	vmul.f32 v21, v8;
	v12 =	vadd.f32 v24, v12;
	_ =	sdelay $0x1  }
0x76: {  	v27 =	vmul.f32 v23, v9;
	v12 =	vadd.f32 v26, v12;
	_ =	sdelay $0x1  }
0x77: {  	v28 =	vmul.f32 v25, v10;
	v12 =	vadd.f32 v27, v12;
	_ =	sdelay $0x1  }
0x78: {  	v12 =	vadd.f32 v28, v12;
	_ =	sdelay $0x1  }
0x79: {  	v12 =	vmul.f32 v12, v11;
	_ =	sdelay $0x1  }
0x7a: {  	[tilespmem:s26+$0xFFFFFF90] =	vst v12  }
0x7b: {  	v12 =	vld [tilespmem:s24+$0xFFFFFAA0]  }
0x7c: {  	v29 =	vld [tilespmem:s24+$0xFFFFFB20];
	_ =	sdelay $0x1  }
0x7d: {  	v30 =	vld [tilespmem:s24+$0xFFFFFBA0];
	_ =	sdelay $0x1  }
0x7e: {  	v31 =	vld [tilespmem:s24+$0xFFFFFC20]  }
0x7f: {  	v12 =	vmul.f32 v12, v0;
	v13 =	vmul.f32 v29, v1  }
0x80: {  	v32 =	vld [tilespmem:s24+$0xFFFFFCA0]  }
0x81: {  	v33 =	vmul.f32 v30, v2;
	v12 =	vadd.f32 v13, v12  }
0x82: {  	v34 =	vld [tilespmem:s24+$0xFFFFFD20]  }
0x83: {  	v35 =	vmul.f32 v31, v3;
	v12 =	vadd.f32 v33, v12  }
0x84: {  	v36 =	vld [tilespmem:s24+$0xFFFFFDA0]  }
0x85: {  	v37 =	vmul.f32 v32, v4;
	v12 =	vadd.f32 v35, v12  }
0x86: {  	v38 =	vld [tilespmem:s24+$0xFFFFFE20]  }
0x87: {  	v39 =	vmul.f32 v34, v5;
	v12 =	vadd.f32 v37, v12  }
0x88: {  	v40 =	vld [tilespmem:s24+$0xFFFFFEA0]  }
0x89: {  	v41 =	vmul.f32 v36, v6;
	v12 =	vadd.f32 v39, v12  }
0x8a: {  	v42 =	vld [tilespmem:s24+$0xFFFFFF20]  }
0x8b: {  	v43 =	vmul.f32 v38, v7;
	v12 =	vadd.f32 v41, v12  }
0x8c: {  	v44 =	vld [tilespmem:s24+$0xFFFFFFA0]  }
0x8d: {  	v45 =	vmul.f32 v40, v8;
	v12 =	vadd.f32 v43, v12;
	_ =	sdelay $0x1  }
0x8e: {  	v46 =	vmul.f32 v42, v9;
	v12 =	vadd.f32 v45, v12;
	_ =	sdelay $0x1  }
0x8f: {  	v47 =	vmul.f32 v44, v10;
	v12 =	vadd.f32 v46, v12;
	_ =	sdelay $0x1  }
0x90: {  	v12 =	vadd.f32 v47, v12;
	_ =	sdelay $0x1  }
0x91: {  	v12 =	vmul.f32 v12, v11;
	_ =	sdelay $0x1  }
0x92: {  	[tilespmem:s26+$0xFFFFFFA0] =	vst v12  }
0x93: {  	v12 =	vld [tilespmem:s24+$0xFFFFFAB0]  }
0x94: {  	v48 =	vld [tilespmem:s24+$0xFFFFFB30];
	_ =	sdelay $0x1  }
0x95: {  	v49 =	vld [tilespmem:s24+$0xFFFFFBB0];
	_ =	sdelay $0x1  }
0x96: {  	v50 =	vld [tilespmem:s24+$0xFFFFFC30]  }
0x97: {  	v12 =	vmul.f32 v12, v0;
	v13 =	vmul.f32 v48, v1  }
0x98: {  	v51 =	vld [tilespmem:s24+$0xFFFFFCB0]  }
0x99: {  	v52 =	vmul.f32 v49, v2;
	v12 =	vadd.f32 v13, v12  }
0x9a: {  	v53 =	vld [tilespmem:s24+$0xFFFFFD30]  }
0x9b: {  	v54 =	vmul.f32 v50, v3;
	v12 =	vadd.f32 v52, v12  }
0x9c: {  	v55 =	vld [tilespmem:s24+$0xFFFFFDB0]  }
0x9d: {  	v56 =	vmul.f32 v51, v4;
	v12 =	vadd.f32 v54, v12  }
0x9e: {  	v57 =	vld [tilespmem:s24+$0xFFFFFE30]  }
0x9f: {  	v58 =	vmul.f32 v53, v5;
	v12 =	vadd.f32 v56, v12  }
0xa0: {  	v59 =	vld [tilespmem:s24+$0xFFFFFEB0]  }
0xa1: {  	v60 =	vmul.f32 v55, v6;
	v12 =	vadd.f32 v58, v12  }
0xa2: {  	v61 =	vld [tilespmem:s24+$0xFFFFFF30]  }
0xa3: {  	v62 =	vmul.f32 v57, v7;
	v12 =	vadd.f32 v60, v12  }
0xa4: {  	v63 =	vld [tilespmem:s24+$0xFFFFFFB0]  }
0xa5: {  	v17 =	vmul.f32 v59, v8;
	v12 =	vadd.f32 v62, v12;
	_ =	sdelay $0x1  }
0xa6: {  	v18 =	vmul.f32 v61, v9;
	v12 =	vadd.f32 v17, v12;
	_ =	sdelay $0x1  }
0xa7: {  	v19 =	vmul.f32 v63, v10;
	v12 =	vadd.f32 v18, v12;
	_ =	sdelay $0x1  }
0xa8: {  	v12 =	vadd.f32 v19, v12;
	_ =	sdelay $0x1  }
0xa9: {  	v12 =	vmul.f32 v12, v11;
	_ =	sdelay $0x1  }
0xaa: {  	[tilespmem:s26+$0xFFFFFFB0] =	vst v12  }
0xab: {  	v12 =	vld [tilespmem:s24+$0xFFFFFAC0]  }
0xac: {  	v20 =	vld [tilespmem:s24+$0xFFFFFB40];
	_ =	sdelay $0x1  }
0xad: {  	v21 =	vld [tilespmem:s24+$0xFFFFFBC0];
	_ =	sdelay $0x1  }
0xae: {  	v22 =	vld [tilespmem:s24+$0xFFFFFC40]  }
0xaf: {  	v12 =	vmul.f32 v12, v0;
	v13 =	vmul.f32 v20, v1  }
0xb0: {  	v23 =	vld [tilespmem:s24+$0xFFFFFCC0]  }
0xb1: {  	v24 =	vmul.f32 v21, v2;
	v12 =	vadd.f32 v13, v12  }
0xb2: {  	v25 =	vld [tilespmem:s24+$0xFFFFFD40]  }
0xb3: {  	v26 =	vmul.f32 v22, v3;
	v12 =	vadd.f32 v24, v12  }
0xb4: {  	v27 =	vld [tilespmem:s24+$0xFFFFFDC0]  }
0xb5: {  	v28 =	vmul.f32 v23, v4;
	v12 =	vadd.f32 v26, v12  }
0xb6: {  	v29 =	vld [tilespmem:s24+$0xFFFFFE40]  }
0xb7: {  	v30 =	vmul.f32 v25, v5;
	v12 =	vadd.f32 v28, v12  }
0xb8: {  	v31 =	vld [tilespmem:s24+$0xFFFFFEC0]  }
0xb9: {  	v32 =	vmul.f32 v27, v6;
	v12 =	vadd.f32 v30, v12  }
0xba: {  	v33 =	vld [tilespmem:s24+$0xFFFFFF40]  }
0xbb: {  	v34 =	vmul.f32 v29, v7;
	v12 =	vadd.f32 v32, v12  }
0xbc: {  	v35 =	vld [tilespmem:s24+$0xFFFFFFC0]  }
0xbd: {  	v36 =	vmul.f32 v31, v8;
	v12 =	vadd.f32 v34, v12;
	_ =	sdelay $0x1  }
0xbe: {  	v37 =	vmul.f32 v33, v9;
	v12 =	vadd.f32 v36, v12;
	_ =	sdelay $0x1  }
0xbf: {  	v38 =	vmul.f32 v35, v10;
	v12 =	vadd.f32 v37, v12;
	_ =	sdelay $0x1  }
0xc0: {  	v12 =	vadd.f32 v38, v12;
	_ =	sdelay $0x1  }
0xc1: {  	v12 =	vmul.f32 v12, v11;
	_ =	sdelay $0x1  }
0xc2: {  	[tilespmem:s26+$0xFFFFFFC0] =	vst v12  }
0xc3: {  	v12 =	vld [tilespmem:s24+$0xFFFFFAD0]  }
0xc4: {  	v39 =	vld [tilespmem:s24+$0xFFFFFB50];
	_ =	sdelay $0x1  }
0xc5: {  	v40 =	vld [tilespmem:s24+$0xFFFFFBD0];
	_ =	sdelay $0x1  }
0xc6: {  	v41 =	vld [tilespmem:s24+$0xFFFFFC50]  }
0xc7: {  	v12 =	vmul.f32 v12, v0;
	v13 =	vmul.f32 v39, v1  }
0xc8: {  	v42 =	vld [tilespmem:s24+$0xFFFFFCD0]  }
0xc9: {  	v43 =	vmul.f32 v40, v2;
	v12 =	vadd.f32 v13, v12  }
0xca: {  	v44 =	vld [tilespmem:s24+$0xFFFFFD50]  }
0xcb: {  	v45 =	vmul.f32 v41, v3;
	v12 =	vadd.f32 v43, v12  }
0xcc: {  	v46 =	vld [tilespmem:s24+$0xFFFFFDD0]  }
0xcd: {  	v47 =	vmul.f32 v42, v4;
	v12 =	vadd.f32 v45, v12  }
0xce: {  	v48 =	vld [tilespmem:s24+$0xFFFFFE50]  }
0xcf: {  	v49 =	vmul.f32 v44, v5;
	v12 =	vadd.f32 v47, v12  }
0xd0: {  	v50 =	vld [tilespmem:s24+$0xFFFFFED0]  }
0xd1: {  	v51 =	vmul.f32 v46, v6;
	v12 =	vadd.f32 v49, v12  }
0xd2: {  	v52 =	vld [tilespmem:s24+$0xFFFFFF50]  }
0xd3: {  	v53 =	vmul.f32 v48, v7;
	v12 =	vadd.f32 v51, v12  }
0xd4: {  	v54 =	vld [tilespmem:s24+$0xFFFFFFD0]  }
0xd5: {  	v55 =	vmul.f32 v50, v8;
	v12 =	vadd.f32 v53, v12;
	_ =	sdelay $0x1  }
0xd6: {  	v56 =	vmul.f32 v52, v9;
	v12 =	vadd.f32 v55, v12;
	_ =	sdelay $0x1  }
0xd7: {  	v57 =	vmul.f32 v54, v10;
	v12 =	vadd.f32 v56, v12;
	_ =	sdelay $0x1  }
0xd8: {  	v12 =	vadd.f32 v57, v12;
	_ =	sdelay $0x1  }
0xd9: {  	v12 =	vmul.f32 v12, v11;
	_ =	sdelay $0x1  }
0xda: {  	[tilespmem:s26+$0xFFFFFFD0] =	vst v12  }
0xdb: {  	v12 =	vld [tilespmem:s24+$0xFFFFFAE0]  }
0xdc: {  	v58 =	vld [tilespmem:s24+$0xFFFFFB60];
	_ =	sdelay $0x1  }
0xdd: {  	v59 =	vld [tilespmem:s24+$0xFFFFFBE0];
	_ =	sdelay $0x1  }
0xde: {  	v60 =	vld [tilespmem:s24+$0xFFFFFC60]  }
0xdf: {  	v12 =	vmul.f32 v12, v0;
	v13 =	vmul.f32 v58, v1  }
0xe0: {  	v61 =	vld [tilespmem:s24+$0xFFFFFCE0]  }
0xe1: {  	v62 =	vmul.f32 v59, v2;
	v12 =	vadd.f32 v13, v12  }
0xe2: {  	v63 =	vld [tilespmem:s24+$0xFFFFFD60]  }
0xe3: {  	v20 =	vmul.f32 v60, v3;
	v12 =	vadd.f32 v62, v12  }
0xe4: {  	v21 =	vld [tilespmem:s24+$0xFFFFFDE0]  }
0xe5: {  	v22 =	vmul.f32 v61, v4;
	v12 =	vadd.f32 v20, v12  }
0xe6: {  	v23 =	vld [tilespmem:s24+$0xFFFFFE60]  }
0xe7: {  	v24 =	vmul.f32 v63, v5;
	v12 =	vadd.f32 v22, v12  }
0xe8: {  	v25 =	vld [tilespmem:s24+$0xFFFFFEE0]  }
0xe9: {  	v26 =	vmul.f32 v21, v6;
	v12 =	vadd.f32 v24, v12  }
0xea: {  	v27 =	vld [tilespmem:s24+$0xFFFFFF60]  }
0xeb: {  	v28 =	vmul.f32 v23, v7;
	v12 =	vadd.f32 v26, v12  }
0xec: {  	v29 =	vld [tilespmem:s24+$0xFFFFFFE0]  }
0xed: {  	v30 =	vmul.f32 v25, v8;
	v12 =	vadd.f32 v28, v12;
	_ =	sdelay $0x1  }
0xee: {  	v31 =	vmul.f32 v27, v9;
	v12 =	vadd.f32 v30, v12;
	_ =	sdelay $0x1  }
0xef: {  	v32 =	vmul.f32 v29, v10;
	v12 =	vadd.f32 v31, v12;
	_ =	sdelay $0x1  }
0xf0: {  	v12 =	vadd.f32 v32, v12;
	_ =	sdelay $0x1  }
0xf1: {  	v12 =	vmul.f32 v12, v11;
	_ =	sdelay $0x1  }
0xf2: {  	[tilespmem:s26+$0xFFFFFFE0] =	vst v12  }
0xf3: {  	v12 =	vld [tilespmem:s24+$0xFFFFFAF0]  }
0xf4: {  	v33 =	vld [tilespmem:s24+$0xFFFFFB70];
	_ =	sdelay $0x1  }
0xf5: {  	v34 =	vld [tilespmem:s24+$0xFFFFFBF0];
	_ =	sdelay $0x1  }
0xf6: {  	v35 =	vld [tilespmem:s24+$0xFFFFFC70]  }
0xf7: {  	v0 =	vmul.f32 v12, v0;
	v1 =	vmul.f32 v33, v1  }
0xf8: {  	v36 =	vld [tilespmem:s24+$0xFFFFFCF0]  }
0xf9: {  	v37 =	vmul.f32 v34, v2;
	v0 =	vadd.f32 v1, v0  }
0xfa: {  	v38 =	vld [tilespmem:s24+$0xFFFFFD70]  }
0xfb: {  	v39 =	vmul.f32 v35, v3;
	v0 =	vadd.f32 v37, v0  }
0xfc: {  	v40 =	vld [tilespmem:s24+$0xFFFFFDF0]  }
0xfd: {  	v41 =	vmul.f32 v36, v4;
	v0 =	vadd.f32 v39, v0  }
0xfe: {  	v42 =	vld [tilespmem:s24+$0xFFFFFE70]  }
0xff: {  	v43 =	vmul.f32 v38, v5;
	v0 =	vadd.f32 v41, v0  }
0x100: {  	v44 =	vld [tilespmem:s24+$0xFFFFFEF0]  }
0x101: {  	v45 =	vmul.f32 v40, v6;
	v0 =	vadd.f32 v43, v0  }
0x102: {  	v46 =	vld [tilespmem:s24+$0xFFFFFF70]  }
0x103: {  	v47 =	vmul.f32 v42, v7;
	v0 =	vadd.f32 v45, v0  }
0x104: {  	v48 =	vld [tilespmem:s24+$0xFFFFFFF0]  }
0x105: {  	v49 =	vmul.f32 v44, v8;
	v0 =	vadd.f32 v47, v0;
	_ =	sdelay $0x1  }
0x106: {  	v50 =	vmul.f32 v46, v9;
	v0 =	vadd.f32 v49, v0;
	_ =	sdelay $0x1  }
0x107: {  	v51 =	vmul.f32 v48, v10;
	v0 =	vadd.f32 v50, v0;
	_ =	sdelay $0x1  }
0x108: {  	v0 =	vadd.f32 v51, v0;
	_ =	sdelay $0x1  }
0x109: {  	v0 =	vmul.f32 v0, v11;
	_ =	sdelay $0x1  }
0x10a: {  	[tilespmem:s26+$0xFFFFFFF0] =	vst v0  }
0x10b: {  	v0 =	vld [tilespmem:s28+$0x0]  }
0x10c: {  	v52 =	vld [tilespmem:s29+$0x0];
	_ =	sdelay $0x4  }
0x10d: {  	v53 =	vadd.f32 v52, v0;
	_ =	sdelay $0x1  }
0x10e: {  	(v2sf) =	vpush v53, $0x0  }
0x10f: {  	(v2sf) =	vpush v53, $0x1;
	_ =	sdelay $0x1  }
0x110: {  	(v2sf) =	vpush v53, $0x2;
	_ =	sdelay $0x1  }
0x111: {  	(v2sf) =	vpush v53, $0x3;
	_ =	sdelay $0x1  }
0x112: {  	(v2sf) =	vpush v53, $0x4;
	_ =	sdelay $0x1  }
0x113: {  	(v2sf) =	vpush v53, $0x5;
	_ =	sdelay $0x1  }
0x114: {  	(v2sf) =	vpush v53, $0x6;
	_ =	sdelay $0x1  }
0x115: {  	(v2sf) =	vpush v53, $0x7;
	_ =	sdelay $0x1  }
0x116: {  	s30 =	spop (v2sf);
	(v2sf) =	vpush v53, $0x8  }
0x117: {  	s31 =	spop (v2sf)  }
0x118: {  	(v2sf) =	vpush v53, $0x9;
	s30 =	sadd.f32 s31, s30  }
0x119: {  	v54 =	vld [tilespmem:s24+$0x0];
	s31 =	spop (v2sf)  }
0x11a: {  	v55 =	vld [tilespmem:s24+$0x80];
	(v2sf) =	vpush v53, $0xA;
	s30 =	sadd.f32 s30, s31  }
0x11b: {  	s31 =	spop (v2sf)  }
0x11c: {  	v56 =	vld [tilespmem:s24+$0x100];
	s30 =	sadd.f32 s30, s31  }
0x11d: {  	v0 =	vbroadcast v53, $0x0;
	v1 =	vbroadcast v53, $0x1;
	s31 =	spop (v2sf)  }
0x11e: {  	v58 =	vld [tilespmem:s24+$0x180];
	v2 =	vbroadcast v53, $0x2;
	s30 =	sadd.f32 s30, s31  }
0x11f: {  	v57 =	vmul.f32 v0, v54;
	v3 =	vmul.f32 v55, v1;
	s31 =	spop (v2sf)  }
0x120: {  	v59 =	vld [tilespmem:s24+$0x200];
	s30 =	sadd.f32 s30, s31  }
0x121: {  	v4 =	vmul.f32 v56, v2;
	v5 =	vadd.f32 v3, v57;
	v3 =	vbroadcast v53, $0x3;
	s31 =	spop (v2sf)  }
0x122: {  	v60 =	vld [tilespmem:s24+$0x280];
	s30 =	sadd.f32 s30, s31  }
0x123: {  	v5 =	vadd.f32 v4, v5;
	v6 =	vmul.f32 v58, v3;
	v4 =	vbroadcast v53, $0x4;
	s31 =	spop (v2sf)  }
0x124: {  	v61 =	vld [tilespmem:s24+$0x300];
	s30 =	sadd.f32 s30, s31  }
0x125: {  	v6 =	vadd.f32 v6, v5;
	v7 =	vmul.f32 v59, v4;
	v5 =	vbroadcast v53, $0x5;
	s31 =	spop (v2sf)  }
0x126: {  	s30 =	sadd.f32 s30, s31  }
0x127: {  	v62 =	vld [tilespmem:s24+$0x380];
	v7 =	vadd.f32 v7, v6;
	v8 =	vmul.f32 v60, v5;
	v6 =	vbroadcast v53, $0x6;
	s31 =	spop (v2sf)  }
0x128: {  	s30 =	sadd.f32 s30, s31  }
0x129: {  	v16 =	vld [tilespmem:s24+$0x400];
	v8 =	vadd.f32 v8, v7;
	v9 =	vmul.f32 v61, v6;
	s31 =	spop (v2sf)  }
0x12a: {  	v7 =	vbroadcast v53, $0x7;
	s30 =	sadd.f32 s30, s31  }
0x12b: {  	v17 =	vld [tilespmem:s24+$0x480];
	v9 =	vadd.f32 v9, v8  }
0x12c: {  	v11 =	vmul.f32 v62, v7;
	v8 =	vbroadcast v53, $0x8;
	v63 =	vmov s30  }
0x12d: {  	(erf) = vrcp.f32 v63  }
0x12e: {  	v18 =	vld [tilespmem:s24+$0x500];
	v11 =	vadd.f32 v11, v9;
	v13 =	vmul.f32 v16, v8;
	v9 =	vbroadcast v53, $0x9;
	_ =	sdelay $0x1  }
0x12f: {  	v11 =	vadd.f32 v13, v11;
	v12 =	vmul.f32 v17, v9  }
0x130: {  	v10 =	vbroadcast v53, $0xA  }
0x131: {  	v11 =	vadd.f32 v12, v11  }
0x132: {  	v19 =	vmul.f32 v18, v10;
	_ =	sdelay $0x1  }
0x133: {  	v12 =	vadd.f32 v19, v11  }
0x134: {  	v11 =	vpop (erf)  }
0x135: {  	v12 =	vmul.f32 v11, v12;
	_ =	sdelay $0x1  }
0x136: {  	[tilespmem:s26+$0x0] =	vst v12  }
0x137: {  	v12 =	vld [tilespmem:s24+$0x10]  }
0x138: {  	v20 =	vld [tilespmem:s24+$0x90];
	_ =	sdelay $0x1  }
0x139: {  	v21 =	vld [tilespmem:s24+$0x110];
	_ =	sdelay $0x1  }
0x13a: {  	v22 =	vld [tilespmem:s24+$0x190]  }
0x13b: {  	v12 =	vmul.f32 v12, v0;
	v13 =	vmul.f32 v20, v1  }
0x13c: {  	v23 =	vld [tilespmem:s24+$0x210]  }
0x13d: {  	v24 =	vmul.f32 v21, v2;
	v12 =	vadd.f32 v13, v12  }
0x13e: {  	v25 =	vld [tilespmem:s24+$0x290]  }
0x13f: {  	v26 =	vmul.f32 v22, v3;
	v12 =	vadd.f32 v24, v12  }
0x140: {  	v27 =	vld [tilespmem:s24+$0x310]  }
0x141: {  	v28 =	vmul.f32 v23, v4;
	v12 =	vadd.f32 v26, v12  }
0x142: {  	v29 =	vld [tilespmem:s24+$0x390]  }
0x143: {  	v30 =	vmul.f32 v25, v5;
	v12 =	vadd.f32 v28, v12  }
0x144: {  	v31 =	vld [tilespmem:s24+$0x410]  }
0x145: {  	v32 =	vmul.f32 v27, v6;
	v12 =	vadd.f32 v30, v12  }
0x146: {  	v33 =	vld [tilespmem:s24+$0x490]  }
0x147: {  	v34 =	vmul.f32 v29, v7;
	v12 =	vadd.f32 v32, v12  }
0x148: {  	v35 =	vld [tilespmem:s24+$0x510]  }
0x149: {  	v36 =	vmul.f32 v31, v8;
	v12 =	vadd.f32 v34, v12;
	_ =	sdelay $0x1  }
0x14a: {  	v37 =	vmul.f32 v33, v9;
	v12 =	vadd.f32 v36, v12;
	_ =	sdelay $0x1  }
0x14b: {  	v38 =	vmul.f32 v35, v10;
	v12 =	vadd.f32 v37, v12;
	_ =	sdelay $0x1  }
0x14c: {  	v12 =	vadd.f32 v38, v12;
	_ =	sdelay $0x1  }
0x14d: {  	v12 =	vmul.f32 v12, v11;
	_ =	sdelay $0x1  }
0x14e: {  	[tilespmem:s26+$0x10] =	vst v12  }
0x14f: {  	v12 =	vld [tilespmem:s24+$0x20]  }
0x150: {  	v39 =	vld [tilespmem:s24+$0xA0];
	_ =	sdelay $0x1  }
0x151: {  	v40 =	vld [tilespmem:s24+$0x120];
	_ =	sdelay $0x1  }
0x152: {  	v41 =	vld [tilespmem:s24+$0x1A0]  }
0x153: {  	v12 =	vmul.f32 v12, v0;
	v13 =	vmul.f32 v39, v1  }
0x154: {  	v42 =	vld [tilespmem:s24+$0x220]  }
0x155: {  	v43 =	vmul.f32 v40, v2;
	v12 =	vadd.f32 v13, v12  }
0x156: {  	v44 =	vld [tilespmem:s24+$0x2A0]  }
0x157: {  	v45 =	vmul.f32 v41, v3;
	v12 =	vadd.f32 v43, v12  }
0x158: {  	v46 =	vld [tilespmem:s24+$0x320]  }
0x159: {  	v47 =	vmul.f32 v42, v4;
	v12 =	vadd.f32 v45, v12  }
0x15a: {  	v48 =	vld [tilespmem:s24+$0x3A0]  }
0x15b: {  	v49 =	vmul.f32 v44, v5;
	v12 =	vadd.f32 v47, v12  }
0x15c: {  	v50 =	vld [tilespmem:s24+$0x420]  }
0x15d: {  	v51 =	vmul.f32 v46, v6;
	v12 =	vadd.f32 v49, v12  }
0x15e: {  	v52 =	vld [tilespmem:s24+$0x4A0]  }
0x15f: {  	v53 =	vmul.f32 v48, v7;
	v12 =	vadd.f32 v51, v12  }
0x160: {  	v54 =	vld [tilespmem:s24+$0x520]  }
0x161: {  	v55 =	vmul.f32 v50, v8;
	v12 =	vadd.f32 v53, v12;
	_ =	sdelay $0x1  }
0x162: {  	v56 =	vmul.f32 v52, v9;
	v12 =	vadd.f32 v55, v12;
	_ =	sdelay $0x1  }
0x163: {  	v57 =	vmul.f32 v54, v10;
	v12 =	vadd.f32 v56, v12;
	_ =	sdelay $0x1  }
0x164: {  	v12 =	vadd.f32 v57, v12;
	_ =	sdelay $0x1  }
0x165: {  	v12 =	vmul.f32 v12, v11;
	_ =	sdelay $0x1  }
0x166: {  	[tilespmem:s26+$0x20] =	vst v12  }
0x167: {  	v12 =	vld [tilespmem:s24+$0x30]  }
0x168: {  	v58 =	vld [tilespmem:s24+$0xB0];
	_ =	sdelay $0x1  }
0x169: {  	v59 =	vld [tilespmem:s24+$0x130];
	_ =	sdelay $0x1  }
0x16a: {  	v60 =	vld [tilespmem:s24+$0x1B0]  }
0x16b: {  	v12 =	vmul.f32 v12, v0;
	v13 =	vmul.f32 v58, v1  }
0x16c: {  	v61 =	vld [tilespmem:s24+$0x230]  }
0x16d: {  	v62 =	vmul.f32 v59, v2;
	v12 =	vadd.f32 v13, v12  }
0x16e: {  	v63 =	vld [tilespmem:s24+$0x2B0]  }
0x16f: {  	v20 =	vmul.f32 v60, v3;
	v12 =	vadd.f32 v62, v12  }
0x170: {  	v21 =	vld [tilespmem:s24+$0x330]  }
0x171: {  	v22 =	vmul.f32 v61, v4;
	v12 =	vadd.f32 v20, v12  }
0x172: {  	v23 =	vld [tilespmem:s24+$0x3B0]  }
0x173: {  	v24 =	vmul.f32 v63, v5;
	v12 =	vadd.f32 v22, v12  }
0x174: {  	v25 =	vld [tilespmem:s24+$0x430]  }
0x175: {  	v26 =	vmul.f32 v21, v6;
	v12 =	vadd.f32 v24, v12  }
0x176: {  	v27 =	vld [tilespmem:s24+$0x4B0]  }
0x177: {  	v28 =	vmul.f32 v23, v7;
	v12 =	vadd.f32 v26, v12  }
0x178: {  	v29 =	vld [tilespmem:s24+$0x530]  }
0x179: {  	v30 =	vmul.f32 v25, v8;
	v12 =	vadd.f32 v28, v12;
	_ =	sdelay $0x1  }
0x17a: {  	v31 =	vmul.f32 v27, v9;
	v12 =	vadd.f32 v30, v12;
	_ =	sdelay $0x1  }
0x17b: {  	v32 =	vmul.f32 v29, v10;
	v12 =	vadd.f32 v31, v12;
	_ =	sdelay $0x1  }
0x17c: {  	v12 =	vadd.f32 v32, v12;
	_ =	sdelay $0x1  }
0x17d: {  	v12 =	vmul.f32 v12, v11;
	_ =	sdelay $0x1  }
0x17e: {  	[tilespmem:s26+$0x30] =	vst v12  }
0x17f: {  	v12 =	vld [tilespmem:s24+$0x40]  }
0x180: {  	v33 =	vld [tilespmem:s24+$0xC0];
	_ =	sdelay $0x1  }
0x181: {  	v34 =	vld [tilespmem:s24+$0x140];
	_ =	sdelay $0x1  }
0x182: {  	v35 =	vld [tilespmem:s24+$0x1C0]  }
0x183: {  	v12 =	vmul.f32 v12, v0;
	v13 =	vmul.f32 v33, v1  }
0x184: {  	v36 =	vld [tilespmem:s24+$0x240]  }
0x185: {  	v37 =	vmul.f32 v34, v2;
	v12 =	vadd.f32 v13, v12  }
0x186: {  	v38 =	vld [tilespmem:s24+$0x2C0]  }
0x187: {  	v39 =	vmul.f32 v35, v3;
	v12 =	vadd.f32 v37, v12  }
0x188: {  	v40 =	vld [tilespmem:s24+$0x340]  }
0x189: {  	v41 =	vmul.f32 v36, v4;
	v12 =	vadd.f32 v39, v12  }
0x18a: {  	v42 =	vld [tilespmem:s24+$0x3C0]  }
0x18b: {  	v43 =	vmul.f32 v38, v5;
	v12 =	vadd.f32 v41, v12  }
0x18c: {  	v44 =	vld [tilespmem:s24+$0x440]  }
0x18d: {  	v45 =	vmul.f32 v40, v6;
	v12 =	vadd.f32 v43, v12  }
0x18e: {  	v46 =	vld [tilespmem:s24+$0x4C0]  }
0x18f: {  	v47 =	vmul.f32 v42, v7;
	v12 =	vadd.f32 v45, v12  }
0x190: {  	v48 =	vld [tilespmem:s24+$0x540]  }
0x191: {  	v49 =	vmul.f32 v44, v8;
	v12 =	vadd.f32 v47, v12;
	_ =	sdelay $0x1  }
0x192: {  	v50 =	vmul.f32 v46, v9;
	v12 =	vadd.f32 v49, v12;
	_ =	sdelay $0x1  }
0x193: {  	v51 =	vmul.f32 v48, v10;
	v12 =	vadd.f32 v50, v12;
	_ =	sdelay $0x1  }
0x194: {  	v12 =	vadd.f32 v51, v12;
	_ =	sdelay $0x1  }
0x195: {  	v12 =	vmul.f32 v12, v11;
	_ =	sdelay $0x1  }
0x196: {  	[tilespmem:s26+$0x40] =	vst v12  }
0x197: {  	v12 =	vld [tilespmem:s24+$0x50]  }
0x198: {  	v52 =	vld [tilespmem:s24+$0xD0];
	_ =	sdelay $0x1  }
0x199: {  	v53 =	vld [tilespmem:s24+$0x150];
	_ =	sdelay $0x1  }
0x19a: {  	v54 =	vld [tilespmem:s24+$0x1D0]  }
0x19b: {  	v12 =	vmul.f32 v12, v0;
	v13 =	vmul.f32 v52, v1  }
0x19c: {  	v55 =	vld [tilespmem:s24+$0x250]  }
0x19d: {  	v56 =	vmul.f32 v53, v2;
	v12 =	vadd.f32 v13, v12  }
0x19e: {  	v57 =	vld [tilespmem:s24+$0x2D0]  }
0x19f: {  	v58 =	vmul.f32 v54, v3;
	v12 =	vadd.f32 v56, v12  }
0x1a0: {  	v59 =	vld [tilespmem:s24+$0x350]  }
0x1a1: {  	v60 =	vmul.f32 v55, v4;
	v12 =	vadd.f32 v58, v12  }
0x1a2: {  	v61 =	vld [tilespmem:s24+$0x3D0]  }
0x1a3: {  	v62 =	vmul.f32 v57, v5;
	v12 =	vadd.f32 v60, v12  }
0x1a4: {  	v63 =	vld [tilespmem:s24+$0x450]  }
0x1a5: {  	v19 =	vmul.f32 v59, v6;
	v12 =	vadd.f32 v62, v12  }
0x1a6: {  	v20 =	vld [tilespmem:s24+$0x4D0]  }
0x1a7: {  	v21 =	vmul.f32 v61, v7;
	v12 =	vadd.f32 v19, v12  }
0x1a8: {  	v22 =	vld [tilespmem:s24+$0x550]  }
0x1a9: {  	v23 =	vmul.f32 v63, v8;
	v12 =	vadd.f32 v21, v12;
	_ =	sdelay $0x1  }
0x1aa: {  	v24 =	vmul.f32 v20, v9;
	v12 =	vadd.f32 v23, v12;
	_ =	sdelay $0x1  }
0x1ab: {  	v25 =	vmul.f32 v22, v10;
	v12 =	vadd.f32 v24, v12;
	_ =	sdelay $0x1  }
0x1ac: {  	v12 =	vadd.f32 v25, v12;
	_ =	sdelay $0x1  }
0x1ad: {  	v12 =	vmul.f32 v12, v11;
	_ =	sdelay $0x1  }
0x1ae: {  	[tilespmem:s26+$0x50] =	vst v12  }
0x1af: {  	v12 =	vld [tilespmem:s24+$0x60]  }
0x1b0: {  	v26 =	vld [tilespmem:s24+$0xE0];
	_ =	sdelay $0x1  }
0x1b1: {  	v27 =	vld [tilespmem:s24+$0x160];
	_ =	sdelay $0x1  }
0x1b2: {  	v28 =	vld [tilespmem:s24+$0x1E0]  }
0x1b3: {  	v12 =	vmul.f32 v12, v0;
	v13 =	vmul.f32 v26, v1  }
0x1b4: {  	v29 =	vld [tilespmem:s24+$0x260]  }
0x1b5: {  	v30 =	vmul.f32 v27, v2;
	v12 =	vadd.f32 v13, v12  }
0x1b6: {  	v31 =	vld [tilespmem:s24+$0x2E0]  }
0x1b7: {  	v32 =	vmul.f32 v28, v3;
	v12 =	vadd.f32 v30, v12  }
0x1b8: {  	v33 =	vld [tilespmem:s24+$0x360]  }
0x1b9: {  	v34 =	vmul.f32 v29, v4;
	v12 =	vadd.f32 v32, v12  }
0x1ba: {  	v35 =	vld [tilespmem:s24+$0x3E0]  }
0x1bb: {  	v36 =	vmul.f32 v31, v5;
	v12 =	vadd.f32 v34, v12  }
0x1bc: {  	v37 =	vld [tilespmem:s24+$0x460]  }
0x1bd: {  	v38 =	vmul.f32 v33, v6;
	v12 =	vadd.f32 v36, v12  }
0x1be: {  	v39 =	vld [tilespmem:s24+$0x4E0]  }
0x1bf: {  	v40 =	vmul.f32 v35, v7;
	v12 =	vadd.f32 v38, v12  }
0x1c0: {  	v41 =	vld [tilespmem:s24+$0x560]  }
0x1c1: {  	v42 =	vmul.f32 v37, v8;
	v12 =	vadd.f32 v40, v12;
	_ =	sdelay $0x1  }
0x1c2: {  	v43 =	vmul.f32 v39, v9;
	v12 =	vadd.f32 v42, v12;
	_ =	sdelay $0x1  }
0x1c3: {  	v44 =	vmul.f32 v41, v10;
	v12 =	vadd.f32 v43, v12;
	_ =	sdelay $0x1  }
0x1c4: {  	v12 =	vadd.f32 v44, v12;
	_ =	sdelay $0x1  }
0x1c5: {  	v12 =	vmul.f32 v12, v11;
	_ =	sdelay $0x1  }
0x1c6: {  	[tilespmem:s26+$0x60] =	vst v12  }
0x1c7: {  	v12 =	vld [tilespmem:s24+$0x70]  }
0x1c8: {  	v45 =	vld [tilespmem:s24+$0xF0];
	_ =	sdelay $0x1  }
0x1c9: {  	v46 =	vld [tilespmem:s24+$0x170];
	_ =	sdelay $0x1  }
0x1ca: {  	v47 =	vld [tilespmem:s24+$0x1F0]  }
0x1cb: {  	v0 =	vmul.f32 v12, v0;
	v1 =	vmul.f32 v45, v1  }
0x1cc: {  	v48 =	vld [tilespmem:s24+$0x270]  }
0x1cd: {  	v49 =	vmul.f32 v46, v2;
	v0 =	vadd.f32 v1, v0  }
0x1ce: {  	v50 =	vld [tilespmem:s24+$0x2F0]  }
0x1cf: {  	v51 =	vmul.f32 v47, v3;
	v0 =	vadd.f32 v49, v0  }
0x1d0: {  	v52 =	vld [tilespmem:s24+$0x370]  }
0x1d1: {  	v53 =	vmul.f32 v48, v4;
	v0 =	vadd.f32 v51, v0  }
0x1d2: {  	v54 =	vld [tilespmem:s24+$0x3F0]  }
0x1d3: {  	v55 =	vmul.f32 v50, v5;
	v0 =	vadd.f32 v53, v0  }
0x1d4: {  	v56 =	vld [tilespmem:s24+$0x470]  }
0x1d5: {  	v57 =	vmul.f32 v52, v6;
	v0 =	vadd.f32 v55, v0  }
0x1d6: {  	v58 =	vld [tilespmem:s24+$0x4F0]  }
0x1d7: {  	v59 =	vmul.f32 v54, v7;
	v0 =	vadd.f32 v57, v0  }
0x1d8: {  	v60 =	vld [tilespmem:s24+$0x570]  }
0x1d9: {  	v61 =	vmul.f32 v56, v8;
	v0 =	vadd.f32 v59, v0;
	_ =	sdelay $0x1  }
0x1da: {  	v62 =	vmul.f32 v58, v9;
	v0 =	vadd.f32 v61, v0;
	_ =	sdelay $0x1  }
0x1db: {  	s25 =	sadd.s32 $0x2, s25;
	v63 =	vmul.f32 v60, v10;
	v0 =	vadd.f32 v62, v0  }
0x1dc: {  	p1 =	slt.u32 s25, $0x1E  }
.Ltmp4:
0x1dd: {  	v0 =	vadd.f32 v63, v0;
	(pc) =	sbr.rel @p1 .LBB2_8-.Ltmp4, $4  }
0x1de: {  	_ = 	snop  }
0x1df: {  	v0 =	vmul.f32 v0, v11  }
0x1e0: {  	s29 =	sadd.s32 $0x16, s29  }
0x1e1: {  	s28 =	sadd.s32 $0x16, s28;
	s24 =	sadd.s32 $0xB00, s24;
	[tilespmem:s26+$0x70] =	vst v0;
	s26 =	sadd.s32 $0x100, s26  }
0x1e2: {  	p1 =	sne.s32 s22, $0x4  }
.Ltmp5:
0x1e3: {  	s24 =	sshll.u32 s23, $0xC;
	(pc) =	sbr.rel @p1 .LBB2_2-.Ltmp5, $4  }
0x1e4: {  	s31 =	sshll.u32 s23, $0x9;
	p0 =	por !p0, !p0;
	s24 =	sand.u32 $0x3FFFF000, s24  }
0x1e5: {  	s19 =	sadd.s32 $0x160, s19;
	s23 =	sadd.s32 s31, s7;
	s24 =	sadd.s32 $0x17200, s24  }
0x1e6: {  	[hbm4b:s23+s3] =	stream.linear.scatter [tilespmem:s24], [sflag:$0x4], $0x1000, $0x38;
	[tilespmem:$0x1B200] =	vst v63  }
0x1e7: {  	s20 =	sadd.s32 $0x160, s20;
	s21 =	sadd.s32 $0x1000, s21;
	s23 =	smov.u32 s22  }
0x1e8: {  	_ =	swait.ge [sflag:s16], $0x1000  }
0x1e9: {  	[sflag:s16] =	ssyncset.done $0x0  }
0x1ea: {  	[sflag:s16] =	ssyncadd.s32 $0xFFFFF000  }
0x1eb: {  	_ =	swait.ge [sflag:s16], $0x1000  }
0x1ec: {  	[sflag:s16] =	ssyncset.done $0x0  }
0x1ed: {  	s18 =	sadd.s32 $0x1, s18;
	[sflag:s16] =	ssyncadd.s32 $0xFFFFF000  }
0x1ee: {  	p0 =	sne.s32 s18, s8;
	_ =	swait.ge [sflag:s16], $0x1000  }
.Ltmp6:
0x1ef: {  	[sflag:s16] =	ssyncset.done $0x0;
	(pc) =	sbr.rel @p0 .LBB2_1-.Ltmp6, $4  }
0x1f0: {  	[sflag:s16] =	ssyncadd.s32 $0xFFFFF000  }
0x1f1: {  	_ =	swait.ge [sflag:s16], $0x1000  }
0x1f2: {  	[sflag:s16] =	ssyncset.done $0x0  }
0x1f3: {  	[sflag:s16] =	ssyncadd.s32 $0xFFFFF000  }
0x1f4: {  	_ =	sfence.sel $0x180000  }
0x1f5: {  	[bflag:$0x0] =	sbarrier.arrive $0xFFFF  }
0x1f6: {  	p0 =	sne.s32 s0, $0x0;
	_ =	strace $0x9000004D  }
0x1f7: {  	s0 =	sadd.s32 @!p0 $0x100000, s1;
	[bflag:$0x2] =	sbarrier.arrive $0xFFFF  }
0x1f8: {  	[sflag:s0] =	ssyncadd.tile.s32 @!p0 $0x1;
	_ =	shalt  }
.Lfunc_end2:
_tile_overlayer_lowered:
.L_overlay_start_2:
0x1f9: {  	(tag) =	ssettag $0x2  }
0x1fa: {  	s0 =	rddreg [dreg:$0x0];
	s2 =	stileid.u32  }
0x1fb: {  	s1 =	rddreg [dreg:$0x1];
	p0 =	sne.s32 s2, $0x0  }
0x1fc: {  	s3 =	rddreg [dreg:$0x2];
	[bflag:$0x3] =	sbarrier.arrive $0xFFFF;
	s2 =	simm.s32 @!p0 $0x1C05  }
0x1fd: {  	[timem:s3], [sflag:s2] =	dma.local @!p0 [hbm:s0], s1  }
0x1fe: {  	s0 =	simm.s32 @!p0 $0x5  }
0x1ff: {  	_ =	swait.ge @!p0 [sflag:s0], s1  }
0x200: {  	s1 =	ssub.s32 @!p0 $0x0, s1;
	[sflag:s0] =	ssyncset.done @!p0 $0x0  }
0x201: {  	[sflag:s0] =	ssyncadd.s32 @!p0 s1  }
0x202: {  	[bflag:$0x3] =	sbarrier.arrive $0xFFFF  }
0x203: {  	_ =	shalt  }

</sc_bundles>
